<compile_context>
chip_gen: v7x
topology: tpu7x:2x2x1
jax: 0.10.2.dev20260603
libtpu: 0.0.44.dev20260713+nightly
codegen_flags: <defaults>
</compile_context>

<pallas_src>
import jax
import jax.numpy as jnp
from jax import lax
from jax.experimental import pallas as pl
from jax.experimental.pallas import tpu as pltpu
from jax.experimental.pallas import tpu_sc as plsc

N = 10000
D = 128
NC = 2
NS = 16
NW = NC * NS
CH = 128
K = 80
E_PAD = NW * K * CH
N_PAD = 10112
RPT = N_PAD // NS


def _make_sc_agg(W, CHB):
    mesh = plsc.VectorSubcoreMesh(core_axis_name="c", subcore_axis_name="s")
    out_type = jax.ShapeDtypeStruct((NC, N_PAD, W), jnp.float32)
    KT = E_PAD // (NW * CHB)
    KH = KT // 2
    NB = 2
    RND = KH // NB
    scratch = [
        pltpu.VMEM((KH, CHB), jnp.int32),
        pltpu.VMEM((KH, CHB), jnp.int32),
        [pltpu.VMEM((CHB, W), jnp.float32) for _ in range(NB)],
        [pltpu.SemaphoreType.DMA for _ in range(NB)],
        pltpu.VMEM_SHARED((N_PAD, W), jnp.float32),
    ]

    def body(table, srcs, dsts, out, src_v, dst_v, rbufs, sems, acc):
        c = lax.axis_index("c")
        s = lax.axis_index("s")
        w = c * NS + s
        rows = rbufs[0]

        @pl.loop(0, CHB)
        def _(i):
            @pl.loop(0, W, step=16)
            def _(j):
                rows[i, pl.ds(j, 16)] = jnp.zeros((16,), jnp.float32)

        base = s * RPT
        off = 0
        while off + CHB <= RPT:
            pltpu.sync_copy(rows, acc.at[pl.ds(base + off, CHB)])
            off += CHB
        if off < RPT:
            pltpu.sync_copy(rows.at[pl.ds(0, RPT - off)],
                            acc.at[pl.ds(base + off, RPT - off)])
        plsc.subcore_barrier()

        def wait_gather(b):
            pltpu.make_async_copy(table.at[src_v.at[0]], rbufs[b],
                                  sems[b]).wait()

        def wait_scatter(b):
            pltpu.make_async_copy(rbufs[b], acc.at[dst_v.at[0]],
                                  sems[b]).wait()

        ebase = w * KT
        for half in range(2):
            pltpu.sync_copy(srcs.at[pl.ds(ebase + half * KH, KH)], src_v)
            pltpu.sync_copy(dsts.at[pl.ds(ebase + half * KH, KH)], dst_v)
            pltpu.async_copy(table.at[src_v.at[0]], rbufs[0], sems[0])

            @pl.loop(0, RND)
            def _(r):
                pltpu.async_copy(table.at[src_v.at[2 * r + 1]], rbufs[1],
                                 sems[1])
                wait_gather(0)
                pltpu.async_copy(rbufs[0], acc.at[dst_v.at[2 * r]],
                                 sems[0], add=True)
                wait_scatter(0)

                @pl.when(r < RND - 1)
                def _():
                    pltpu.async_copy(table.at[src_v.at[2 * r + 2]], rbufs[0],
                                     sems[0])
                wait_gather(1)
                pltpu.async_copy(rbufs[1], acc.at[dst_v.at[2 * r + 1]],
                                 sems[1], add=True)
                wait_scatter(1)

        plsc.subcore_barrier()
        pltpu.sync_copy(acc.at[pl.ds(base, RPT)],
                        out.at[c].at[pl.ds(base, RPT)])

    return pl.kernel(body, out_type=out_type, mesh=mesh,
                     scratch_types=scratch)


_sc_agg = _make_sc_agg(D, 128)


def _make_sc_counts():
    mesh = plsc.VectorSubcoreMesh(core_axis_name="c", subcore_axis_name="s")
    out_type = jax.ShapeDtypeStruct((NC, N_PAD, D), jnp.float32)
    KT = K
    KH = KT // 2
    NB = 2
    RND = KH // NB
    scratch = [
        pltpu.VMEM((KH, CH), jnp.int32),
        pltpu.VMEM((CH, D), jnp.float32),
        pltpu.VMEM((CH, D), jnp.float32),
        [pltpu.SemaphoreType.DMA for _ in range(NB)],
        pltpu.VMEM_SHARED((N_PAD, D), jnp.float32),
    ]

    def body(dsts, out, dst_v, rows, ones_v, sems, acc):
        c = lax.axis_index("c")
        s = lax.axis_index("s")
        w = c * NS + s

        @pl.loop(0, CH)
        def _(i):
            @pl.loop(0, D, step=16)
            def _(j):
                rows[i, pl.ds(j, 16)] = jnp.zeros((16,), jnp.float32)
                ones_v[i, pl.ds(j, 16)] = jnp.ones((16,), jnp.float32)

        base = s * RPT
        off = 0
        while off + CH <= RPT:
            pltpu.sync_copy(rows, acc.at[pl.ds(base + off, CH)])
            off += CH
        if off < RPT:
            pltpu.sync_copy(rows.at[pl.ds(0, RPT - off)],
                            acc.at[pl.ds(base + off, RPT - off)])
        plsc.subcore_barrier()

        ebase = w * KT
        for half in range(2):
            pltpu.sync_copy(dsts.at[pl.ds(ebase + half * KH, KH)], dst_v)

            @pl.loop(0, RND)
            def _(r):
                for b in range(NB):
                    pltpu.async_copy(ones_v, acc.at[dst_v.at[NB * r + b]],
                                     sems[b], add=True)
                for b in range(NB):
                    pltpu.make_async_copy(ones_v, acc.at[dst_v.at[0]],
                                          sems[b]).wait()

        plsc.subcore_barrier()
        pltpu.sync_copy(acc.at[pl.ds(base, RPT)],
                        out.at[c].at[pl.ds(base, RPT)])

    return pl.kernel(body, out_type=out_type, mesh=mesh,
                     scratch_types=scratch)


_sc_counts = _make_sc_counts()


def _layer1_body(p0, p1, c0, c1, x, wl, bl, wr, o):
    cnt = jnp.maximum(c0[0, :, 0:1] + c1[0, :, 0:1], 1.0)
    mean = (p0[0] + p1[0]) / cnt
    h = lax.dot_general(mean, wl[...], (((1,), (1,)), ((), ())),
                        preferred_element_type=jnp.float32)
    h += lax.dot_general(x[...], wr[...], (((1,), (1,)), ((), ())),
                         preferred_element_type=jnp.float32)
    o[...] = jnp.maximum(h + bl[...], 0.0)


def _layer2_body(p0, p1, c0, c1, x, wl, bl, wr, wlin, blin, o):
    cnt = jnp.maximum(c0[0, :, 0:1] + c1[0, :, 0:1], 1.0)
    mean = (p0[0] + p1[0]) / cnt
    h = lax.dot_general(mean, wl[...], (((1,), (1,)), ((), ())),
                        preferred_element_type=jnp.float32)
    h += lax.dot_general(x[...], wr[...], (((1,), (1,)), ((), ())),
                         preferred_element_type=jnp.float32)
    h = jnp.maximum(h + bl[...], 0.0)
    z = lax.dot_general(h, wlin[...], (((1,), (1,)), ((), ())),
                        preferred_element_type=jnp.float32) + blin[...]
    m = jnp.max(z, axis=1, keepdims=True)
    lse = m + jnp.log(jnp.sum(jnp.exp(z - m), axis=1, keepdims=True))
    o[...] = z - lse


BLK = 1000


def _row_spec():
    return pl.BlockSpec((BLK, D), lambda i: (i, 0))


def _part_spec(cc):
    return pl.BlockSpec((1, BLK, D), lambda i: (cc, i, 0))


def _cnt_spec(cc):
    return pl.BlockSpec((1, BLK, D), lambda i: (cc, i, 0))


def _full_spec(shape):
    return pl.BlockSpec(shape, lambda i: tuple(0 for _ in shape))


def _tc_layer1(P, C, x, W_l, b_l, W_r):
    return pl.pallas_call(
        _layer1_body,
        grid=(N // BLK,),
        in_specs=[_part_spec(0), _part_spec(1), _cnt_spec(0), _cnt_spec(1),
                  _row_spec(), _full_spec((D, D)), _full_spec((1, D)),
                  _full_spec((D, D))],
        out_specs=_row_spec(),
        out_shape=jax.ShapeDtypeStruct((N, D), jnp.float32),
    )(P, P, C, C, x, W_l, b_l.reshape(1, D), W_r)


def _tc_layer2(P, C, h1, W_l, b_l, W_r, W_lin, b_lin):
    return pl.pallas_call(
        _layer2_body,
        grid=(N // BLK,),
        in_specs=[_part_spec(0), _part_spec(1), _cnt_spec(0), _cnt_spec(1),
                  _row_spec(), _full_spec((D, D)), _full_spec((1, D)),
                  _full_spec((D, D)), _full_spec((2, D)), _full_spec((1, 2))],
        out_specs=pl.BlockSpec((BLK, 2), lambda i: (i, 0)),
        out_shape=jax.ShapeDtypeStruct((N, 2), jnp.float32),
    )(P, P, C, C, h1, W_l, b_l.reshape(1, D), W_r, W_lin,
      b_lin.reshape(1, 2))


def kernel(x, edge_index, W_l1, b_l1, W_r1, W_l2, b_l2, W_r2, W_lin, b_lin):
    ei = edge_index.astype(jnp.int32)
    pad = E_PAD - ei.shape[1]
    pad_src = (jnp.arange(pad, dtype=jnp.int32) * 131) % N
    pad_dst = N + jnp.arange(pad, dtype=jnp.int32) % (N_PAD - N)
    src = jnp.concatenate([ei[0], pad_src])
    dst = jnp.concatenate([ei[1], pad_dst])
    src = src.reshape(NW * K, CH)
    dst = dst.reshape(NW * K, CH)

    C = _sc_counts(dst)
    P = _sc_agg(x, src, dst)
    h1 = _tc_layer1(P, C, x, W_l1, b_l1, W_r1)
    P2 = _sc_agg(h1, src, dst)
    return _tc_layer2(P2, C, h1, W_l2, b_l2, W_r2, W_lin, b_lin)

# --- scband reference (transcript-rebuilt; emitter-appended) ---
"""Pipeline reference for scband-graphsage-27470610825589 (READ-ONLY COPY).

The authoritative reference and input builder live on the scoring server;
editing this copy changes nothing except your own understanding.
"""

import jax, jax.numpy as jnp
import numpy as np

N_NODES = 10000
N_EDGES = 320000
D_IN = 128
D_OUT = 128


def _sage_conv(x, edge_index, W_l, b_l, W_r):
    # PyG SAGEConv with mean aggregation:
    # out = lin_l(mean_{j in N(i)} x_j) + lin_r(x_i)
    src = edge_index[0]
    dst = edge_index[1]
    n = x.shape[0]
    msgs = jnp.take(x, src, axis=0)                                  # gather [E, d]
    agg = jax.ops.segment_sum(msgs, dst, num_segments=n)             # scatter-add [N, d]
    cnt = jax.ops.segment_sum(jnp.ones((msgs.shape[0],), dtype=x.dtype), dst, num_segments=n)
    mean = agg / jnp.clip(cnt, 1.0, None)[:, None]
    return mean @ W_l.T + b_l + x @ W_r.T


def setup_inputs(seed: int = 0) -> dict:
    key = jax.random.key(seed)
    ks = jax.random.split(key, 12)
    x = jax.random.normal(ks[0], (N_NODES, D_IN), dtype=jnp.float32)
    edge_index = jax.random.randint(ks[1], (2, N_EDGES), 0, N_NODES, dtype=jnp.int64)
    s1 = 1.0 / np.sqrt(D_IN)
    s2 = 1.0 / np.sqrt(D_OUT)
    W_l1 = jax.random.uniform(ks[2], (D_OUT, D_IN), jnp.float32, -s1, s1)
    b_l1 = jax.random.uniform(ks[3], (D_OUT,), jnp.float32, -s1, s1)
    W_r1 = jax.random.uniform(ks[4], (D_OUT, D_IN), jnp.float32, -s1, s1)
    W_l2 = jax.random.uniform(ks[5], (D_OUT, D_OUT), jnp.float32, -s2, s2)
    b_l2 = jax.random.uniform(ks[6], (D_OUT,), jnp.float32, -s2, s2)
    W_r2 = jax.random.uniform(ks[7], (D_OUT, D_OUT), jnp.float32, -s2, s2)
    W_lin = jax.random.uniform(ks[8], (2, D_OUT), jnp.float32, -s2, s2)
    b_lin = jax.random.uniform(ks[9], (2,), jnp.float32, -s2, s2)
    return {"x": x, "edge_index": edge_index,
            "W_l1": W_l1, "b_l1": b_l1, "W_r1": W_r1,
            "W_l2": W_l2, "b_l2": b_l2, "W_r2": W_r2,
            "W_lin": W_lin, "b_lin": b_lin}


def reference(x, edge_index, W_l1, b_l1, W_r1, W_l2, b_l2, W_r2, W_lin, b_lin):
    # eval mode: dropout is identity
    h = _sage_conv(x, edge_index, W_l1, b_l1, W_r1)
    h = jax.nn.relu(h)
    h = _sage_conv(h, edge_index, W_l2, b_l2, W_r2)
    h = jax.nn.relu(h)
    h = h @ W_lin.T + b_lin
    return jax.nn.log_softmax(h, axis=1)

if __name__ == "__main__":
    import jax
    _d = setup_inputs()
    print(jax.jit(kernel)(*tuple(_d.values())))

</pallas_src>

<mosaic_0001>
#map = affine_map<(d0, d1) -> (0, 0)>
#map1 = affine_map<(d0, d1) -> (0, 0, 0)>
module attributes {stable_mosaic.version = 14 : i64} {
  func.func @body(%arg0: i32, %arg1: i32, %arg2: memref<10000x128xf32, #tpu.memory_space<hbm>>, %arg3: memref<2560x128xi32, #tpu.memory_space<hbm>>, %arg4: memref<2560x128xi32, #tpu.memory_space<hbm>>, %arg5: memref<2x10112x128xf32, #tpu.memory_space<hbm>>, %arg6: memref<40x128xi32, #tpu.memory_space<vmem>>, %arg7: memref<40x128xi32, #tpu.memory_space<vmem>>, %arg8: memref<128x128xf32, #tpu.memory_space<vmem>>, %arg9: memref<128x128xf32, #tpu.memory_space<vmem>>, %arg10: memref<!tpu.dma_semaphore, #tpu.memory_space<semaphore_mem>>, %arg11: memref<!tpu.dma_semaphore, #tpu.memory_space<semaphore_mem>>, %arg12: memref<10112x128xf32, #tpu.memory_space<vmem_shared>>) attributes {dimension_semantics = [#tpu.dimension_semantics<core_parallel>, #tpu.dimension_semantics<subcore_parallel>], iteration_bounds = array<i64: 2, 16>, scalar_prefetch = 0 : i64, scratch_operands = 7 : i64, tpu.core_type = #tpu.core_type<sc_vector_subcore>, window_params = [{transform_indices = #map}, {transform_indices = #map}, {transform_indices = #map}, {transform_indices = #map1}]} {
    %mul3A = arith.constant 16 : i32
    %mul3A_0 = arith.muli %arg0, %mul3A : i32
    %add3A = arith.addi %mul3A_0, %arg1 : i32
    %scan3A = arith.constant 0 : i32
    %scan3A_1 = arith.constant 128 : i32
    %scan3A_2 = arith.addi %scan3A, %scan3A_1 : i32
    %scan3A_3 = arith.constant 1 : i32
    scf.for %scan3A_51 = %scan3A to %scan3A_2 step %scan3A_3  : i32 {
      %mul3A_52 = arith.constant 1 : i32
      %mul3A_53 = arith.muli %scan3A_51, %mul3A_52 : i32
      %add3A_54 = arith.constant 0 : i32
      %add3A_55 = arith.addi %add3A_54, %mul3A_53 : i32
      %scan3A_56 = arith.constant 0 : i32
      %scan3A_57 = arith.constant 8 : i32
      %scan3A_58 = arith.addi %scan3A_56, %scan3A_57 : i32
      %scan3A_59 = arith.constant 1 : i32
      scf.for %scan3A_61 = %scan3A_56 to %scan3A_58 step %scan3A_59  : i32 {
        %mul3A_62 = arith.constant 16 : i32
        %mul3A_63 = arith.muli %scan3A_61, %mul3A_62 : i32
        %add3A_64 = arith.constant 0 : i32
        %add3A_65 = arith.addi %add3A_64, %mul3A_63 : i32
        %broadcast_in_dim3A = arith.constant 0.000000e+00 : f32
        %broadcast_in_dim3A_66 = vector.broadcast %broadcast_in_dim3A : f32 to vector<16xf32>
        %swap3A = arith.index_cast %add3A_55 : i32 to index
        %swap3A_67 = arith.index_cast %add3A_65 : i32 to index
        %swap3A_68 = tpu.vector_load %arg8[%swap3A, %swap3A_67] {strides = array<i32>} : memref<128x128xf32, #tpu.memory_space<vmem>>, vector<1x16xf32>,
        %swap3A_69 = vector.shape_cast %swap3A_68 : vector<1x16xf32> to vector<16xf32>
        %swap3A_70 = vector.shape_cast %broadcast_in_dim3A_66 : vector<16xf32> to vector<1x16xf32>
        tpu.vector_store %arg8[%swap3A, %swap3A_67], %swap3A_70 {strides = array<i32>} : memref<128x128xf32, #tpu.memory_space<vmem>>, vector<1x16xf32>,
      }
      %scan3A_60 = arith.constant 8 : i32
    }
    %scan3A_4 = arith.constant 128 : i32
    %mul3A_5 = arith.constant 632 : i32
    %mul3A_6 = arith.muli %arg1, %mul3A_5 : i32
    %add3A_7 = arith.constant 0 : i32
    %add3A_8 = arith.addi %mul3A_6, %add3A_7 : i32
    "tpu.region"() ({
      %run_scoped3A = tpu.sem_alloc : memref<!tpu.dma_semaphore, #tpu.memory_space<semaphore_mem>>
      %dma_start3A_51 = arith.constant 0 : i32
      %dma_start3A_52 = tpu.memref_slice %arg12[%add3A_8, %dma_start3A_51] : memref<10112x128xf32, #tpu.memory_space<vmem_shared>> -> memref<128x128xf32, #tpu.memory_space<vmem_shared>>
      %dma_start3A_53 = arith.constant 0 : i32
      %dma_start3A_54 = tpu.memref_slice %arg12[%add3A_8, %dma_start3A_53] : memref<10112x128xf32, #tpu.memory_space<vmem_shared>> -> memref<128x128xf32, #tpu.memory_space<vmem_shared>>
      tpu.enqueue_dma source(%arg8 : memref<128x128xf32, #tpu.memory_space<vmem>>) target(%dma_start3A_54 : memref<128x128xf32, #tpu.memory_space<vmem_shared>>) target_semaphore(%run_scoped3A : memref<!tpu.dma_semaphore, #tpu.memory_space<semaphore_mem>>)
      %dma_wait3A = arith.constant 0 : i32
      %dma_wait3A_55 = tpu.memref_slice %arg12[%add3A_8, %dma_wait3A] : memref<10112x128xf32, #tpu.memory_space<vmem_shared>> -> memref<128x128xf32, #tpu.memory_space<vmem_shared>>
      %dma_wait3A_56 = arith.constant 0 : i32
      %dma_wait3A_57 = tpu.memref_slice %arg12[%add3A_8, %dma_wait3A_56] : memref<10112x128xf32, #tpu.memory_space<vmem_shared>> -> memref<128x128xf32, #tpu.memory_space<vmem_shared>>
      tpu.wait_dma2 semaphore(%run_scoped3A : memref<!tpu.dma_semaphore, #tpu.memory_space<semaphore_mem>>) src(%arg8 : memref<128x128xf32, #tpu.memory_space<vmem>>) dst(%dma_wait3A_57 : memref<128x128xf32, #tpu.memory_space<vmem_shared>>)
      tpu.yield
    }) : () -> ()
    %add3A_9 = arith.constant 128 : i32
    %add3A_10 = arith.addi %mul3A_6, %add3A_9 : i32
    "tpu.region"() ({
      %run_scoped3A = tpu.sem_alloc : memref<!tpu.dma_semaphore, #tpu.memory_space<semaphore_mem>>
      %dma_start3A_51 = arith.constant 0 : i32
      %dma_start3A_52 = tpu.memref_slice %arg12[%add3A_10, %dma_start3A_51] : memref<10112x128xf32, #tpu.memory_space<vmem_shared>> -> memref<128x128xf32, #tpu.memory_space<vmem_shared>>
      %dma_start3A_53 = arith.constant 0 : i32
      %dma_start3A_54 = tpu.memref_slice %arg12[%add3A_10, %dma_start3A_53] : memref<10112x128xf32, #tpu.memory_space<vmem_shared>> -> memref<128x128xf32, #tpu.memory_space<vmem_shared>>
      tpu.enqueue_dma source(%arg8 : memref<128x128xf32, #tpu.memory_space<vmem>>) target(%dma_start3A_54 : memref<128x128xf32, #tpu.memory_space<vmem_shared>>) target_semaphore(%run_scoped3A : memref<!tpu.dma_semaphore, #tpu.memory_space<semaphore_mem>>)
      %dma_wait3A = arith.constant 0 : i32
      %dma_wait3A_55 = tpu.memref_slice %arg12[%add3A_10, %dma_wait3A] : memref<10112x128xf32, #tpu.memory_space<vmem_shared>> -> memref<128x128xf32, #tpu.memory_space<vmem_shared>>
      %dma_wait3A_56 = arith.constant 0 : i32
      %dma_wait3A_57 = tpu.memref_slice %arg12[%add3A_10, %dma_wait3A_56] : memref<10112x128xf32, #tpu.memory_space<vmem_shared>> -> memref<128x128xf32, #tpu.memory_space<vmem_shared>>
      tpu.wait_dma2 semaphore(%run_scoped3A : memref<!tpu.dma_semaphore, #tpu.memory_space<semaphore_mem>>) src(%arg8 : memref<128x128xf32, #tpu.memory_space<vmem>>) dst(%dma_wait3A_57 : memref<128x128xf32, #tpu.memory_space<vmem_shared>>)
      tpu.yield
    }) : () -> ()
    %add3A_11 = arith.constant 256 : i32
    %add3A_12 = arith.addi %mul3A_6, %add3A_11 : i32
    "tpu.region"() ({
      %run_scoped3A = tpu.sem_alloc : memref<!tpu.dma_semaphore, #tpu.memory_space<semaphore_mem>>
      %dma_start3A_51 = arith.constant 0 : i32
      %dma_start3A_52 = tpu.memref_slice %arg12[%add3A_12, %dma_start3A_51] : memref<10112x128xf32, #tpu.memory_space<vmem_shared>> -> memref<128x128xf32, #tpu.memory_space<vmem_shared>>
      %dma_start3A_53 = arith.constant 0 : i32
      %dma_start3A_54 = tpu.memref_slice %arg12[%add3A_12, %dma_start3A_53] : memref<10112x128xf32, #tpu.memory_space<vmem_shared>> -> memref<128x128xf32, #tpu.memory_space<vmem_shared>>
      tpu.enqueue_dma source(%arg8 : memref<128x128xf32, #tpu.memory_space<vmem>>) target(%dma_start3A_54 : memref<128x128xf32, #tpu.memory_space<vmem_shared>>) target_semaphore(%run_scoped3A : memref<!tpu.dma_semaphore, #tpu.memory_space<semaphore_mem>>)
      %dma_wait3A = arith.constant 0 : i32
      %dma_wait3A_55 = tpu.memref_slice %arg12[%add3A_12, %dma_wait3A] : memref<10112x128xf32, #tpu.memory_space<vmem_shared>> -> memref<128x128xf32, #tpu.memory_space<vmem_shared>>
      %dma_wait3A_56 = arith.constant 0 : i32
      %dma_wait3A_57 = tpu.memref_slice %arg12[%add3A_12, %dma_wait3A_56] : memref<10112x128xf32, #tpu.memory_space<vmem_shared>> -> memref<128x128xf32, #tpu.memory_space<vmem_shared>>
      tpu.wait_dma2 semaphore(%run_scoped3A : memref<!tpu.dma_semaphore, #tpu.memory_space<semaphore_mem>>) src(%arg8 : memref<128x128xf32, #tpu.memory_space<vmem>>) dst(%dma_wait3A_57 : memref<128x128xf32, #tpu.memory_space<vmem_shared>>)
      tpu.yield
    }) : () -> ()
    %add3A_13 = arith.constant 384 : i32
    %add3A_14 = arith.addi %mul3A_6, %add3A_13 : i32
    "tpu.region"() ({
      %run_scoped3A = tpu.sem_alloc : memref<!tpu.dma_semaphore, #tpu.memory_space<semaphore_mem>>
      %dma_start3A_51 = arith.constant 0 : i32
      %dma_start3A_52 = tpu.memref_slice %arg12[%add3A_14, %dma_start3A_51] : memref<10112x128xf32, #tpu.memory_space<vmem_shared>> -> memref<128x128xf32, #tpu.memory_space<vmem_shared>>
      %dma_start3A_53 = arith.constant 0 : i32
      %dma_start3A_54 = tpu.memref_slice %arg12[%add3A_14, %dma_start3A_53] : memref<10112x128xf32, #tpu.memory_space<vmem_shared>> -> memref<128x128xf32, #tpu.memory_space<vmem_shared>>
      tpu.enqueue_dma source(%arg8 : memref<128x128xf32, #tpu.memory_space<vmem>>) target(%dma_start3A_54 : memref<128x128xf32, #tpu.memory_space<vmem_shared>>) target_semaphore(%run_scoped3A : memref<!tpu.dma_semaphore, #tpu.memory_space<semaphore_mem>>)
      %dma_wait3A = arith.constant 0 : i32
      %dma_wait3A_55 = tpu.memref_slice %arg12[%add3A_14, %dma_wait3A] : memref<10112x128xf32, #tpu.memory_space<vmem_shared>> -> memref<128x128xf32, #tpu.memory_space<vmem_shared>>
      %dma_wait3A_56 = arith.constant 0 : i32
      %dma_wait3A_57 = tpu.memref_slice %arg12[%add3A_14, %dma_wait3A_56] : memref<10112x128xf32, #tpu.memory_space<vmem_shared>> -> memref<128x128xf32, #tpu.memory_space<vmem_shared>>
      tpu.wait_dma2 semaphore(%run_scoped3A : memref<!tpu.dma_semaphore, #tpu.memory_space<semaphore_mem>>) src(%arg8 : memref<128x128xf32, #tpu.memory_space<vmem>>) dst(%dma_wait3A_57 : memref<128x128xf32, #tpu.memory_space<vmem_shared>>)
      tpu.yield
    }) : () -> ()
    %add3A_15 = arith.constant 512 : i32
    %add3A_16 = arith.addi %mul3A_6, %add3A_15 : i32
    "tpu.region"() ({
      %run_scoped3A = tpu.sem_alloc : memref<!tpu.dma_semaphore, #tpu.memory_space<semaphore_mem>>
      %dma_start3A_51 = arith.constant 0 : i32
      %dma_start3A_52 = arith.constant 0 : i32
      %dma_start3A_53 = tpu.memref_slice %arg8[%dma_start3A_51, %dma_start3A_52] : memref<128x128xf32, #tpu.memory_space<vmem>> -> memref<120x128xf32, #tpu.memory_space<vmem>>
      %dma_start3A_54 = arith.constant 0 : i32
      %dma_start3A_55 = tpu.memref_slice %arg12[%add3A_16, %dma_start3A_54] : memref<10112x128xf32, #tpu.memory_space<vmem_shared>> -> memref<120x128xf32, #tpu.memory_space<vmem_shared>>
      %dma_start3A_56 = arith.constant 0 : i32
      %dma_start3A_57 = tpu.memref_slice %arg12[%add3A_16, %dma_start3A_56] : memref<10112x128xf32, #tpu.memory_space<vmem_shared>> -> memref<120x128xf32, #tpu.memory_space<vmem_shared>>
      %dma_start3A_58 = arith.constant 0 : i32
      %dma_start3A_59 = arith.constant 0 : i32
      %dma_start3A_60 = tpu.memref_slice %arg8[%dma_start3A_58, %dma_start3A_59] : memref<128x128xf32, #tpu.memory_space<vmem>> -> memref<120x128xf32, #tpu.memory_space<vmem>>
      tpu.enqueue_dma source(%dma_start3A_60 : memref<120x128xf32, #tpu.memory_space<vmem>>) target(%dma_start3A_57 : memref<120x128xf32, #tpu.memory_space<vmem_shared>>) target_semaphore(%run_scoped3A : memref<!tpu.dma_semaphore, #tpu.memory_space<semaphore_mem>>)
      %dma_wait3A = arith.constant 0 : i32
      %dma_wait3A_61 = arith.constant 0 : i32
      %dma_wait3A_62 = tpu.memref_slice %arg8[%dma_wait3A, %dma_wait3A_61] : memref<128x128xf32, #tpu.memory_space<vmem>> -> memref<120x128xf32, #tpu.memory_space<vmem>>
      %dma_wait3A_63 = arith.constant 0 : i32
      %dma_wait3A_64 = tpu.memref_slice %arg12[%add3A_16, %dma_wait3A_63] : memref<10112x128xf32, #tpu.memory_space<vmem_shared>> -> memref<120x128xf32, #tpu.memory_space<vmem_shared>>
      %dma_wait3A_65 = arith.constant 0 : i32
      %dma_wait3A_66 = tpu.memref_slice %arg12[%add3A_16, %dma_wait3A_65] : memref<10112x128xf32, #tpu.memory_space<vmem_shared>> -> memref<120x128xf32, #tpu.memory_space<vmem_shared>>
      %dma_wait3A_67 = arith.constant 0 : i32
      %dma_wait3A_68 = arith.constant 0 : i32
      %dma_wait3A_69 = tpu.memref_slice %arg8[%dma_wait3A_67, %dma_wait3A_68] : memref<128x128xf32, #tpu.memory_space<vmem>> -> memref<120x128xf32, #tpu.memory_space<vmem>>
      tpu.wait_dma2 semaphore(%run_scoped3A : memref<!tpu.dma_semaphore, #tpu.memory_space<semaphore_mem>>) src(%dma_wait3A_69 : memref<120x128xf32, #tpu.memory_space<vmem>>) dst(%dma_wait3A_66 : memref<120x128xf32, #tpu.memory_space<vmem_shared>>)
      tpu.yield
    }) : () -> ()
    %barrier3A = arith.constant 0 : index
    tpu.barrier barrier_id(%barrier3A)
    %mul3A_17 = arith.constant 80 : i32
    %mul3A_18 = arith.muli %add3A, %mul3A_17 : i32
    %add3A_19 = arith.constant 0 : i32
    %add3A_20 = arith.addi %mul3A_18, %add3A_19 : i32
    "tpu.region"() ({
      %run_scoped3A = tpu.sem_alloc : memref<!tpu.dma_semaphore, #tpu.memory_space<semaphore_mem>>
      %dma_start3A_51 = arith.constant 0 : i32
      %dma_start3A_52 = tpu.memref_slice %arg3[%add3A_20, %dma_start3A_51] : memref<2560x128xi32, #tpu.memory_space<hbm>> -> memref<40x128xi32, #tpu.memory_space<hbm>>
      %dma_start3A_53 = arith.constant 0 : i32
      %dma_start3A_54 = tpu.memref_slice %arg3[%add3A_20, %dma_start3A_53] : memref<2560x128xi32, #tpu.memory_space<hbm>> -> memref<40x128xi32, #tpu.memory_space<hbm>>
      tpu.enqueue_dma source(%dma_start3A_54 : memref<40x128xi32, #tpu.memory_space<hbm>>) target(%arg6 : memref<40x128xi32, #tpu.memory_space<vmem>>) target_semaphore(%run_scoped3A : memref<!tpu.dma_semaphore, #tpu.memory_space<semaphore_mem>>)
      %dma_wait3A = arith.constant 0 : i32
      %dma_wait3A_55 = tpu.memref_slice %arg3[%add3A_20, %dma_wait3A] : memref<2560x128xi32, #tpu.memory_space<hbm>> -> memref<40x128xi32, #tpu.memory_space<hbm>>
      %dma_wait3A_56 = arith.constant 0 : i32
      %dma_wait3A_57 = tpu.memref_slice %arg3[%add3A_20, %dma_wait3A_56] : memref<2560x128xi32, #tpu.memory_space<hbm>> -> memref<40x128xi32, #tpu.memory_space<hbm>>
      tpu.wait_dma2 semaphore(%run_scoped3A : memref<!tpu.dma_semaphore, #tpu.memory_space<semaphore_mem>>) src(%dma_wait3A_57 : memref<40x128xi32, #tpu.memory_space<hbm>>) dst(%arg6 : memref<40x128xi32, #tpu.memory_space<vmem>>)
      tpu.yield
    }) : () -> ()
    %add3A_21 = arith.constant 0 : i32
    %add3A_22 = arith.addi %mul3A_18, %add3A_21 : i32
    "tpu.region"() ({
      %run_scoped3A = tpu.sem_alloc : memref<!tpu.dma_semaphore, #tpu.memory_space<semaphore_mem>>
      %dma_start3A_51 = arith.constant 0 : i32
      %dma_start3A_52 = tpu.memref_slice %arg4[%add3A_22, %dma_start3A_51] : memref<2560x128xi32, #tpu.memory_space<hbm>> -> memref<40x128xi32, #tpu.memory_space<hbm>>
      %dma_start3A_53 = arith.constant 0 : i32
      %dma_start3A_54 = tpu.memref_slice %arg4[%add3A_22, %dma_start3A_53] : memref<2560x128xi32, #tpu.memory_space<hbm>> -> memref<40x128xi32, #tpu.memory_space<hbm>>
      tpu.enqueue_dma source(%dma_start3A_54 : memref<40x128xi32, #tpu.memory_space<hbm>>) target(%arg7 : memref<40x128xi32, #tpu.memory_space<vmem>>) target_semaphore(%run_scoped3A : memref<!tpu.dma_semaphore, #tpu.memory_space<semaphore_mem>>)
      %dma_wait3A = arith.constant 0 : i32
      %dma_wait3A_55 = tpu.memref_slice %arg4[%add3A_22, %dma_wait3A] : memref<2560x128xi32, #tpu.memory_space<hbm>> -> memref<40x128xi32, #tpu.memory_space<hbm>>
      %dma_wait3A_56 = arith.constant 0 : i32
      %dma_wait3A_57 = tpu.memref_slice %arg4[%add3A_22, %dma_wait3A_56] : memref<2560x128xi32, #tpu.memory_space<hbm>> -> memref<40x128xi32, #tpu.memory_space<hbm>>
      tpu.wait_dma2 semaphore(%run_scoped3A : memref<!tpu.dma_semaphore, #tpu.memory_space<semaphore_mem>>) src(%dma_wait3A_57 : memref<40x128xi32, #tpu.memory_space<hbm>>) dst(%arg7 : memref<40x128xi32, #tpu.memory_space<vmem>>)
      tpu.yield
    }) : () -> ()
    %dma_start3A = arith.constant 0 : i32
    %dma_start3A_23 = arith.constant 0 : i32
    %dma_start3A_24 = tpu.memref_slice %arg6[%dma_start3A, %dma_start3A_23] : memref<40x128xi32, #tpu.memory_space<vmem>> -> memref<1x128xi32, #tpu.memory_space<vmem>>
    %dma_start3A_25 = tpu.memref_squeeze %dma_start3A_24 : memref<1x128xi32, #tpu.memory_space<vmem>> -> memref<128xi32, #tpu.memory_space<vmem>>
    %dma_start3A_26 = arith.constant 0 : i32
    %dma_start3A_27 = arith.constant 0 : i32
    %dma_start3A_28 = tpu.memref_slice %arg2[%dma_start3A_26, %dma_start3A_27] : memref<10000x128xf32, #tpu.memory_space<hbm>> -> memref<10000x128xf32, #tpu.memory_space<hbm>>
    tpu.enqueue_indirect_dma source(%dma_start3A_28 : memref<10000x128xf32, #tpu.memory_space<hbm>>) target(%arg8 : memref<128x128xf32, #tpu.memory_space<vmem>>) offsets(%dma_start3A_25 : memref<128xi32, #tpu.memory_space<vmem>>) semaphore(%arg10 : memref<!tpu.dma_semaphore, #tpu.memory_space<semaphore_mem>>)
    %scan3A_29 = arith.constant 0 : i32
    %scan3A_30 = arith.constant 20 : i32
    %scan3A_31 = arith.addi %scan3A_29, %scan3A_30 : i32
    %scan3A_32 = arith.constant 1 : i32
    scf.for %scan3A_51 = %scan3A_29 to %scan3A_31 step %scan3A_32  : i32 {
      %mul3A_52 = arith.constant 1 : i32
      %mul3A_53 = arith.muli %scan3A_51, %mul3A_52 : i32
      %add3A_54 = arith.constant 0 : i32
      %add3A_55 = arith.addi %add3A_54, %mul3A_53 : i32
      %mul3A_56 = arith.constant 2 : i32
      %mul3A_57 = arith.muli %mul3A_56, %add3A_55 : i32
      %add3A_58 = arith.constant 1 : i32
      %add3A_59 = arith.addi %mul3A_57, %add3A_58 : i32
      %dma_start3A_60 = arith.constant 0 : i32
      %dma_start3A_61 = tpu.memref_slice %arg6[%add3A_59, %dma_start3A_60] : memref<40x128xi32, #tpu.memory_space<vmem>> -> memref<1x128xi32, #tpu.memory_space<vmem>>
      %dma_start3A_62 = tpu.memref_squeeze %dma_start3A_61 : memref<1x128xi32, #tpu.memory_space<vmem>> -> memref<128xi32, #tpu.memory_space<vmem>>
      %dma_start3A_63 = arith.constant 0 : i32
      %dma_start3A_64 = arith.constant 0 : i32
      %dma_start3A_65 = tpu.memref_slice %arg2[%dma_start3A_63, %dma_start3A_64] : memref<10000x128xf32, #tpu.memory_space<hbm>> -> memref<10000x128xf32, #tpu.memory_space<hbm>>
      tpu.enqueue_indirect_dma source(%dma_start3A_65 : memref<10000x128xf32, #tpu.memory_space<hbm>>) target(%arg9 : memref<128x128xf32, #tpu.memory_space<vmem>>) offsets(%dma_start3A_62 : memref<128xi32, #tpu.memory_space<vmem>>) semaphore(%arg11 : memref<!tpu.dma_semaphore, #tpu.memory_space<semaphore_mem>>)
      %dma_wait3A = arith.constant 0 : i32
      %dma_wait3A_66 = arith.constant 0 : i32
      %dma_wait3A_67 = tpu.memref_slice %arg6[%dma_wait3A, %dma_wait3A_66] : memref<40x128xi32, #tpu.memory_space<vmem>> -> memref<1x128xi32, #tpu.memory_space<vmem>>
      %dma_wait3A_68 = tpu.memref_squeeze %dma_wait3A_67 : memref<1x128xi32, #tpu.memory_space<vmem>> -> memref<128xi32, #tpu.memory_space<vmem>>
      %dma_wait3A_69 = arith.constant 0 : i32
      %dma_wait3A_70 = arith.constant 0 : i32
      %dma_wait3A_71 = tpu.memref_slice %arg2[%dma_wait3A_69, %dma_wait3A_70] : memref<10000x128xf32, #tpu.memory_space<hbm>> -> memref<10000x128xf32, #tpu.memory_space<hbm>>
      tpu.wait_indirect_dma semaphore(%arg10 : memref<!tpu.dma_semaphore, #tpu.memory_space<semaphore_mem>>) src(%dma_wait3A_71 : memref<10000x128xf32, #tpu.memory_space<hbm>>) dst(%arg8 : memref<128x128xf32, #tpu.memory_space<vmem>>)
      %mul3A_72 = arith.constant 2 : i32
      %mul3A_73 = arith.muli %mul3A_72, %add3A_55 : i32
      %dma_start3A_74 = arith.constant 0 : i32
      %dma_start3A_75 = tpu.memref_slice %arg7[%mul3A_73, %dma_start3A_74] : memref<40x128xi32, #tpu.memory_space<vmem>> -> memref<1x128xi32, #tpu.memory_space<vmem>>
      %dma_start3A_76 = tpu.memref_squeeze %dma_start3A_75 : memref<1x128xi32, #tpu.memory_space<vmem>> -> memref<128xi32, #tpu.memory_space<vmem>>
      %dma_start3A_77 = arith.constant 0 : i32
      %dma_start3A_78 = arith.constant 0 : i32
      %dma_start3A_79 = tpu.memref_slice %arg12[%dma_start3A_77, %dma_start3A_78] : memref<10112x128xf32, #tpu.memory_space<vmem_shared>> -> memref<10112x128xf32, #tpu.memory_space<vmem_shared>>
      tpu.enqueue_indirect_dma source(%arg8 : memref<128x128xf32, #tpu.memory_space<vmem>>) target(%dma_start3A_79 : memref<10112x128xf32, #tpu.memory_space<vmem_shared>>) offsets(%dma_start3A_76 : memref<128xi32, #tpu.memory_space<vmem>>) semaphore(%arg10 : memref<!tpu.dma_semaphore, #tpu.memory_space<semaphore_mem>>) {add = true}
      %dma_wait3A_80 = arith.constant 0 : i32
      %dma_wait3A_81 = arith.constant 0 : i32
      %dma_wait3A_82 = tpu.memref_slice %arg7[%dma_wait3A_80, %dma_wait3A_81] : memref<40x128xi32, #tpu.memory_space<vmem>> -> memref<1x128xi32, #tpu.memory_space<vmem>>
      %dma_wait3A_83 = tpu.memref_squeeze %dma_wait3A_82 : memref<1x128xi32, #tpu.memory_space<vmem>> -> memref<128xi32, #tpu.memory_space<vmem>>
      %dma_wait3A_84 = arith.constant 0 : i32
      %dma_wait3A_85 = arith.constant 0 : i32
      %dma_wait3A_86 = tpu.memref_slice %arg12[%dma_wait3A_84, %dma_wait3A_85] : memref<10112x128xf32, #tpu.memory_space<vmem_shared>> -> memref<10112x128xf32, #tpu.memory_space<vmem_shared>>
      tpu.wait_indirect_dma semaphore(%arg10 : memref<!tpu.dma_semaphore, #tpu.memory_space<semaphore_mem>>) src(%arg8 : memref<128x128xf32, #tpu.memory_space<vmem>>) dst(%dma_wait3A_86 : memref<10112x128xf32, #tpu.memory_space<vmem_shared>>)
      %lt3A = arith.constant 19 : i32
      %lt3A_87 = arith.cmpi slt, %add3A_55, %lt3A : i32
      %convert_element_type3A = arith.extui %lt3A_87 : i1 to i32
      %cond3A = arith.constant 0 : i32
      %cond3A_88 = arith.cmpi ne, %convert_element_type3A, %cond3A : i32
      scf.if %cond3A_88 {
        %mul3A_113 = arith.constant 2 : i32
        %mul3A_114 = arith.muli %mul3A_113, %add3A_55 : i32
        %add3A_115 = arith.constant 2 : i32
        %add3A_116 = arith.addi %mul3A_114, %add3A_115 : i32
        %dma_start3A_117 = arith.constant 0 : i32
        %dma_start3A_118 = tpu.memref_slice %arg6[%add3A_116, %dma_start3A_117] : memref<40x128xi32, #tpu.memory_space<vmem>> -> memref<1x128xi32, #tpu.memory_space<vmem>>
        %dma_start3A_119 = tpu.memref_squeeze %dma_start3A_118 : memref<1x128xi32, #tpu.memory_space<vmem>> -> memref<128xi32, #tpu.memory_space<vmem>>
        %dma_start3A_120 = arith.constant 0 : i32
        %dma_start3A_121 = arith.constant 0 : i32
        %dma_start3A_122 = tpu.memref_slice %arg2[%dma_start3A_120, %dma_start3A_121] : memref<10000x128xf32, #tpu.memory_space<hbm>> -> memref<10000x128xf32, #tpu.memory_space<hbm>>
        tpu.enqueue_indirect_dma source(%dma_start3A_122 : memref<10000x128xf32, #tpu.memory_space<hbm>>) target(%arg8 : memref<128x128xf32, #tpu.memory_space<vmem>>) offsets(%dma_start3A_119 : memref<128xi32, #tpu.memory_space<vmem>>) semaphore(%arg10 : memref<!tpu.dma_semaphore, #tpu.memory_space<semaphore_mem>>)
      } else {
      }
      %dma_wait3A_89 = arith.constant 0 : i32
      %dma_wait3A_90 = arith.constant 0 : i32
      %dma_wait3A_91 = tpu.memref_slice %arg6[%dma_wait3A_89, %dma_wait3A_90] : memref<40x128xi32, #tpu.memory_space<vmem>> -> memref<1x128xi32, #tpu.memory_space<vmem>>
      %dma_wait3A_92 = tpu.memref_squeeze %dma_wait3A_91 : memref<1x128xi32, #tpu.memory_space<vmem>> -> memref<128xi32, #tpu.memory_space<vmem>>
      %dma_wait3A_93 = arith.constant 0 : i32
      %dma_wait3A_94 = arith.constant 0 : i32
      %dma_wait3A_95 = tpu.memref_slice %arg2[%dma_wait3A_93, %dma_wait3A_94] : memref<10000x128xf32, #tpu.memory_space<hbm>> -> memref<10000x128xf32, #tpu.memory_space<hbm>>
      tpu.wait_indirect_dma semaphore(%arg11 : memref<!tpu.dma_semaphore, #tpu.memory_space<semaphore_mem>>) src(%dma_wait3A_95 : memref<10000x128xf32, #tpu.memory_space<hbm>>) dst(%arg9 : memref<128x128xf32, #tpu.memory_space<vmem>>)
      %mul3A_96 = arith.constant 2 : i32
      %mul3A_97 = arith.muli %mul3A_96, %add3A_55 : i32
      %add3A_98 = arith.constant 1 : i32
      %add3A_99 = arith.addi %mul3A_97, %add3A_98 : i32
      %dma_start3A_100 = arith.constant 0 : i32
      %dma_start3A_101 = tpu.memref_slice %arg7[%add3A_99, %dma_start3A_100] : memref<40x128xi32, #tpu.memory_space<vmem>> -> memref<1x128xi32, #tpu.memory_space<vmem>>
      %dma_start3A_102 = tpu.memref_squeeze %dma_start3A_101 : memref<1x128xi32, #tpu.memory_space<vmem>> -> memref<128xi32, #tpu.memory_space<vmem>>
      %dma_start3A_103 = arith.constant 0 : i32
      %dma_start3A_104 = arith.constant 0 : i32
      %dma_start3A_105 = tpu.memref_slice %arg12[%dma_start3A_103, %dma_start3A_104] : memref<10112x128xf32, #tpu.memory_space<vmem_shared>> -> memref<10112x128xf32, #tpu.memory_space<vmem_shared>>
      tpu.enqueue_indirect_dma source(%arg9 : memref<128x128xf32, #tpu.memory_space<vmem>>) target(%dma_start3A_105 : memref<10112x128xf32, #tpu.memory_space<vmem_shared>>) offsets(%dma_start3A_102 : memref<128xi32, #tpu.memory_space<vmem>>) semaphore(%arg11 : memref<!tpu.dma_semaphore, #tpu.memory_space<semaphore_mem>>) {add = true}
      %dma_wait3A_106 = arith.constant 0 : i32
      %dma_wait3A_107 = arith.constant 0 : i32
      %dma_wait3A_108 = tpu.memref_slice %arg7[%dma_wait3A_106, %dma_wait3A_107] : memref<40x128xi32, #tpu.memory_space<vmem>> -> memref<1x128xi32, #tpu.memory_space<vmem>>
      %dma_wait3A_109 = tpu.memref_squeeze %dma_wait3A_108 : memref<1x128xi32, #tpu.memory_space<vmem>> -> memref<128xi32, #tpu.memory_space<vmem>>
      %dma_wait3A_110 = arith.constant 0 : i32
      %dma_wait3A_111 = arith.constant 0 : i32
      %dma_wait3A_112 = tpu.memref_slice %arg12[%dma_wait3A_110, %dma_wait3A_111] : memref<10112x128xf32, #tpu.memory_space<vmem_shared>> -> memref<10112x128xf32, #tpu.memory_space<vmem_shared>>
      tpu.wait_indirect_dma semaphore(%arg11 : memref<!tpu.dma_semaphore, #tpu.memory_space<semaphore_mem>>) src(%arg9 : memref<128x128xf32, #tpu.memory_space<vmem>>) dst(%dma_wait3A_112 : memref<10112x128xf32, #tpu.memory_space<vmem_shared>>)
    }
    %scan3A_33 = arith.constant 20 : i32
    %add3A_34 = arith.constant 40 : i32
    %add3A_35 = arith.addi %mul3A_18, %add3A_34 : i32
    "tpu.region"() ({
      %run_scoped3A = tpu.sem_alloc : memref<!tpu.dma_semaphore, #tpu.memory_space<semaphore_mem>>
      %dma_start3A_51 = arith.constant 0 : i32
      %dma_start3A_52 = tpu.memref_slice %arg3[%add3A_35, %dma_start3A_51] : memref<2560x128xi32, #tpu.memory_space<hbm>> -> memref<40x128xi32, #tpu.memory_space<hbm>>
      %dma_start3A_53 = arith.constant 0 : i32
      %dma_start3A_54 = tpu.memref_slice %arg3[%add3A_35, %dma_start3A_53] : memref<2560x128xi32, #tpu.memory_space<hbm>> -> memref<40x128xi32, #tpu.memory_space<hbm>>
      tpu.enqueue_dma source(%dma_start3A_54 : memref<40x128xi32, #tpu.memory_space<hbm>>) target(%arg6 : memref<40x128xi32, #tpu.memory_space<vmem>>) target_semaphore(%run_scoped3A : memref<!tpu.dma_semaphore, #tpu.memory_space<semaphore_mem>>)
      %dma_wait3A = arith.constant 0 : i32
      %dma_wait3A_55 = tpu.memref_slice %arg3[%add3A_35, %dma_wait3A] : memref<2560x128xi32, #tpu.memory_space<hbm>> -> memref<40x128xi32, #tpu.memory_space<hbm>>
      %dma_wait3A_56 = arith.constant 0 : i32
      %dma_wait3A_57 = tpu.memref_slice %arg3[%add3A_35, %dma_wait3A_56] : memref<2560x128xi32, #tpu.memory_space<hbm>> -> memref<40x128xi32, #tpu.memory_space<hbm>>
      tpu.wait_dma2 semaphore(%run_scoped3A : memref<!tpu.dma_semaphore, #tpu.memory_space<semaphore_mem>>) src(%dma_wait3A_57 : memref<40x128xi32, #tpu.memory_space<hbm>>) dst(%arg6 : memref<40x128xi32, #tpu.memory_space<vmem>>)
      tpu.yield
    }) : () -> ()
    %add3A_36 = arith.constant 40 : i32
    %add3A_37 = arith.addi %mul3A_18, %add3A_36 : i32
    "tpu.region"() ({
      %run_scoped3A = tpu.sem_alloc : memref<!tpu.dma_semaphore, #tpu.memory_space<semaphore_mem>>
      %dma_start3A_51 = arith.constant 0 : i32
      %dma_start3A_52 = tpu.memref_slice %arg4[%add3A_37, %dma_start3A_51] : memref<2560x128xi32, #tpu.memory_space<hbm>> -> memref<40x128xi32, #tpu.memory_space<hbm>>
      %dma_start3A_53 = arith.constant 0 : i32
      %dma_start3A_54 = tpu.memref_slice %arg4[%add3A_37, %dma_start3A_53] : memref<2560x128xi32, #tpu.memory_space<hbm>> -> memref<40x128xi32, #tpu.memory_space<hbm>>
      tpu.enqueue_dma source(%dma_start3A_54 : memref<40x128xi32, #tpu.memory_space<hbm>>) target(%arg7 : memref<40x128xi32, #tpu.memory_space<vmem>>) target_semaphore(%run_scoped3A : memref<!tpu.dma_semaphore, #tpu.memory_space<semaphore_mem>>)
      %dma_wait3A = arith.constant 0 : i32
      %dma_wait3A_55 = tpu.memref_slice %arg4[%add3A_37, %dma_wait3A] : memref<2560x128xi32, #tpu.memory_space<hbm>> -> memref<40x128xi32, #tpu.memory_space<hbm>>
      %dma_wait3A_56 = arith.constant 0 : i32
      %dma_wait3A_57 = tpu.memref_slice %arg4[%add3A_37, %dma_wait3A_56] : memref<2560x128xi32, #tpu.memory_space<hbm>> -> memref<40x128xi32, #tpu.memory_space<hbm>>
      tpu.wait_dma2 semaphore(%run_scoped3A : memref<!tpu.dma_semaphore, #tpu.memory_space<semaphore_mem>>) src(%dma_wait3A_57 : memref<40x128xi32, #tpu.memory_space<hbm>>) dst(%arg7 : memref<40x128xi32, #tpu.memory_space<vmem>>)
      tpu.yield
    }) : () -> ()
    %dma_start3A_38 = arith.constant 0 : i32
    %dma_start3A_39 = arith.constant 0 : i32
    %dma_start3A_40 = tpu.memref_slice %arg6[%dma_start3A_38, %dma_start3A_39] : memref<40x128xi32, #tpu.memory_space<vmem>> -> memref<1x128xi32, #tpu.memory_space<vmem>>
    %dma_start3A_41 = tpu.memref_squeeze %dma_start3A_40 : memref<1x128xi32, #tpu.memory_space<vmem>> -> memref<128xi32, #tpu.memory_space<vmem>>
    %dma_start3A_42 = arith.constant 0 : i32
    %dma_start3A_43 = arith.constant 0 : i32
    %dma_start3A_44 = tpu.memref_slice %arg2[%dma_start3A_42, %dma_start3A_43] : memref<10000x128xf32, #tpu.memory_space<hbm>> -> memref<10000x128xf32, #tpu.memory_space<hbm>>
    tpu.enqueue_indirect_dma source(%dma_start3A_44 : memref<10000x128xf32, #tpu.memory_space<hbm>>) target(%arg8 : memref<128x128xf32, #tpu.memory_space<vmem>>) offsets(%dma_start3A_41 : memref<128xi32, #tpu.memory_space<vmem>>) semaphore(%arg10 : memref<!tpu.dma_semaphore, #tpu.memory_space<semaphore_mem>>)
    %scan3A_45 = arith.constant 0 : i32
    %scan3A_46 = arith.constant 20 : i32
    %scan3A_47 = arith.addi %scan3A_45, %scan3A_46 : i32
    %scan3A_48 = arith.constant 1 : i32
    scf.for %scan3A_51 = %scan3A_45 to %scan3A_47 step %scan3A_48  : i32 {
      %mul3A_52 = arith.constant 1 : i32
      %mul3A_53 = arith.muli %scan3A_51, %mul3A_52 : i32
      %add3A_54 = arith.constant 0 : i32
      %add3A_55 = arith.addi %add3A_54, %mul3A_53 : i32
      %mul3A_56 = arith.constant 2 : i32
      %mul3A_57 = arith.muli %mul3A_56, %add3A_55 : i32
      %add3A_58 = arith.constant 1 : i32
      %add3A_59 = arith.addi %mul3A_57, %add3A_58 : i32
      %dma_start3A_60 = arith.constant 0 : i32
      %dma_start3A_61 = tpu.memref_slice %arg6[%add3A_59, %dma_start3A_60] : memref<40x128xi32, #tpu.memory_space<vmem>> -> memref<1x128xi32, #tpu.memory_space<vmem>>
      %dma_start3A_62 = tpu.memref_squeeze %dma_start3A_61 : memref<1x128xi32, #tpu.memory_space<vmem>> -> memref<128xi32, #tpu.memory_space<vmem>>
      %dma_start3A_63 = arith.constant 0 : i32
      %dma_start3A_64 = arith.constant 0 : i32
      %dma_start3A_65 = tpu.memref_slice %arg2[%dma_start3A_63, %dma_start3A_64] : memref<10000x128xf32, #tpu.memory_space<hbm>> -> memref<10000x128xf32, #tpu.memory_space<hbm>>
      tpu.enqueue_indirect_dma source(%dma_start3A_65 : memref<10000x128xf32, #tpu.memory_space<hbm>>) target(%arg9 : memref<128x128xf32, #tpu.memory_space<vmem>>) offsets(%dma_start3A_62 : memref<128xi32, #tpu.memory_space<vmem>>) semaphore(%arg11 : memref<!tpu.dma_semaphore, #tpu.memory_space<semaphore_mem>>)
      %dma_wait3A = arith.constant 0 : i32
      %dma_wait3A_66 = arith.constant 0 : i32
      %dma_wait3A_67 = tpu.memref_slice %arg6[%dma_wait3A, %dma_wait3A_66] : memref<40x128xi32, #tpu.memory_space<vmem>> -> memref<1x128xi32, #tpu.memory_space<vmem>>
      %dma_wait3A_68 = tpu.memref_squeeze %dma_wait3A_67 : memref<1x128xi32, #tpu.memory_space<vmem>> -> memref<128xi32, #tpu.memory_space<vmem>>
      %dma_wait3A_69 = arith.constant 0 : i32
      %dma_wait3A_70 = arith.constant 0 : i32
      %dma_wait3A_71 = tpu.memref_slice %arg2[%dma_wait3A_69, %dma_wait3A_70] : memref<10000x128xf32, #tpu.memory_space<hbm>> -> memref<10000x128xf32, #tpu.memory_space<hbm>>
      tpu.wait_indirect_dma semaphore(%arg10 : memref<!tpu.dma_semaphore, #tpu.memory_space<semaphore_mem>>) src(%dma_wait3A_71 : memref<10000x128xf32, #tpu.memory_space<hbm>>) dst(%arg8 : memref<128x128xf32, #tpu.memory_space<vmem>>)
      %mul3A_72 = arith.constant 2 : i32
      %mul3A_73 = arith.muli %mul3A_72, %add3A_55 : i32
      %dma_start3A_74 = arith.constant 0 : i32
      %dma_start3A_75 = tpu.memref_slice %arg7[%mul3A_73, %dma_start3A_74] : memref<40x128xi32, #tpu.memory_space<vmem>> -> memref<1x128xi32, #tpu.memory_space<vmem>>
      %dma_start3A_76 = tpu.memref_squeeze %dma_start3A_75 : memref<1x128xi32, #tpu.memory_space<vmem>> -> memref<128xi32, #tpu.memory_space<vmem>>
      %dma_start3A_77 = arith.constant 0 : i32
      %dma_start3A_78 = arith.constant 0 : i32
      %dma_start3A_79 = tpu.memref_slice %arg12[%dma_start3A_77, %dma_start3A_78] : memref<10112x128xf32, #tpu.memory_space<vmem_shared>> -> memref<10112x128xf32, #tpu.memory_space<vmem_shared>>
      tpu.enqueue_indirect_dma source(%arg8 : memref<128x128xf32, #tpu.memory_space<vmem>>) target(%dma_start3A_79 : memref<10112x128xf32, #tpu.memory_space<vmem_shared>>) offsets(%dma_start3A_76 : memref<128xi32, #tpu.memory_space<vmem>>) semaphore(%arg10 : memref<!tpu.dma_semaphore, #tpu.memory_space<semaphore_mem>>) {add = true}
      %dma_wait3A_80 = arith.constant 0 : i32
      %dma_wait3A_81 = arith.constant 0 : i32
      %dma_wait3A_82 = tpu.memref_slice %arg7[%dma_wait3A_80, %dma_wait3A_81] : memref<40x128xi32, #tpu.memory_space<vmem>> -> memref<1x128xi32, #tpu.memory_space<vmem>>
      %dma_wait3A_83 = tpu.memref_squeeze %dma_wait3A_82 : memref<1x128xi32, #tpu.memory_space<vmem>> -> memref<128xi32, #tpu.memory_space<vmem>>
      %dma_wait3A_84 = arith.constant 0 : i32
      %dma_wait3A_85 = arith.constant 0 : i32
      %dma_wait3A_86 = tpu.memref_slice %arg12[%dma_wait3A_84, %dma_wait3A_85] : memref<10112x128xf32, #tpu.memory_space<vmem_shared>> -> memref<10112x128xf32, #tpu.memory_space<vmem_shared>>
      tpu.wait_indirect_dma semaphore(%arg10 : memref<!tpu.dma_semaphore, #tpu.memory_space<semaphore_mem>>) src(%arg8 : memref<128x128xf32, #tpu.memory_space<vmem>>) dst(%dma_wait3A_86 : memref<10112x128xf32, #tpu.memory_space<vmem_shared>>)
      %lt3A = arith.constant 19 : i32
      %lt3A_87 = arith.cmpi slt, %add3A_55, %lt3A : i32
      %convert_element_type3A = arith.extui %lt3A_87 : i1 to i32
      %cond3A = arith.constant 0 : i32
      %cond3A_88 = arith.cmpi ne, %convert_element_type3A, %cond3A : i32
      scf.if %cond3A_88 {
        %mul3A_113 = arith.constant 2 : i32
        %mul3A_114 = arith.muli %mul3A_113, %add3A_55 : i32
        %add3A_115 = arith.constant 2 : i32
        %add3A_116 = arith.addi %mul3A_114, %add3A_115 : i32
        %dma_start3A_117 = arith.constant 0 : i32
        %dma_start3A_118 = tpu.memref_slice %arg6[%add3A_116, %dma_start3A_117] : memref<40x128xi32, #tpu.memory_space<vmem>> -> memref<1x128xi32, #tpu.memory_space<vmem>>
        %dma_start3A_119 = tpu.memref_squeeze %dma_start3A_118 : memref<1x128xi32, #tpu.memory_space<vmem>> -> memref<128xi32, #tpu.memory_space<vmem>>
        %dma_start3A_120 = arith.constant 0 : i32
        %dma_start3A_121 = arith.constant 0 : i32
        %dma_start3A_122 = tpu.memref_slice %arg2[%dma_start3A_120, %dma_start3A_121] : memref<10000x128xf32, #tpu.memory_space<hbm>> -> memref<10000x128xf32, #tpu.memory_space<hbm>>
        tpu.enqueue_indirect_dma source(%dma_start3A_122 : memref<10000x128xf32, #tpu.memory_space<hbm>>) target(%arg8 : memref<128x128xf32, #tpu.memory_space<vmem>>) offsets(%dma_start3A_119 : memref<128xi32, #tpu.memory_space<vmem>>) semaphore(%arg10 : memref<!tpu.dma_semaphore, #tpu.memory_space<semaphore_mem>>)
      } else {
      }
      %dma_wait3A_89 = arith.constant 0 : i32
      %dma_wait3A_90 = arith.constant 0 : i32
      %dma_wait3A_91 = tpu.memref_slice %arg6[%dma_wait3A_89, %dma_wait3A_90] : memref<40x128xi32, #tpu.memory_space<vmem>> -> memref<1x128xi32, #tpu.memory_space<vmem>>
      %dma_wait3A_92 = tpu.memref_squeeze %dma_wait3A_91 : memref<1x128xi32, #tpu.memory_space<vmem>> -> memref<128xi32, #tpu.memory_space<vmem>>
      %dma_wait3A_93 = arith.constant 0 : i32
      %dma_wait3A_94 = arith.constant 0 : i32
      %dma_wait3A_95 = tpu.memref_slice %arg2[%dma_wait3A_93, %dma_wait3A_94] : memref<10000x128xf32, #tpu.memory_space<hbm>> -> memref<10000x128xf32, #tpu.memory_space<hbm>>
      tpu.wait_indirect_dma semaphore(%arg11 : memref<!tpu.dma_semaphore, #tpu.memory_space<semaphore_mem>>) src(%dma_wait3A_95 : memref<10000x128xf32, #tpu.memory_space<hbm>>) dst(%arg9 : memref<128x128xf32, #tpu.memory_space<vmem>>)
      %mul3A_96 = arith.constant 2 : i32
      %mul3A_97 = arith.muli %mul3A_96, %add3A_55 : i32
      %add3A_98 = arith.constant 1 : i32
      %add3A_99 = arith.addi %mul3A_97, %add3A_98 : i32
      %dma_start3A_100 = arith.constant 0 : i32
      %dma_start3A_101 = tpu.memref_slice %arg7[%add3A_99, %dma_start3A_100] : memref<40x128xi32, #tpu.memory_space<vmem>> -> memref<1x128xi32, #tpu.memory_space<vmem>>
      %dma_start3A_102 = tpu.memref_squeeze %dma_start3A_101 : memref<1x128xi32, #tpu.memory_space<vmem>> -> memref<128xi32, #tpu.memory_space<vmem>>
      %dma_start3A_103 = arith.constant 0 : i32
      %dma_start3A_104 = arith.constant 0 : i32
      %dma_start3A_105 = tpu.memref_slice %arg12[%dma_start3A_103, %dma_start3A_104] : memref<10112x128xf32, #tpu.memory_space<vmem_shared>> -> memref<10112x128xf32, #tpu.memory_space<vmem_shared>>
      tpu.enqueue_indirect_dma source(%arg9 : memref<128x128xf32, #tpu.memory_space<vmem>>) target(%dma_start3A_105 : memref<10112x128xf32, #tpu.memory_space<vmem_shared>>) offsets(%dma_start3A_102 : memref<128xi32, #tpu.memory_space<vmem>>) semaphore(%arg11 : memref<!tpu.dma_semaphore, #tpu.memory_space<semaphore_mem>>) {add = true}
      %dma_wait3A_106 = arith.constant 0 : i32
      %dma_wait3A_107 = arith.constant 0 : i32
      %dma_wait3A_108 = tpu.memref_slice %arg7[%dma_wait3A_106, %dma_wait3A_107] : memref<40x128xi32, #tpu.memory_space<vmem>> -> memref<1x128xi32, #tpu.memory_space<vmem>>
      %dma_wait3A_109 = tpu.memref_squeeze %dma_wait3A_108 : memref<1x128xi32, #tpu.memory_space<vmem>> -> memref<128xi32, #tpu.memory_space<vmem>>
      %dma_wait3A_110 = arith.constant 0 : i32
      %dma_wait3A_111 = arith.constant 0 : i32
      %dma_wait3A_112 = tpu.memref_slice %arg12[%dma_wait3A_110, %dma_wait3A_111] : memref<10112x128xf32, #tpu.memory_space<vmem_shared>> -> memref<10112x128xf32, #tpu.memory_space<vmem_shared>>
      tpu.wait_indirect_dma semaphore(%arg11 : memref<!tpu.dma_semaphore, #tpu.memory_space<semaphore_mem>>) src(%arg9 : memref<128x128xf32, #tpu.memory_space<vmem>>) dst(%dma_wait3A_112 : memref<10112x128xf32, #tpu.memory_space<vmem_shared>>)
    }
    %scan3A_49 = arith.constant 20 : i32
    %barrier3A_50 = arith.constant 0 : index
    tpu.barrier barrier_id(%barrier3A_50)
    "tpu.region"() ({
      %run_scoped3A = tpu.sem_alloc : memref<!tpu.dma_semaphore, #tpu.memory_space<semaphore_mem>>
      %dma_start3A_51 = arith.constant 0 : i32
      %dma_start3A_52 = arith.constant 0 : i32
      %dma_start3A_53 = tpu.memref_slice %arg5[%arg0, %dma_start3A_51, %dma_start3A_52] : memref<2x10112x128xf32, #tpu.memory_space<hbm>> -> memref<1x10112x128xf32, #tpu.memory_space<hbm>>
      %dma_start3A_54 = tpu.memref_squeeze %dma_start3A_53 : memref<1x10112x128xf32, #tpu.memory_space<hbm>> -> memref<10112x128xf32, #tpu.memory_space<hbm>>
      %dma_start3A_55 = arith.constant 0 : i32
      %dma_start3A_56 = tpu.memref_slice %dma_start3A_54[%mul3A_6, %dma_start3A_55] : memref<10112x128xf32, #tpu.memory_space<hbm>> -> memref<632x128xf32, #tpu.memory_space<hbm>>
      %dma_start3A_57 = arith.constant 0 : i32
      %dma_start3A_58 = tpu.memref_slice %arg12[%mul3A_6, %dma_start3A_57] : memref<10112x128xf32, #tpu.memory_space<vmem_shared>> -> memref<632x128xf32, #tpu.memory_space<vmem_shared>>
      tpu.enqueue_dma source(%dma_start3A_58 : memref<632x128xf32, #tpu.memory_space<vmem_shared>>) target(%dma_start3A_56 : memref<632x128xf32, #tpu.memory_space<hbm>>) target_semaphore(%run_scoped3A : memref<!tpu.dma_semaphore, #tpu.memory_space<semaphore_mem>>)
      %dma_wait3A = arith.constant 0 : i32
      %dma_wait3A_59 = arith.constant 0 : i32
      %dma_wait3A_60 = tpu.memref_slice %arg5[%arg0, %dma_wait3A, %dma_wait3A_59] : memref<2x10112x128xf32, #tpu.memory_space<hbm>> -> memref<1x10112x128xf32, #tpu.memory_space<hbm>>
      %dma_wait3A_61 = tpu.memref_squeeze %dma_wait3A_60 : memref<1x10112x128xf32, #tpu.memory_space<hbm>> -> memref<10112x128xf32, #tpu.memory_space<hbm>>
      %dma_wait3A_62 = arith.constant 0 : i32
      %dma_wait3A_63 = tpu.memref_slice %dma_wait3A_61[%mul3A_6, %dma_wait3A_62] : memref<10112x128xf32, #tpu.memory_space<hbm>> -> memref<632x128xf32, #tpu.memory_space<hbm>>
      %dma_wait3A_64 = arith.constant 0 : i32
      %dma_wait3A_65 = tpu.memref_slice %arg12[%mul3A_6, %dma_wait3A_64] : memref<10112x128xf32, #tpu.memory_space<vmem_shared>> -> memref<632x128xf32, #tpu.memory_space<vmem_shared>>
      tpu.wait_dma2 semaphore(%run_scoped3A : memref<!tpu.dma_semaphore, #tpu.memory_space<semaphore_mem>>) src(%dma_wait3A_65 : memref<632x128xf32, #tpu.memory_space<vmem_shared>>) dst(%dma_wait3A_63 : memref<632x128xf32, #tpu.memory_space<hbm>>)
      tpu.yield
    }) : () -> ()
    return
  }
}

#map = affine_map<(d0, d1) -> (0, 0)>
#map1 = affine_map<(d0, d1) -> (0, 0, 0)>
module attributes {stable_mosaic.version = 14 : i64} {
  func.func @body(%arg0: i32, %arg1: i32, %arg2: memref<2560x128xi32, #tpu.memory_space<hbm>>, %arg3: memref<2x10112x128xf32, #tpu.memory_space<hbm>>, %arg4: memref<40x128xi32, #tpu.memory_space<vmem>>, %arg5: memref<128x128xf32, #tpu.memory_space<vmem>>, %arg6: memref<128x128xf32, #tpu.memory_space<vmem>>, %arg7: memref<!tpu.dma_semaphore, #tpu.memory_space<semaphore_mem>>, %arg8: memref<!tpu.dma_semaphore, #tpu.memory_space<semaphore_mem>>, %arg9: memref<10112x128xf32, #tpu.memory_space<vmem_shared>>) attributes {dimension_semantics = [#tpu.dimension_semantics<core_parallel>, #tpu.dimension_semantics<subcore_parallel>], iteration_bounds = array<i64: 2, 16>, scalar_prefetch = 0 : i64, scratch_operands = 6 : i64, tpu.core_type = #tpu.core_type<sc_vector_subcore>, window_params = [{transform_indices = #map}, {transform_indices = #map1}]} {
    %mul3A = arith.constant 16 : i32
    %mul3A_0 = arith.muli %arg0, %mul3A : i32
    %add3A = arith.addi %mul3A_0, %arg1 : i32
    %scan3A = arith.constant 0 : i32
    %scan3A_1 = arith.constant 128 : i32
    %scan3A_2 = arith.addi %scan3A, %scan3A_1 : i32
    %scan3A_3 = arith.constant 1 : i32
    scf.for %scan3A_34 = %scan3A to %scan3A_2 step %scan3A_3  : i32 {
      %mul3A_35 = arith.constant 1 : i32
      %mul3A_36 = arith.muli %scan3A_34, %mul3A_35 : i32
      %add3A_37 = arith.constant 0 : i32
      %add3A_38 = arith.addi %add3A_37, %mul3A_36 : i32
      %scan3A_39 = arith.constant 0 : i32
      %scan3A_40 = arith.constant 8 : i32
      %scan3A_41 = arith.addi %scan3A_39, %scan3A_40 : i32
      %scan3A_42 = arith.constant 1 : i32
      scf.for %scan3A_44 = %scan3A_39 to %scan3A_41 step %scan3A_42  : i32 {
        %mul3A_45 = arith.constant 16 : i32
        %mul3A_46 = arith.muli %scan3A_44, %mul3A_45 : i32
        %add3A_47 = arith.constant 0 : i32
        %add3A_48 = arith.addi %add3A_47, %mul3A_46 : i32
        %broadcast_in_dim3A = arith.constant 0.000000e+00 : f32
        %broadcast_in_dim3A_49 = vector.broadcast %broadcast_in_dim3A : f32 to vector<16xf32>
        %swap3A = arith.index_cast %add3A_38 : i32 to index
        %swap3A_50 = arith.index_cast %add3A_48 : i32 to index
        %swap3A_51 = tpu.vector_load %arg5[%swap3A, %swap3A_50] {strides = array<i32>} : memref<128x128xf32, #tpu.memory_space<vmem>>, vector<1x16xf32>,
        %swap3A_52 = vector.shape_cast %swap3A_51 : vector<1x16xf32> to vector<16xf32>
        %swap3A_53 = vector.shape_cast %broadcast_in_dim3A_49 : vector<16xf32> to vector<1x16xf32>
        tpu.vector_store %arg5[%swap3A, %swap3A_50], %swap3A_53 {strides = array<i32>} : memref<128x128xf32, #tpu.memory_space<vmem>>, vector<1x16xf32>,
        %broadcast_in_dim3A_54 = arith.constant 1.000000e+00 : f32
        %broadcast_in_dim3A_55 = vector.broadcast %broadcast_in_dim3A_54 : f32 to vector<16xf32>
        %swap3A_56 = arith.index_cast %add3A_38 : i32 to index
        %swap3A_57 = arith.index_cast %add3A_48 : i32 to index
        %swap3A_58 = tpu.vector_load %arg6[%swap3A_56, %swap3A_57] {strides = array<i32>} : memref<128x128xf32, #tpu.memory_space<vmem>>, vector<1x16xf32>,
        %swap3A_59 = vector.shape_cast %swap3A_58 : vector<1x16xf32> to vector<16xf32>
        %swap3A_60 = vector.shape_cast %broadcast_in_dim3A_55 : vector<16xf32> to vector<1x16xf32>
        tpu.vector_store %arg6[%swap3A_56, %swap3A_57], %swap3A_60 {strides = array<i32>} : memref<128x128xf32, #tpu.memory_space<vmem>>, vector<1x16xf32>,
      }
      %scan3A_43 = arith.constant 8 : i32
    }
    %scan3A_4 = arith.constant 128 : i32
    %mul3A_5 = arith.constant 632 : i32
    %mul3A_6 = arith.muli %arg1, %mul3A_5 : i32
    %add3A_7 = arith.constant 0 : i32
    %add3A_8 = arith.addi %mul3A_6, %add3A_7 : i32
    "tpu.region"() ({
      %run_scoped3A = tpu.sem_alloc : memref<!tpu.dma_semaphore, #tpu.memory_space<semaphore_mem>>
      %dma_start3A = arith.constant 0 : i32
      %dma_start3A_34 = tpu.memref_slice %arg9[%add3A_8, %dma_start3A] : memref<10112x128xf32, #tpu.memory_space<vmem_shared>> -> memref<128x128xf32, #tpu.memory_space<vmem_shared>>
      %dma_start3A_35 = arith.constant 0 : i32
      %dma_start3A_36 = tpu.memref_slice %arg9[%add3A_8, %dma_start3A_35] : memref<10112x128xf32, #tpu.memory_space<vmem_shared>> -> memref<128x128xf32, #tpu.memory_space<vmem_shared>>
      tpu.enqueue_dma source(%arg5 : memref<128x128xf32, #tpu.memory_space<vmem>>) target(%dma_start3A_36 : memref<128x128xf32, #tpu.memory_space<vmem_shared>>) target_semaphore(%run_scoped3A : memref<!tpu.dma_semaphore, #tpu.memory_space<semaphore_mem>>)
      %dma_wait3A = arith.constant 0 : i32
      %dma_wait3A_37 = tpu.memref_slice %arg9[%add3A_8, %dma_wait3A] : memref<10112x128xf32, #tpu.memory_space<vmem_shared>> -> memref<128x128xf32, #tpu.memory_space<vmem_shared>>
      %dma_wait3A_38 = arith.constant 0 : i32
      %dma_wait3A_39 = tpu.memref_slice %arg9[%add3A_8, %dma_wait3A_38] : memref<10112x128xf32, #tpu.memory_space<vmem_shared>> -> memref<128x128xf32, #tpu.memory_space<vmem_shared>>
      tpu.wait_dma2 semaphore(%run_scoped3A : memref<!tpu.dma_semaphore, #tpu.memory_space<semaphore_mem>>) src(%arg5 : memref<128x128xf32, #tpu.memory_space<vmem>>) dst(%dma_wait3A_39 : memref<128x128xf32, #tpu.memory_space<vmem_shared>>)
      tpu.yield
    }) : () -> ()
    %add3A_9 = arith.constant 128 : i32
    %add3A_10 = arith.addi %mul3A_6, %add3A_9 : i32
    "tpu.region"() ({
      %run_scoped3A = tpu.sem_alloc : memref<!tpu.dma_semaphore, #tpu.memory_space<semaphore_mem>>
      %dma_start3A = arith.constant 0 : i32
      %dma_start3A_34 = tpu.memref_slice %arg9[%add3A_10, %dma_start3A] : memref<10112x128xf32, #tpu.memory_space<vmem_shared>> -> memref<128x128xf32, #tpu.memory_space<vmem_shared>>
      %dma_start3A_35 = arith.constant 0 : i32
      %dma_start3A_36 = tpu.memref_slice %arg9[%add3A_10, %dma_start3A_35] : memref<10112x128xf32, #tpu.memory_space<vmem_shared>> -> memref<128x128xf32, #tpu.memory_space<vmem_shared>>
      tpu.enqueue_dma source(%arg5 : memref<128x128xf32, #tpu.memory_space<vmem>>) target(%dma_start3A_36 : memref<128x128xf32, #tpu.memory_space<vmem_shared>>) target_semaphore(%run_scoped3A : memref<!tpu.dma_semaphore, #tpu.memory_space<semaphore_mem>>)
      %dma_wait3A = arith.constant 0 : i32
      %dma_wait3A_37 = tpu.memref_slice %arg9[%add3A_10, %dma_wait3A] : memref<10112x128xf32, #tpu.memory_space<vmem_shared>> -> memref<128x128xf32, #tpu.memory_space<vmem_shared>>
      %dma_wait3A_38 = arith.constant 0 : i32
      %dma_wait3A_39 = tpu.memref_slice %arg9[%add3A_10, %dma_wait3A_38] : memref<10112x128xf32, #tpu.memory_space<vmem_shared>> -> memref<128x128xf32, #tpu.memory_space<vmem_shared>>
      tpu.wait_dma2 semaphore(%run_scoped3A : memref<!tpu.dma_semaphore, #tpu.memory_space<semaphore_mem>>) src(%arg5 : memref<128x128xf32, #tpu.memory_space<vmem>>) dst(%dma_wait3A_39 : memref<128x128xf32, #tpu.memory_space<vmem_shared>>)
      tpu.yield
    }) : () -> ()
    %add3A_11 = arith.constant 256 : i32
    %add3A_12 = arith.addi %mul3A_6, %add3A_11 : i32
    "tpu.region"() ({
      %run_scoped3A = tpu.sem_alloc : memref<!tpu.dma_semaphore, #tpu.memory_space<semaphore_mem>>
      %dma_start3A = arith.constant 0 : i32
      %dma_start3A_34 = tpu.memref_slice %arg9[%add3A_12, %dma_start3A] : memref<10112x128xf32, #tpu.memory_space<vmem_shared>> -> memref<128x128xf32, #tpu.memory_space<vmem_shared>>
      %dma_start3A_35 = arith.constant 0 : i32
      %dma_start3A_36 = tpu.memref_slice %arg9[%add3A_12, %dma_start3A_35] : memref<10112x128xf32, #tpu.memory_space<vmem_shared>> -> memref<128x128xf32, #tpu.memory_space<vmem_shared>>
      tpu.enqueue_dma source(%arg5 : memref<128x128xf32, #tpu.memory_space<vmem>>) target(%dma_start3A_36 : memref<128x128xf32, #tpu.memory_space<vmem_shared>>) target_semaphore(%run_scoped3A : memref<!tpu.dma_semaphore, #tpu.memory_space<semaphore_mem>>)
      %dma_wait3A = arith.constant 0 : i32
      %dma_wait3A_37 = tpu.memref_slice %arg9[%add3A_12, %dma_wait3A] : memref<10112x128xf32, #tpu.memory_space<vmem_shared>> -> memref<128x128xf32, #tpu.memory_space<vmem_shared>>
      %dma_wait3A_38 = arith.constant 0 : i32
      %dma_wait3A_39 = tpu.memref_slice %arg9[%add3A_12, %dma_wait3A_38] : memref<10112x128xf32, #tpu.memory_space<vmem_shared>> -> memref<128x128xf32, #tpu.memory_space<vmem_shared>>
      tpu.wait_dma2 semaphore(%run_scoped3A : memref<!tpu.dma_semaphore, #tpu.memory_space<semaphore_mem>>) src(%arg5 : memref<128x128xf32, #tpu.memory_space<vmem>>) dst(%dma_wait3A_39 : memref<128x128xf32, #tpu.memory_space<vmem_shared>>)
      tpu.yield
    }) : () -> ()
    %add3A_13 = arith.constant 384 : i32
    %add3A_14 = arith.addi %mul3A_6, %add3A_13 : i32
    "tpu.region"() ({
      %run_scoped3A = tpu.sem_alloc : memref<!tpu.dma_semaphore, #tpu.memory_space<semaphore_mem>>
      %dma_start3A = arith.constant 0 : i32
      %dma_start3A_34 = tpu.memref_slice %arg9[%add3A_14, %dma_start3A] : memref<10112x128xf32, #tpu.memory_space<vmem_shared>> -> memref<128x128xf32, #tpu.memory_space<vmem_shared>>
      %dma_start3A_35 = arith.constant 0 : i32
      %dma_start3A_36 = tpu.memref_slice %arg9[%add3A_14, %dma_start3A_35] : memref<10112x128xf32, #tpu.memory_space<vmem_shared>> -> memref<128x128xf32, #tpu.memory_space<vmem_shared>>
      tpu.enqueue_dma source(%arg5 : memref<128x128xf32, #tpu.memory_space<vmem>>) target(%dma_start3A_36 : memref<128x128xf32, #tpu.memory_space<vmem_shared>>) target_semaphore(%run_scoped3A : memref<!tpu.dma_semaphore, #tpu.memory_space<semaphore_mem>>)
      %dma_wait3A = arith.constant 0 : i32
      %dma_wait3A_37 = tpu.memref_slice %arg9[%add3A_14, %dma_wait3A] : memref<10112x128xf32, #tpu.memory_space<vmem_shared>> -> memref<128x128xf32, #tpu.memory_space<vmem_shared>>
      %dma_wait3A_38 = arith.constant 0 : i32
      %dma_wait3A_39 = tpu.memref_slice %arg9[%add3A_14, %dma_wait3A_38] : memref<10112x128xf32, #tpu.memory_space<vmem_shared>> -> memref<128x128xf32, #tpu.memory_space<vmem_shared>>
      tpu.wait_dma2 semaphore(%run_scoped3A : memref<!tpu.dma_semaphore, #tpu.memory_space<semaphore_mem>>) src(%arg5 : memref<128x128xf32, #tpu.memory_space<vmem>>) dst(%dma_wait3A_39 : memref<128x128xf32, #tpu.memory_space<vmem_shared>>)
      tpu.yield
    }) : () -> ()
    %add3A_15 = arith.constant 512 : i32
    %add3A_16 = arith.addi %mul3A_6, %add3A_15 : i32
    "tpu.region"() ({
      %run_scoped3A = tpu.sem_alloc : memref<!tpu.dma_semaphore, #tpu.memory_space<semaphore_mem>>
      %dma_start3A = arith.constant 0 : i32
      %dma_start3A_34 = arith.constant 0 : i32
      %dma_start3A_35 = tpu.memref_slice %arg5[%dma_start3A, %dma_start3A_34] : memref<128x128xf32, #tpu.memory_space<vmem>> -> memref<120x128xf32, #tpu.memory_space<vmem>>
      %dma_start3A_36 = arith.constant 0 : i32
      %dma_start3A_37 = tpu.memref_slice %arg9[%add3A_16, %dma_start3A_36] : memref<10112x128xf32, #tpu.memory_space<vmem_shared>> -> memref<120x128xf32, #tpu.memory_space<vmem_shared>>
      %dma_start3A_38 = arith.constant 0 : i32
      %dma_start3A_39 = tpu.memref_slice %arg9[%add3A_16, %dma_start3A_38] : memref<10112x128xf32, #tpu.memory_space<vmem_shared>> -> memref<120x128xf32, #tpu.memory_space<vmem_shared>>
      %dma_start3A_40 = arith.constant 0 : i32
      %dma_start3A_41 = arith.constant 0 : i32
      %dma_start3A_42 = tpu.memref_slice %arg5[%dma_start3A_40, %dma_start3A_41] : memref<128x128xf32, #tpu.memory_space<vmem>> -> memref<120x128xf32, #tpu.memory_space<vmem>>
      tpu.enqueue_dma source(%dma_start3A_42 : memref<120x128xf32, #tpu.memory_space<vmem>>) target(%dma_start3A_39 : memref<120x128xf32, #tpu.memory_space<vmem_shared>>) target_semaphore(%run_scoped3A : memref<!tpu.dma_semaphore, #tpu.memory_space<semaphore_mem>>)
      %dma_wait3A = arith.constant 0 : i32
      %dma_wait3A_43 = arith.constant 0 : i32
      %dma_wait3A_44 = tpu.memref_slice %arg5[%dma_wait3A, %dma_wait3A_43] : memref<128x128xf32, #tpu.memory_space<vmem>> -> memref<120x128xf32, #tpu.memory_space<vmem>>
      %dma_wait3A_45 = arith.constant 0 : i32
      %dma_wait3A_46 = tpu.memref_slice %arg9[%add3A_16, %dma_wait3A_45] : memref<10112x128xf32, #tpu.memory_space<vmem_shared>> -> memref<120x128xf32, #tpu.memory_space<vmem_shared>>
      %dma_wait3A_47 = arith.constant 0 : i32
      %dma_wait3A_48 = tpu.memref_slice %arg9[%add3A_16, %dma_wait3A_47] : memref<10112x128xf32, #tpu.memory_space<vmem_shared>> -> memref<120x128xf32, #tpu.memory_space<vmem_shared>>
      %dma_wait3A_49 = arith.constant 0 : i32
      %dma_wait3A_50 = arith.constant 0 : i32
      %dma_wait3A_51 = tpu.memref_slice %arg5[%dma_wait3A_49, %dma_wait3A_50] : memref<128x128xf32, #tpu.memory_space<vmem>> -> memref<120x128xf32, #tpu.memory_space<vmem>>
      tpu.wait_dma2 semaphore(%run_scoped3A : memref<!tpu.dma_semaphore, #tpu.memory_space<semaphore_mem>>) src(%dma_wait3A_51 : memref<120x128xf32, #tpu.memory_space<vmem>>) dst(%dma_wait3A_48 : memref<120x128xf32, #tpu.memory_space<vmem_shared>>)
      tpu.yield
    }) : () -> ()
    %barrier3A = arith.constant 0 : index
    tpu.barrier barrier_id(%barrier3A)
    %mul3A_17 = arith.constant 80 : i32
    %mul3A_18 = arith.muli %add3A, %mul3A_17 : i32
    %add3A_19 = arith.constant 0 : i32
    %add3A_20 = arith.addi %mul3A_18, %add3A_19 : i32
    "tpu.region"() ({
      %run_scoped3A = tpu.sem_alloc : memref<!tpu.dma_semaphore, #tpu.memory_space<semaphore_mem>>
      %dma_start3A = arith.constant 0 : i32
      %dma_start3A_34 = tpu.memref_slice %arg2[%add3A_20, %dma_start3A] : memref<2560x128xi32, #tpu.memory_space<hbm>> -> memref<40x128xi32, #tpu.memory_space<hbm>>
      %dma_start3A_35 = arith.constant 0 : i32
      %dma_start3A_36 = tpu.memref_slice %arg2[%add3A_20, %dma_start3A_35] : memref<2560x128xi32, #tpu.memory_space<hbm>> -> memref<40x128xi32, #tpu.memory_space<hbm>>
      tpu.enqueue_dma source(%dma_start3A_36 : memref<40x128xi32, #tpu.memory_space<hbm>>) target(%arg4 : memref<40x128xi32, #tpu.memory_space<vmem>>) target_semaphore(%run_scoped3A : memref<!tpu.dma_semaphore, #tpu.memory_space<semaphore_mem>>)
      %dma_wait3A = arith.constant 0 : i32
      %dma_wait3A_37 = tpu.memref_slice %arg2[%add3A_20, %dma_wait3A] : memref<2560x128xi32, #tpu.memory_space<hbm>> -> memref<40x128xi32, #tpu.memory_space<hbm>>
      %dma_wait3A_38 = arith.constant 0 : i32
      %dma_wait3A_39 = tpu.memref_slice %arg2[%add3A_20, %dma_wait3A_38] : memref<2560x128xi32, #tpu.memory_space<hbm>> -> memref<40x128xi32, #tpu.memory_space<hbm>>
      tpu.wait_dma2 semaphore(%run_scoped3A : memref<!tpu.dma_semaphore, #tpu.memory_space<semaphore_mem>>) src(%dma_wait3A_39 : memref<40x128xi32, #tpu.memory_space<hbm>>) dst(%arg4 : memref<40x128xi32, #tpu.memory_space<vmem>>)
      tpu.yield
    }) : () -> ()
    %scan3A_21 = arith.constant 0 : i32
    %scan3A_22 = arith.constant 20 : i32
    %scan3A_23 = arith.addi %scan3A_21, %scan3A_22 : i32
    %scan3A_24 = arith.constant 1 : i32
    scf.for %scan3A_34 = %scan3A_21 to %scan3A_23 step %scan3A_24  : i32 {
      %mul3A_35 = arith.constant 1 : i32
      %mul3A_36 = arith.muli %scan3A_34, %mul3A_35 : i32
      %add3A_37 = arith.constant 0 : i32
      %add3A_38 = arith.addi %add3A_37, %mul3A_36 : i32
      %mul3A_39 = arith.constant 2 : i32
      %mul3A_40 = arith.muli %mul3A_39, %add3A_38 : i32
      %add3A_41 = arith.constant 0 : i32
      %add3A_42 = arith.addi %mul3A_40, %add3A_41 : i32
      %dma_start3A = arith.constant 0 : i32
      %dma_start3A_43 = tpu.memref_slice %arg4[%add3A_42, %dma_start3A] : memref<40x128xi32, #tpu.memory_space<vmem>> -> memref<1x128xi32, #tpu.memory_space<vmem>>
      %dma_start3A_44 = tpu.memref_squeeze %dma_start3A_43 : memref<1x128xi32, #tpu.memory_space<vmem>> -> memref<128xi32, #tpu.memory_space<vmem>>
      %dma_start3A_45 = arith.constant 0 : i32
      %dma_start3A_46 = arith.constant 0 : i32
      %dma_start3A_47 = tpu.memref_slice %arg9[%dma_start3A_45, %dma_start3A_46] : memref<10112x128xf32, #tpu.memory_space<vmem_shared>> -> memref<10112x128xf32, #tpu.memory_space<vmem_shared>>
      tpu.enqueue_indirect_dma source(%arg6 : memref<128x128xf32, #tpu.memory_space<vmem>>) target(%dma_start3A_47 : memref<10112x128xf32, #tpu.memory_space<vmem_shared>>) offsets(%dma_start3A_44 : memref<128xi32, #tpu.memory_space<vmem>>) semaphore(%arg7 : memref<!tpu.dma_semaphore, #tpu.memory_space<semaphore_mem>>) {add = true}
      %mul3A_48 = arith.constant 2 : i32
      %mul3A_49 = arith.muli %mul3A_48, %add3A_38 : i32
      %add3A_50 = arith.constant 1 : i32
      %add3A_51 = arith.addi %mul3A_49, %add3A_50 : i32
      %dma_start3A_52 = arith.constant 0 : i32
      %dma_start3A_53 = tpu.memref_slice %arg4[%add3A_51, %dma_start3A_52] : memref<40x128xi32, #tpu.memory_space<vmem>> -> memref<1x128xi32, #tpu.memory_space<vmem>>
      %dma_start3A_54 = tpu.memref_squeeze %dma_start3A_53 : memref<1x128xi32, #tpu.memory_space<vmem>> -> memref<128xi32, #tpu.memory_space<vmem>>
      %dma_start3A_55 = arith.constant 0 : i32
      %dma_start3A_56 = arith.constant 0 : i32
      %dma_start3A_57 = tpu.memref_slice %arg9[%dma_start3A_55, %dma_start3A_56] : memref<10112x128xf32, #tpu.memory_space<vmem_shared>> -> memref<10112x128xf32, #tpu.memory_space<vmem_shared>>
      tpu.enqueue_indirect_dma source(%arg6 : memref<128x128xf32, #tpu.memory_space<vmem>>) target(%dma_start3A_57 : memref<10112x128xf32, #tpu.memory_space<vmem_shared>>) offsets(%dma_start3A_54 : memref<128xi32, #tpu.memory_space<vmem>>) semaphore(%arg8 : memref<!tpu.dma_semaphore, #tpu.memory_space<semaphore_mem>>) {add = true}
      %dma_wait3A = arith.constant 0 : i32
      %dma_wait3A_58 = arith.constant 0 : i32
      %dma_wait3A_59 = tpu.memref_slice %arg4[%dma_wait3A, %dma_wait3A_58] : memref<40x128xi32, #tpu.memory_space<vmem>> -> memref<1x128xi32, #tpu.memory_space<vmem>>
      %dma_wait3A_60 = tpu.memref_squeeze %dma_wait3A_59 : memref<1x128xi32, #tpu.memory_space<vmem>> -> memref<128xi32, #tpu.memory_space<vmem>>
      %dma_wait3A_61 = arith.constant 0 : i32
      %dma_wait3A_62 = arith.constant 0 : i32
      %dma_wait3A_63 = tpu.memref_slice %arg9[%dma_wait3A_61, %dma_wait3A_62] : memref<10112x128xf32, #tpu.memory_space<vmem_shared>> -> memref<10112x128xf32, #tpu.memory_space<vmem_shared>>
      tpu.wait_indirect_dma semaphore(%arg7 : memref<!tpu.dma_semaphore, #tpu.memory_space<semaphore_mem>>) src(%arg6 : memref<128x128xf32, #tpu.memory_space<vmem>>) dst(%dma_wait3A_63 : memref<10112x128xf32, #tpu.memory_space<vmem_shared>>)
      %dma_wait3A_64 = arith.constant 0 : i32
      %dma_wait3A_65 = arith.constant 0 : i32
      %dma_wait3A_66 = tpu.memref_slice %arg4[%dma_wait3A_64, %dma_wait3A_65] : memref<40x128xi32, #tpu.memory_space<vmem>> -> memref<1x128xi32, #tpu.memory_space<vmem>>
      %dma_wait3A_67 = tpu.memref_squeeze %dma_wait3A_66 : memref<1x128xi32, #tpu.memory_space<vmem>> -> memref<128xi32, #tpu.memory_space<vmem>>
      %dma_wait3A_68 = arith.constant 0 : i32
      %dma_wait3A_69 = arith.constant 0 : i32
      %dma_wait3A_70 = tpu.memref_slice %arg9[%dma_wait3A_68, %dma_wait3A_69] : memref<10112x128xf32, #tpu.memory_space<vmem_shared>> -> memref<10112x128xf32, #tpu.memory_space<vmem_shared>>
      tpu.wait_indirect_dma semaphore(%arg8 : memref<!tpu.dma_semaphore, #tpu.memory_space<semaphore_mem>>) src(%arg6 : memref<128x128xf32, #tpu.memory_space<vmem>>) dst(%dma_wait3A_70 : memref<10112x128xf32, #tpu.memory_space<vmem_shared>>)
    }
    %scan3A_25 = arith.constant 20 : i32
    %add3A_26 = arith.constant 40 : i32
    %add3A_27 = arith.addi %mul3A_18, %add3A_26 : i32
    "tpu.region"() ({
      %run_scoped3A = tpu.sem_alloc : memref<!tpu.dma_semaphore, #tpu.memory_space<semaphore_mem>>
      %dma_start3A = arith.constant 0 : i32
      %dma_start3A_34 = tpu.memref_slice %arg2[%add3A_27, %dma_start3A] : memref<2560x128xi32, #tpu.memory_space<hbm>> -> memref<40x128xi32, #tpu.memory_space<hbm>>
      %dma_start3A_35 = arith.constant 0 : i32
      %dma_start3A_36 = tpu.memref_slice %arg2[%add3A_27, %dma_start3A_35] : memref<2560x128xi32, #tpu.memory_space<hbm>> -> memref<40x128xi32, #tpu.memory_space<hbm>>
      tpu.enqueue_dma source(%dma_start3A_36 : memref<40x128xi32, #tpu.memory_space<hbm>>) target(%arg4 : memref<40x128xi32, #tpu.memory_space<vmem>>) target_semaphore(%run_scoped3A : memref<!tpu.dma_semaphore, #tpu.memory_space<semaphore_mem>>)
      %dma_wait3A = arith.constant 0 : i32
      %dma_wait3A_37 = tpu.memref_slice %arg2[%add3A_27, %dma_wait3A] : memref<2560x128xi32, #tpu.memory_space<hbm>> -> memref<40x128xi32, #tpu.memory_space<hbm>>
      %dma_wait3A_38 = arith.constant 0 : i32
      %dma_wait3A_39 = tpu.memref_slice %arg2[%add3A_27, %dma_wait3A_38] : memref<2560x128xi32, #tpu.memory_space<hbm>> -> memref<40x128xi32, #tpu.memory_space<hbm>>
      tpu.wait_dma2 semaphore(%run_scoped3A : memref<!tpu.dma_semaphore, #tpu.memory_space<semaphore_mem>>) src(%dma_wait3A_39 : memref<40x128xi32, #tpu.memory_space<hbm>>) dst(%arg4 : memref<40x128xi32, #tpu.memory_space<vmem>>)
      tpu.yield
    }) : () -> ()
    %scan3A_28 = arith.constant 0 : i32
    %scan3A_29 = arith.constant 20 : i32
    %scan3A_30 = arith.addi %scan3A_28, %scan3A_29 : i32
    %scan3A_31 = arith.constant 1 : i32
    scf.for %scan3A_34 = %scan3A_28 to %scan3A_30 step %scan3A_31  : i32 {
      %mul3A_35 = arith.constant 1 : i32
      %mul3A_36 = arith.muli %scan3A_34, %mul3A_35 : i32
      %add3A_37 = arith.constant 0 : i32
      %add3A_38 = arith.addi %add3A_37, %mul3A_36 : i32
      %mul3A_39 = arith.constant 2 : i32
      %mul3A_40 = arith.muli %mul3A_39, %add3A_38 : i32
      %add3A_41 = arith.constant 0 : i32
      %add3A_42 = arith.addi %mul3A_40, %add3A_41 : i32
      %dma_start3A = arith.constant 0 : i32
      %dma_start3A_43 = tpu.memref_slice %arg4[%add3A_42, %dma_start3A] : memref<40x128xi32, #tpu.memory_space<vmem>> -> memref<1x128xi32, #tpu.memory_space<vmem>>
      %dma_start3A_44 = tpu.memref_squeeze %dma_start3A_43 : memref<1x128xi32, #tpu.memory_space<vmem>> -> memref<128xi32, #tpu.memory_space<vmem>>
      %dma_start3A_45 = arith.constant 0 : i32
      %dma_start3A_46 = arith.constant 0 : i32
      %dma_start3A_47 = tpu.memref_slice %arg9[%dma_start3A_45, %dma_start3A_46] : memref<10112x128xf32, #tpu.memory_space<vmem_shared>> -> memref<10112x128xf32, #tpu.memory_space<vmem_shared>>
      tpu.enqueue_indirect_dma source(%arg6 : memref<128x128xf32, #tpu.memory_space<vmem>>) target(%dma_start3A_47 : memref<10112x128xf32, #tpu.memory_space<vmem_shared>>) offsets(%dma_start3A_44 : memref<128xi32, #tpu.memory_space<vmem>>) semaphore(%arg7 : memref<!tpu.dma_semaphore, #tpu.memory_space<semaphore_mem>>) {add = true}
      %mul3A_48 = arith.constant 2 : i32
      %mul3A_49 = arith.muli %mul3A_48, %add3A_38 : i32
      %add3A_50 = arith.constant 1 : i32
      %add3A_51 = arith.addi %mul3A_49, %add3A_50 : i32
      %dma_start3A_52 = arith.constant 0 : i32
      %dma_start3A_53 = tpu.memref_slice %arg4[%add3A_51, %dma_start3A_52] : memref<40x128xi32, #tpu.memory_space<vmem>> -> memref<1x128xi32, #tpu.memory_space<vmem>>
      %dma_start3A_54 = tpu.memref_squeeze %dma_start3A_53 : memref<1x128xi32, #tpu.memory_space<vmem>> -> memref<128xi32, #tpu.memory_space<vmem>>
      %dma_start3A_55 = arith.constant 0 : i32
      %dma_start3A_56 = arith.constant 0 : i32
      %dma_start3A_57 = tpu.memref_slice %arg9[%dma_start3A_55, %dma_start3A_56] : memref<10112x128xf32, #tpu.memory_space<vmem_shared>> -> memref<10112x128xf32, #tpu.memory_space<vmem_shared>>
      tpu.enqueue_indirect_dma source(%arg6 : memref<128x128xf32, #tpu.memory_space<vmem>>) target(%dma_start3A_57 : memref<10112x128xf32, #tpu.memory_space<vmem_shared>>) offsets(%dma_start3A_54 : memref<128xi32, #tpu.memory_space<vmem>>) semaphore(%arg8 : memref<!tpu.dma_semaphore, #tpu.memory_space<semaphore_mem>>) {add = true}
      %dma_wait3A = arith.constant 0 : i32
      %dma_wait3A_58 = arith.constant 0 : i32
      %dma_wait3A_59 = tpu.memref_slice %arg4[%dma_wait3A, %dma_wait3A_58] : memref<40x128xi32, #tpu.memory_space<vmem>> -> memref<1x128xi32, #tpu.memory_space<vmem>>
      %dma_wait3A_60 = tpu.memref_squeeze %dma_wait3A_59 : memref<1x128xi32, #tpu.memory_space<vmem>> -> memref<128xi32, #tpu.memory_space<vmem>>
      %dma_wait3A_61 = arith.constant 0 : i32
      %dma_wait3A_62 = arith.constant 0 : i32
      %dma_wait3A_63 = tpu.memref_slice %arg9[%dma_wait3A_61, %dma_wait3A_62] : memref<10112x128xf32, #tpu.memory_space<vmem_shared>> -> memref<10112x128xf32, #tpu.memory_space<vmem_shared>>
      tpu.wait_indirect_dma semaphore(%arg7 : memref<!tpu.dma_semaphore, #tpu.memory_space<semaphore_mem>>) src(%arg6 : memref<128x128xf32, #tpu.memory_space<vmem>>) dst(%dma_wait3A_63 : memref<10112x128xf32, #tpu.memory_space<vmem_shared>>)
      %dma_wait3A_64 = arith.constant 0 : i32
      %dma_wait3A_65 = arith.constant 0 : i32
      %dma_wait3A_66 = tpu.memref_slice %arg4[%dma_wait3A_64, %dma_wait3A_65] : memref<40x128xi32, #tpu.memory_space<vmem>> -> memref<1x128xi32, #tpu.memory_space<vmem>>
      %dma_wait3A_67 = tpu.memref_squeeze %dma_wait3A_66 : memref<1x128xi32, #tpu.memory_space<vmem>> -> memref<128xi32, #tpu.memory_space<vmem>>
      %dma_wait3A_68 = arith.constant 0 : i32
      %dma_wait3A_69 = arith.constant 0 : i32
      %dma_wait3A_70 = tpu.memref_slice %arg9[%dma_wait3A_68, %dma_wait3A_69] : memref<10112x128xf32, #tpu.memory_space<vmem_shared>> -> memref<10112x128xf32, #tpu.memory_space<vmem_shared>>
      tpu.wait_indirect_dma semaphore(%arg8 : memref<!tpu.dma_semaphore, #tpu.memory_space<semaphore_mem>>) src(%arg6 : memref<128x128xf32, #tpu.memory_space<vmem>>) dst(%dma_wait3A_70 : memref<10112x128xf32, #tpu.memory_space<vmem_shared>>)
    }
    %scan3A_32 = arith.constant 20 : i32
    %barrier3A_33 = arith.constant 0 : index
    tpu.barrier barrier_id(%barrier3A_33)
    "tpu.region"() ({
      %run_scoped3A = tpu.sem_alloc : memref<!tpu.dma_semaphore, #tpu.memory_space<semaphore_mem>>
      %dma_start3A = arith.constant 0 : i32
      %dma_start3A_34 = arith.constant 0 : i32
      %dma_start3A_35 = tpu.memref_slice %arg3[%arg0, %dma_start3A, %dma_start3A_34] : memref<2x10112x128xf32, #tpu.memory_space<hbm>> -> memref<1x10112x128xf32, #tpu.memory_space<hbm>>
      %dma_start3A_36 = tpu.memref_squeeze %dma_start3A_35 : memref<1x10112x128xf32, #tpu.memory_space<hbm>> -> memref<10112x128xf32, #tpu.memory_space<hbm>>
      %dma_start3A_37 = arith.constant 0 : i32
      %dma_start3A_38 = tpu.memref_slice %dma_start3A_36[%mul3A_6, %dma_start3A_37] : memref<10112x128xf32, #tpu.memory_space<hbm>> -> memref<632x128xf32, #tpu.memory_space<hbm>>
      %dma_start3A_39 = arith.constant 0 : i32
      %dma_start3A_40 = tpu.memref_slice %arg9[%mul3A_6, %dma_start3A_39] : memref<10112x128xf32, #tpu.memory_space<vmem_shared>> -> memref<632x128xf32, #tpu.memory_space<vmem_shared>>
      tpu.enqueue_dma source(%dma_start3A_40 : memref<632x128xf32, #tpu.memory_space<vmem_shared>>) target(%dma_start3A_38 : memref<632x128xf32, #tpu.memory_space<hbm>>) target_semaphore(%run_scoped3A : memref<!tpu.dma_semaphore, #tpu.memory_space<semaphore_mem>>)
      %dma_wait3A = arith.constant 0 : i32
      %dma_wait3A_41 = arith.constant 0 : i32
      %dma_wait3A_42 = tpu.memref_slice %arg3[%arg0, %dma_wait3A, %dma_wait3A_41] : memref<2x10112x128xf32, #tpu.memory_space<hbm>> -> memref<1x10112x128xf32, #tpu.memory_space<hbm>>
      %dma_wait3A_43 = tpu.memref_squeeze %dma_wait3A_42 : memref<1x10112x128xf32, #tpu.memory_space<hbm>> -> memref<10112x128xf32, #tpu.memory_space<hbm>>
      %dma_wait3A_44 = arith.constant 0 : i32
      %dma_wait3A_45 = tpu.memref_slice %dma_wait3A_43[%mul3A_6, %dma_wait3A_44] : memref<10112x128xf32, #tpu.memory_space<hbm>> -> memref<632x128xf32, #tpu.memory_space<hbm>>
      %dma_wait3A_46 = arith.constant 0 : i32
      %dma_wait3A_47 = tpu.memref_slice %arg9[%mul3A_6, %dma_wait3A_46] : memref<10112x128xf32, #tpu.memory_space<vmem_shared>> -> memref<632x128xf32, #tpu.memory_space<vmem_shared>>
      tpu.wait_dma2 semaphore(%run_scoped3A : memref<!tpu.dma_semaphore, #tpu.memory_space<semaphore_mem>>) src(%dma_wait3A_47 : memref<632x128xf32, #tpu.memory_space<vmem_shared>>) dst(%dma_wait3A_45 : memref<632x128xf32, #tpu.memory_space<hbm>>)
      tpu.yield
    }) : () -> ()
    return
  }
}

#map = affine_map<(d0, d1) -> (0, 0)>
#map1 = affine_map<(d0, d1) -> (0, 0, 0)>
module attributes {stable_mosaic.version = 14 : i64} {
  func.func @body(%arg0: i32, %arg1: i32, %arg2: memref<10000x128xf32, #tpu.memory_space<hbm>>, %arg3: memref<2560x128xi32, #tpu.memory_space<hbm>>, %arg4: memref<2560x128xi32, #tpu.memory_space<hbm>>, %arg5: memref<2x10112x128xf32, #tpu.memory_space<hbm>>, %arg6: memref<40x128xi32, #tpu.memory_space<vmem>>, %arg7: memref<40x128xi32, #tpu.memory_space<vmem>>, %arg8: memref<128x128xf32, #tpu.memory_space<vmem>>, %arg9: memref<128x128xf32, #tpu.memory_space<vmem>>, %arg10: memref<!tpu.dma_semaphore, #tpu.memory_space<semaphore_mem>>, %arg11: memref<!tpu.dma_semaphore, #tpu.memory_space<semaphore_mem>>, %arg12: memref<10112x128xf32, #tpu.memory_space<vmem_shared>>) attributes {dimension_semantics = [#tpu.dimension_semantics<core_parallel>, #tpu.dimension_semantics<subcore_parallel>], iteration_bounds = array<i64: 2, 16>, scalar_prefetch = 0 : i64, scratch_operands = 7 : i64, tpu.core_type = #tpu.core_type<sc_vector_subcore>, window_params = [{transform_indices = #map}, {transform_indices = #map}, {transform_indices = #map}, {transform_indices = #map1}]} {
    %mul3A = arith.constant 16 : i32
    %mul3A_0 = arith.muli %arg0, %mul3A : i32
    %add3A = arith.addi %mul3A_0, %arg1 : i32
    %scan3A = arith.constant 0 : i32
    %scan3A_1 = arith.constant 128 : i32
    %scan3A_2 = arith.addi %scan3A, %scan3A_1 : i32
    %scan3A_3 = arith.constant 1 : i32
    scf.for %scan3A_51 = %scan3A to %scan3A_2 step %scan3A_3  : i32 {
      %mul3A_52 = arith.constant 1 : i32
      %mul3A_53 = arith.muli %scan3A_51, %mul3A_52 : i32
      %add3A_54 = arith.constant 0 : i32
      %add3A_55 = arith.addi %add3A_54, %mul3A_53 : i32
      %scan3A_56 = arith.constant 0 : i32
      %scan3A_57 = arith.constant 8 : i32
      %scan3A_58 = arith.addi %scan3A_56, %scan3A_57 : i32
      %scan3A_59 = arith.constant 1 : i32
      scf.for %scan3A_61 = %scan3A_56 to %scan3A_58 step %scan3A_59  : i32 {
        %mul3A_62 = arith.constant 16 : i32
        %mul3A_63 = arith.muli %scan3A_61, %mul3A_62 : i32
        %add3A_64 = arith.constant 0 : i32
        %add3A_65 = arith.addi %add3A_64, %mul3A_63 : i32
        %broadcast_in_dim3A = arith.constant 0.000000e+00 : f32
        %broadcast_in_dim3A_66 = vector.broadcast %broadcast_in_dim3A : f32 to vector<16xf32>
        %swap3A = arith.index_cast %add3A_55 : i32 to index
        %swap3A_67 = arith.index_cast %add3A_65 : i32 to index
        %swap3A_68 = tpu.vector_load %arg8[%swap3A, %swap3A_67] {strides = array<i32>} : memref<128x128xf32, #tpu.memory_space<vmem>>, vector<1x16xf32>,
        %swap3A_69 = vector.shape_cast %swap3A_68 : vector<1x16xf32> to vector<16xf32>
        %swap3A_70 = vector.shape_cast %broadcast_in_dim3A_66 : vector<16xf32> to vector<1x16xf32>
        tpu.vector_store %arg8[%swap3A, %swap3A_67], %swap3A_70 {strides = array<i32>} : memref<128x128xf32, #tpu.memory_space<vmem>>, vector<1x16xf32>,
      }
      %scan3A_60 = arith.constant 8 : i32
    }
    %scan3A_4 = arith.constant 128 : i32
    %mul3A_5 = arith.constant 632 : i32
    %mul3A_6 = arith.muli %arg1, %mul3A_5 : i32
    %add3A_7 = arith.constant 0 : i32
    %add3A_8 = arith.addi %mul3A_6, %add3A_7 : i32
    "tpu.region"() ({
      %run_scoped3A = tpu.sem_alloc : memref<!tpu.dma_semaphore, #tpu.memory_space<semaphore_mem>>
      %dma_start3A_51 = arith.constant 0 : i32
      %dma_start3A_52 = tpu.memref_slice %arg12[%add3A_8, %dma_start3A_51] : memref<10112x128xf32, #tpu.memory_space<vmem_shared>> -> memref<128x128xf32, #tpu.memory_space<vmem_shared>>
      %dma_start3A_53 = arith.constant 0 : i32
      %dma_start3A_54 = tpu.memref_slice %arg12[%add3A_8, %dma_start3A_53] : memref<10112x128xf32, #tpu.memory_space<vmem_shared>> -> memref<128x128xf32, #tpu.memory_space<vmem_shared>>
      tpu.enqueue_dma source(%arg8 : memref<128x128xf32, #tpu.memory_space<vmem>>) target(%dma_start3A_54 : memref<128x128xf32, #tpu.memory_space<vmem_shared>>) target_semaphore(%run_scoped3A : memref<!tpu.dma_semaphore, #tpu.memory_space<semaphore_mem>>)
      %dma_wait3A = arith.constant 0 : i32
      %dma_wait3A_55 = tpu.memref_slice %arg12[%add3A_8, %dma_wait3A] : memref<10112x128xf32, #tpu.memory_space<vmem_shared>> -> memref<128x128xf32, #tpu.memory_space<vmem_shared>>
      %dma_wait3A_56 = arith.constant 0 : i32
      %dma_wait3A_57 = tpu.memref_slice %arg12[%add3A_8, %dma_wait3A_56] : memref<10112x128xf32, #tpu.memory_space<vmem_shared>> -> memref<128x128xf32, #tpu.memory_space<vmem_shared>>
      tpu.wait_dma2 semaphore(%run_scoped3A : memref<!tpu.dma_semaphore, #tpu.memory_space<semaphore_mem>>) src(%arg8 : memref<128x128xf32, #tpu.memory_space<vmem>>) dst(%dma_wait3A_57 : memref<128x128xf32, #tpu.memory_space<vmem_shared>>)
      tpu.yield
    }) : () -> ()
    %add3A_9 = arith.constant 128 : i32
    %add3A_10 = arith.addi %mul3A_6, %add3A_9 : i32
    "tpu.region"() ({
      %run_scoped3A = tpu.sem_alloc : memref<!tpu.dma_semaphore, #tpu.memory_space<semaphore_mem>>
      %dma_start3A_51 = arith.constant 0 : i32
      %dma_start3A_52 = tpu.memref_slice %arg12[%add3A_10, %dma_start3A_51] : memref<10112x128xf32, #tpu.memory_space<vmem_shared>> -> memref<128x128xf32, #tpu.memory_space<vmem_shared>>
      %dma_start3A_53 = arith.constant 0 : i32
      %dma_start3A_54 = tpu.memref_slice %arg12[%add3A_10, %dma_start3A_53] : memref<10112x128xf32, #tpu.memory_space<vmem_shared>> -> memref<128x128xf32, #tpu.memory_space<vmem_shared>>
      tpu.enqueue_dma source(%arg8 : memref<128x128xf32, #tpu.memory_space<vmem>>) target(%dma_start3A_54 : memref<128x128xf32, #tpu.memory_space<vmem_shared>>) target_semaphore(%run_scoped3A : memref<!tpu.dma_semaphore, #tpu.memory_space<semaphore_mem>>)
      %dma_wait3A = arith.constant 0 : i32
      %dma_wait3A_55 = tpu.memref_slice %arg12[%add3A_10, %dma_wait3A] : memref<10112x128xf32, #tpu.memory_space<vmem_shared>> -> memref<128x128xf32, #tpu.memory_space<vmem_shared>>
      %dma_wait3A_56 = arith.constant 0 : i32
      %dma_wait3A_57 = tpu.memref_slice %arg12[%add3A_10, %dma_wait3A_56] : memref<10112x128xf32, #tpu.memory_space<vmem_shared>> -> memref<128x128xf32, #tpu.memory_space<vmem_shared>>
      tpu.wait_dma2 semaphore(%run_scoped3A : memref<!tpu.dma_semaphore, #tpu.memory_space<semaphore_mem>>) src(%arg8 : memref<128x128xf32, #tpu.memory_space<vmem>>) dst(%dma_wait3A_57 : memref<128x128xf32, #tpu.memory_space<vmem_shared>>)
      tpu.yield
    }) : () -> ()
    %add3A_11 = arith.constant 256 : i32
    %add3A_12 = arith.addi %mul3A_6, %add3A_11 : i32
    "tpu.region"() ({
      %run_scoped3A = tpu.sem_alloc : memref<!tpu.dma_semaphore, #tpu.memory_space<semaphore_mem>>
      %dma_start3A_51 = arith.constant 0 : i32
      %dma_start3A_52 = tpu.memref_slice %arg12[%add3A_12, %dma_start3A_51] : memref<10112x128xf32, #tpu.memory_space<vmem_shared>> -> memref<128x128xf32, #tpu.memory_space<vmem_shared>>
      %dma_start3A_53 = arith.constant 0 : i32
      %dma_start3A_54 = tpu.memref_slice %arg12[%add3A_12, %dma_start3A_53] : memref<10112x128xf32, #tpu.memory_space<vmem_shared>> -> memref<128x128xf32, #tpu.memory_space<vmem_shared>>
      tpu.enqueue_dma source(%arg8 : memref<128x128xf32, #tpu.memory_space<vmem>>) target(%dma_start3A_54 : memref<128x128xf32, #tpu.memory_space<vmem_shared>>) target_semaphore(%run_scoped3A : memref<!tpu.dma_semaphore, #tpu.memory_space<semaphore_mem>>)
      %dma_wait3A = arith.constant 0 : i32
      %dma_wait3A_55 = tpu.memref_slice %arg12[%add3A_12, %dma_wait3A] : memref<10112x128xf32, #tpu.memory_space<vmem_shared>> -> memref<128x128xf32, #tpu.memory_space<vmem_shared>>
      %dma_wait3A_56 = arith.constant 0 : i32
      %dma_wait3A_57 = tpu.memref_slice %arg12[%add3A_12, %dma_wait3A_56] : memref<10112x128xf32, #tpu.memory_space<vmem_shared>> -> memref<128x128xf32, #tpu.memory_space<vmem_shared>>
      tpu.wait_dma2 semaphore(%run_scoped3A : memref<!tpu.dma_semaphore, #tpu.memory_space<semaphore_mem>>) src(%arg8 : memref<128x128xf32, #tpu.memory_space<vmem>>) dst(%dma_wait3A_57 : memref<128x128xf32, #tpu.memory_space<vmem_shared>>)
      tpu.yield
    }) : () -> ()
    %add3A_13 = arith.constant 384 : i32
    %add3A_14 = arith.addi %mul3A_6, %add3A_13 : i32
    "tpu.region"() ({
      %run_scoped3A = tpu.sem_alloc : memref<!tpu.dma_semaphore, #tpu.memory_space<semaphore_mem>>
      %dma_start3A_51 = arith.constant 0 : i32
      %dma_start3A_52 = tpu.memref_slice %arg12[%add3A_14, %dma_start3A_51] : memref<10112x128xf32, #tpu.memory_space<vmem_shared>> -> memref<128x128xf32, #tpu.memory_space<vmem_shared>>
      %dma_start3A_53 = arith.constant 0 : i32
      %dma_start3A_54 = tpu.memref_slice %arg12[%add3A_14, %dma_start3A_53] : memref<10112x128xf32, #tpu.memory_space<vmem_shared>> -> memref<128x128xf32, #tpu.memory_space<vmem_shared>>
      tpu.enqueue_dma source(%arg8 : memref<128x128xf32, #tpu.memory_space<vmem>>) target(%dma_start3A_54 : memref<128x128xf32, #tpu.memory_space<vmem_shared>>) target_semaphore(%run_scoped3A : memref<!tpu.dma_semaphore, #tpu.memory_space<semaphore_mem>>)
      %dma_wait3A = arith.constant 0 : i32
      %dma_wait3A_55 = tpu.memref_slice %arg12[%add3A_14, %dma_wait3A] : memref<10112x128xf32, #tpu.memory_space<vmem_shared>> -> memref<128x128xf32, #tpu.memory_space<vmem_shared>>
      %dma_wait3A_56 = arith.constant 0 : i32
      %dma_wait3A_57 = tpu.memref_slice %arg12[%add3A_14, %dma_wait3A_56] : memref<10112x128xf32, #tpu.memory_space<vmem_shared>> -> memref<128x128xf32, #tpu.memory_space<vmem_shared>>
      tpu.wait_dma2 semaphore(%run_scoped3A : memref<!tpu.dma_semaphore, #tpu.memory_space<semaphore_mem>>) src(%arg8 : memref<128x128xf32, #tpu.memory_space<vmem>>) dst(%dma_wait3A_57 : memref<128x128xf32, #tpu.memory_space<vmem_shared>>)
      tpu.yield
    }) : () -> ()
    %add3A_15 = arith.constant 512 : i32
    %add3A_16 = arith.addi %mul3A_6, %add3A_15 : i32
    "tpu.region"() ({
      %run_scoped3A = tpu.sem_alloc : memref<!tpu.dma_semaphore, #tpu.memory_space<semaphore_mem>>
      %dma_start3A_51 = arith.constant 0 : i32
      %dma_start3A_52 = arith.constant 0 : i32
      %dma_start3A_53 = tpu.memref_slice %arg8[%dma_start3A_51, %dma_start3A_52] : memref<128x128xf32, #tpu.memory_space<vmem>> -> memref<120x128xf32, #tpu.memory_space<vmem>>
      %dma_start3A_54 = arith.constant 0 : i32
      %dma_start3A_55 = tpu.memref_slice %arg12[%add3A_16, %dma_start3A_54] : memref<10112x128xf32, #tpu.memory_space<vmem_shared>> -> memref<120x128xf32, #tpu.memory_space<vmem_shared>>
      %dma_start3A_56 = arith.constant 0 : i32
      %dma_start3A_57 = tpu.memref_slice %arg12[%add3A_16, %dma_start3A_56] : memref<10112x128xf32, #tpu.memory_space<vmem_shared>> -> memref<120x128xf32, #tpu.memory_space<vmem_shared>>
      %dma_start3A_58 = arith.constant 0 : i32
      %dma_start3A_59 = arith.constant 0 : i32
      %dma_start3A_60 = tpu.memref_slice %arg8[%dma_start3A_58, %dma_start3A_59] : memref<128x128xf32, #tpu.memory_space<vmem>> -> memref<120x128xf32, #tpu.memory_space<vmem>>
      tpu.enqueue_dma source(%dma_start3A_60 : memref<120x128xf32, #tpu.memory_space<vmem>>) target(%dma_start3A_57 : memref<120x128xf32, #tpu.memory_space<vmem_shared>>) target_semaphore(%run_scoped3A : memref<!tpu.dma_semaphore, #tpu.memory_space<semaphore_mem>>)
      %dma_wait3A = arith.constant 0 : i32
      %dma_wait3A_61 = arith.constant 0 : i32
      %dma_wait3A_62 = tpu.memref_slice %arg8[%dma_wait3A, %dma_wait3A_61] : memref<128x128xf32, #tpu.memory_space<vmem>> -> memref<120x128xf32, #tpu.memory_space<vmem>>
      %dma_wait3A_63 = arith.constant 0 : i32
      %dma_wait3A_64 = tpu.memref_slice %arg12[%add3A_16, %dma_wait3A_63] : memref<10112x128xf32, #tpu.memory_space<vmem_shared>> -> memref<120x128xf32, #tpu.memory_space<vmem_shared>>
      %dma_wait3A_65 = arith.constant 0 : i32
      %dma_wait3A_66 = tpu.memref_slice %arg12[%add3A_16, %dma_wait3A_65] : memref<10112x128xf32, #tpu.memory_space<vmem_shared>> -> memref<120x128xf32, #tpu.memory_space<vmem_shared>>
      %dma_wait3A_67 = arith.constant 0 : i32
      %dma_wait3A_68 = arith.constant 0 : i32
      %dma_wait3A_69 = tpu.memref_slice %arg8[%dma_wait3A_67, %dma_wait3A_68] : memref<128x128xf32, #tpu.memory_space<vmem>> -> memref<120x128xf32, #tpu.memory_space<vmem>>
      tpu.wait_dma2 semaphore(%run_scoped3A : memref<!tpu.dma_semaphore, #tpu.memory_space<semaphore_mem>>) src(%dma_wait3A_69 : memref<120x128xf32, #tpu.memory_space<vmem>>) dst(%dma_wait3A_66 : memref<120x128xf32, #tpu.memory_space<vmem_shared>>)
      tpu.yield
    }) : () -> ()
    %barrier3A = arith.constant 0 : index
    tpu.barrier barrier_id(%barrier3A)
    %mul3A_17 = arith.constant 80 : i32
    %mul3A_18 = arith.muli %add3A, %mul3A_17 : i32
    %add3A_19 = arith.constant 0 : i32
    %add3A_20 = arith.addi %mul3A_18, %add3A_19 : i32
    "tpu.region"() ({
      %run_scoped3A = tpu.sem_alloc : memref<!tpu.dma_semaphore, #tpu.memory_space<semaphore_mem>>
      %dma_start3A_51 = arith.constant 0 : i32
      %dma_start3A_52 = tpu.memref_slice %arg3[%add3A_20, %dma_start3A_51] : memref<2560x128xi32, #tpu.memory_space<hbm>> -> memref<40x128xi32, #tpu.memory_space<hbm>>
      %dma_start3A_53 = arith.constant 0 : i32
      %dma_start3A_54 = tpu.memref_slice %arg3[%add3A_20, %dma_start3A_53] : memref<2560x128xi32, #tpu.memory_space<hbm>> -> memref<40x128xi32, #tpu.memory_space<hbm>>
      tpu.enqueue_dma source(%dma_start3A_54 : memref<40x128xi32, #tpu.memory_space<hbm>>) target(%arg6 : memref<40x128xi32, #tpu.memory_space<vmem>>) target_semaphore(%run_scoped3A : memref<!tpu.dma_semaphore, #tpu.memory_space<semaphore_mem>>)
      %dma_wait3A = arith.constant 0 : i32
      %dma_wait3A_55 = tpu.memref_slice %arg3[%add3A_20, %dma_wait3A] : memref<2560x128xi32, #tpu.memory_space<hbm>> -> memref<40x128xi32, #tpu.memory_space<hbm>>
      %dma_wait3A_56 = arith.constant 0 : i32
      %dma_wait3A_57 = tpu.memref_slice %arg3[%add3A_20, %dma_wait3A_56] : memref<2560x128xi32, #tpu.memory_space<hbm>> -> memref<40x128xi32, #tpu.memory_space<hbm>>
      tpu.wait_dma2 semaphore(%run_scoped3A : memref<!tpu.dma_semaphore, #tpu.memory_space<semaphore_mem>>) src(%dma_wait3A_57 : memref<40x128xi32, #tpu.memory_space<hbm>>) dst(%arg6 : memref<40x128xi32, #tpu.memory_space<vmem>>)
      tpu.yield
    }) : () -> ()
    %add3A_21 = arith.constant 0 : i32
    %add3A_22 = arith.addi %mul3A_18, %add3A_21 : i32
    "tpu.region"() ({
      %run_scoped3A = tpu.sem_alloc : memref<!tpu.dma_semaphore, #tpu.memory_space<semaphore_mem>>
      %dma_start3A_51 = arith.constant 0 : i32
      %dma_start3A_52 = tpu.memref_slice %arg4[%add3A_22, %dma_start3A_51] : memref<2560x128xi32, #tpu.memory_space<hbm>> -> memref<40x128xi32, #tpu.memory_space<hbm>>
      %dma_start3A_53 = arith.constant 0 : i32
      %dma_start3A_54 = tpu.memref_slice %arg4[%add3A_22, %dma_start3A_53] : memref<2560x128xi32, #tpu.memory_space<hbm>> -> memref<40x128xi32, #tpu.memory_space<hbm>>
      tpu.enqueue_dma source(%dma_start3A_54 : memref<40x128xi32, #tpu.memory_space<hbm>>) target(%arg7 : memref<40x128xi32, #tpu.memory_space<vmem>>) target_semaphore(%run_scoped3A : memref<!tpu.dma_semaphore, #tpu.memory_space<semaphore_mem>>)
      %dma_wait3A = arith.constant 0 : i32
      %dma_wait3A_55 = tpu.memref_slice %arg4[%add3A_22, %dma_wait3A] : memref<2560x128xi32, #tpu.memory_space<hbm>> -> memref<40x128xi32, #tpu.memory_space<hbm>>
      %dma_wait3A_56 = arith.constant 0 : i32
      %dma_wait3A_57 = tpu.memref_slice %arg4[%add3A_22, %dma_wait3A_56] : memref<2560x128xi32, #tpu.memory_space<hbm>> -> memref<40x128xi32, #tpu.memory_space<hbm>>
      tpu.wait_dma2 semaphore(%run_scoped3A : memref<!tpu.dma_semaphore, #tpu.memory_space<semaphore_mem>>) src(%dma_wait3A_57 : memref<40x128xi32, #tpu.memory_space<hbm>>) dst(%arg7 : memref<40x128xi32, #tpu.memory_space<vmem>>)
      tpu.yield
    }) : () -> ()
    %dma_start3A = arith.constant 0 : i32
    %dma_start3A_23 = arith.constant 0 : i32
    %dma_start3A_24 = tpu.memref_slice %arg6[%dma_start3A, %dma_start3A_23] : memref<40x128xi32, #tpu.memory_space<vmem>> -> memref<1x128xi32, #tpu.memory_space<vmem>>
    %dma_start3A_25 = tpu.memref_squeeze %dma_start3A_24 : memref<1x128xi32, #tpu.memory_space<vmem>> -> memref<128xi32, #tpu.memory_space<vmem>>
    %dma_start3A_26 = arith.constant 0 : i32
    %dma_start3A_27 = arith.constant 0 : i32
    %dma_start3A_28 = tpu.memref_slice %arg2[%dma_start3A_26, %dma_start3A_27] : memref<10000x128xf32, #tpu.memory_space<hbm>> -> memref<10000x128xf32, #tpu.memory_space<hbm>>
    tpu.enqueue_indirect_dma source(%dma_start3A_28 : memref<10000x128xf32, #tpu.memory_space<hbm>>) target(%arg8 : memref<128x128xf32, #tpu.memory_space<vmem>>) offsets(%dma_start3A_25 : memref<128xi32, #tpu.memory_space<vmem>>) semaphore(%arg10 : memref<!tpu.dma_semaphore, #tpu.memory_space<semaphore_mem>>)
    %scan3A_29 = arith.constant 0 : i32
    %scan3A_30 = arith.constant 20 : i32
    %scan3A_31 = arith.addi %scan3A_29, %scan3A_30 : i32
    %scan3A_32 = arith.constant 1 : i32
    scf.for %scan3A_51 = %scan3A_29 to %scan3A_31 step %scan3A_32  : i32 {
      %mul3A_52 = arith.constant 1 : i32
      %mul3A_53 = arith.muli %scan3A_51, %mul3A_52 : i32
      %add3A_54 = arith.constant 0 : i32
      %add3A_55 = arith.addi %add3A_54, %mul3A_53 : i32
      %mul3A_56 = arith.constant 2 : i32
      %mul3A_57 = arith.muli %mul3A_56, %add3A_55 : i32
      %add3A_58 = arith.constant 1 : i32
      %add3A_59 = arith.addi %mul3A_57, %add3A_58 : i32
      %dma_start3A_60 = arith.constant 0 : i32
      %dma_start3A_61 = tpu.memref_slice %arg6[%add3A_59, %dma_start3A_60] : memref<40x128xi32, #tpu.memory_space<vmem>> -> memref<1x128xi32, #tpu.memory_space<vmem>>
      %dma_start3A_62 = tpu.memref_squeeze %dma_start3A_61 : memref<1x128xi32, #tpu.memory_space<vmem>> -> memref<128xi32, #tpu.memory_space<vmem>>
      %dma_start3A_63 = arith.constant 0 : i32
      %dma_start3A_64 = arith.constant 0 : i32
      %dma_start3A_65 = tpu.memref_slice %arg2[%dma_start3A_63, %dma_start3A_64] : memref<10000x128xf32, #tpu.memory_space<hbm>> -> memref<10000x128xf32, #tpu.memory_space<hbm>>
      tpu.enqueue_indirect_dma source(%dma_start3A_65 : memref<10000x128xf32, #tpu.memory_space<hbm>>) target(%arg9 : memref<128x128xf32, #tpu.memory_space<vmem>>) offsets(%dma_start3A_62 : memref<128xi32, #tpu.memory_space<vmem>>) semaphore(%arg11 : memref<!tpu.dma_semaphore, #tpu.memory_space<semaphore_mem>>)
      %dma_wait3A = arith.constant 0 : i32
      %dma_wait3A_66 = arith.constant 0 : i32
      %dma_wait3A_67 = tpu.memref_slice %arg6[%dma_wait3A, %dma_wait3A_66] : memref<40x128xi32, #tpu.memory_space<vmem>> -> memref<1x128xi32, #tpu.memory_space<vmem>>
      %dma_wait3A_68 = tpu.memref_squeeze %dma_wait3A_67 : memref<1x128xi32, #tpu.memory_space<vmem>> -> memref<128xi32, #tpu.memory_space<vmem>>
      %dma_wait3A_69 = arith.constant 0 : i32
      %dma_wait3A_70 = arith.constant 0 : i32
      %dma_wait3A_71 = tpu.memref_slice %arg2[%dma_wait3A_69, %dma_wait3A_70] : memref<10000x128xf32, #tpu.memory_space<hbm>> -> memref<10000x128xf32, #tpu.memory_space<hbm>>
      tpu.wait_indirect_dma semaphore(%arg10 : memref<!tpu.dma_semaphore, #tpu.memory_space<semaphore_mem>>) src(%dma_wait3A_71 : memref<10000x128xf32, #tpu.memory_space<hbm>>) dst(%arg8 : memref<128x128xf32, #tpu.memory_space<vmem>>)
      %mul3A_72 = arith.constant 2 : i32
      %mul3A_73 = arith.muli %mul3A_72, %add3A_55 : i32
      %dma_start3A_74 = arith.constant 0 : i32
      %dma_start3A_75 = tpu.memref_slice %arg7[%mul3A_73, %dma_start3A_74] : memref<40x128xi32, #tpu.memory_space<vmem>> -> memref<1x128xi32, #tpu.memory_space<vmem>>
      %dma_start3A_76 = tpu.memref_squeeze %dma_start3A_75 : memref<1x128xi32, #tpu.memory_space<vmem>> -> memref<128xi32, #tpu.memory_space<vmem>>
      %dma_start3A_77 = arith.constant 0 : i32
      %dma_start3A_78 = arith.constant 0 : i32
      %dma_start3A_79 = tpu.memref_slice %arg12[%dma_start3A_77, %dma_start3A_78] : memref<10112x128xf32, #tpu.memory_space<vmem_shared>> -> memref<10112x128xf32, #tpu.memory_space<vmem_shared>>
      tpu.enqueue_indirect_dma source(%arg8 : memref<128x128xf32, #tpu.memory_space<vmem>>) target(%dma_start3A_79 : memref<10112x128xf32, #tpu.memory_space<vmem_shared>>) offsets(%dma_start3A_76 : memref<128xi32, #tpu.memory_space<vmem>>) semaphore(%arg10 : memref<!tpu.dma_semaphore, #tpu.memory_space<semaphore_mem>>) {add = true}
      %dma_wait3A_80 = arith.constant 0 : i32
      %dma_wait3A_81 = arith.constant 0 : i32
      %dma_wait3A_82 = tpu.memref_slice %arg7[%dma_wait3A_80, %dma_wait3A_81] : memref<40x128xi32, #tpu.memory_space<vmem>> -> memref<1x128xi32, #tpu.memory_space<vmem>>
      %dma_wait3A_83 = tpu.memref_squeeze %dma_wait3A_82 : memref<1x128xi32, #tpu.memory_space<vmem>> -> memref<128xi32, #tpu.memory_space<vmem>>
      %dma_wait3A_84 = arith.constant 0 : i32
      %dma_wait3A_85 = arith.constant 0 : i32
      %dma_wait3A_86 = tpu.memref_slice %arg12[%dma_wait3A_84, %dma_wait3A_85] : memref<10112x128xf32, #tpu.memory_space<vmem_shared>> -> memref<10112x128xf32, #tpu.memory_space<vmem_shared>>
      tpu.wait_indirect_dma semaphore(%arg10 : memref<!tpu.dma_semaphore, #tpu.memory_space<semaphore_mem>>) src(%arg8 : memref<128x128xf32, #tpu.memory_space<vmem>>) dst(%dma_wait3A_86 : memref<10112x128xf32, #tpu.memory_space<vmem_shared>>)
      %lt3A = arith.constant 19 : i32
      %lt3A_87 = arith.cmpi slt, %add3A_55, %lt3A : i32
      %convert_element_type3A = arith.extui %lt3A_87 : i1 to i32
      %cond3A = arith.constant 0 : i32
      %cond3A_88 = arith.cmpi ne, %convert_element_type3A, %cond3A : i32
      scf.if %cond3A_88 {
        %mul3A_113 = arith.constant 2 : i32
        %mul3A_114 = arith.muli %mul3A_113, %add3A_55 : i32
        %add3A_115 = arith.constant 2 : i32
        %add3A_116 = arith.addi %mul3A_114, %add3A_115 : i32
        %dma_start3A_117 = arith.constant 0 : i32
        %dma_start3A_118 = tpu.memref_slice %arg6[%add3A_116, %dma_start3A_117] : memref<40x128xi32, #tpu.memory_space<vmem>> -> memref<1x128xi32, #tpu.memory_space<vmem>>
        %dma_start3A_119 = tpu.memref_squeeze %dma_start3A_118 : memref<1x128xi32, #tpu.memory_space<vmem>> -> memref<128xi32, #tpu.memory_space<vmem>>
        %dma_start3A_120 = arith.constant 0 : i32
        %dma_start3A_121 = arith.constant 0 : i32
        %dma_start3A_122 = tpu.memref_slice %arg2[%dma_start3A_120, %dma_start3A_121] : memref<10000x128xf32, #tpu.memory_space<hbm>> -> memref<10000x128xf32, #tpu.memory_space<hbm>>
        tpu.enqueue_indirect_dma source(%dma_start3A_122 : memref<10000x128xf32, #tpu.memory_space<hbm>>) target(%arg8 : memref<128x128xf32, #tpu.memory_space<vmem>>) offsets(%dma_start3A_119 : memref<128xi32, #tpu.memory_space<vmem>>) semaphore(%arg10 : memref<!tpu.dma_semaphore, #tpu.memory_space<semaphore_mem>>)
      } else {
      }
      %dma_wait3A_89 = arith.constant 0 : i32
      %dma_wait3A_90 = arith.constant 0 : i32
      %dma_wait3A_91 = tpu.memref_slice %arg6[%dma_wait3A_89, %dma_wait3A_90] : memref<40x128xi32, #tpu.memory_space<vmem>> -> memref<1x128xi32, #tpu.memory_space<vmem>>
      %dma_wait3A_92 = tpu.memref_squeeze %dma_wait3A_91 : memref<1x128xi32, #tpu.memory_space<vmem>> -> memref<128xi32, #tpu.memory_space<vmem>>
      %dma_wait3A_93 = arith.constant 0 : i32
      %dma_wait3A_94 = arith.constant 0 : i32
      %dma_wait3A_95 = tpu.memref_slice %arg2[%dma_wait3A_93, %dma_wait3A_94] : memref<10000x128xf32, #tpu.memory_space<hbm>> -> memref<10000x128xf32, #tpu.memory_space<hbm>>
      tpu.wait_indirect_dma semaphore(%arg11 : memref<!tpu.dma_semaphore, #tpu.memory_space<semaphore_mem>>) src(%dma_wait3A_95 : memref<10000x128xf32, #tpu.memory_space<hbm>>) dst(%arg9 : memref<128x128xf32, #tpu.memory_space<vmem>>)
      %mul3A_96 = arith.constant 2 : i32
      %mul3A_97 = arith.muli %mul3A_96, %add3A_55 : i32
      %add3A_98 = arith.constant 1 : i32
      %add3A_99 = arith.addi %mul3A_97, %add3A_98 : i32
      %dma_start3A_100 = arith.constant 0 : i32
      %dma_start3A_101 = tpu.memref_slice %arg7[%add3A_99, %dma_start3A_100] : memref<40x128xi32, #tpu.memory_space<vmem>> -> memref<1x128xi32, #tpu.memory_space<vmem>>
      %dma_start3A_102 = tpu.memref_squeeze %dma_start3A_101 : memref<1x128xi32, #tpu.memory_space<vmem>> -> memref<128xi32, #tpu.memory_space<vmem>>
      %dma_start3A_103 = arith.constant 0 : i32
      %dma_start3A_104 = arith.constant 0 : i32
      %dma_start3A_105 = tpu.memref_slice %arg12[%dma_start3A_103, %dma_start3A_104] : memref<10112x128xf32, #tpu.memory_space<vmem_shared>> -> memref<10112x128xf32, #tpu.memory_space<vmem_shared>>
      tpu.enqueue_indirect_dma source(%arg9 : memref<128x128xf32, #tpu.memory_space<vmem>>) target(%dma_start3A_105 : memref<10112x128xf32, #tpu.memory_space<vmem_shared>>) offsets(%dma_start3A_102 : memref<128xi32, #tpu.memory_space<vmem>>) semaphore(%arg11 : memref<!tpu.dma_semaphore, #tpu.memory_space<semaphore_mem>>) {add = true}
      %dma_wait3A_106 = arith.constant 0 : i32
      %dma_wait3A_107 = arith.constant 0 : i32
      %dma_wait3A_108 = tpu.memref_slice %arg7[%dma_wait3A_106, %dma_wait3A_107] : memref<40x128xi32, #tpu.memory_space<vmem>> -> memref<1x128xi32, #tpu.memory_space<vmem>>
      %dma_wait3A_109 = tpu.memref_squeeze %dma_wait3A_108 : memref<1x128xi32, #tpu.memory_space<vmem>> -> memref<128xi32, #tpu.memory_space<vmem>>
      %dma_wait3A_110 = arith.constant 0 : i32
      %dma_wait3A_111 = arith.constant 0 : i32
      %dma_wait3A_112 = tpu.memref_slice %arg12[%dma_wait3A_110, %dma_wait3A_111] : memref<10112x128xf32, #tpu.memory_space<vmem_shared>> -> memref<10112x128xf32, #tpu.memory_space<vmem_shared>>
      tpu.wait_indirect_dma semaphore(%arg11 : memref<!tpu.dma_semaphore, #tpu.memory_space<semaphore_mem>>) src(%arg9 : memref<128x128xf32, #tpu.memory_space<vmem>>) dst(%dma_wait3A_112 : memref<10112x128xf32, #tpu.memory_space<vmem_shared>>)
    }
    %scan3A_33 = arith.constant 20 : i32
    %add3A_34 = arith.constant 40 : i32
    %add3A_35 = arith.addi %mul3A_18, %add3A_34 : i32
    "tpu.region"() ({
      %run_scoped3A = tpu.sem_alloc : memref<!tpu.dma_semaphore, #tpu.memory_space<semaphore_mem>>
      %dma_start3A_51 = arith.constant 0 : i32
      %dma_start3A_52 = tpu.memref_slice %arg3[%add3A_35, %dma_start3A_51] : memref<2560x128xi32, #tpu.memory_space<hbm>> -> memref<40x128xi32, #tpu.memory_space<hbm>>
      %dma_start3A_53 = arith.constant 0 : i32
      %dma_start3A_54 = tpu.memref_slice %arg3[%add3A_35, %dma_start3A_53] : memref<2560x128xi32, #tpu.memory_space<hbm>> -> memref<40x128xi32, #tpu.memory_space<hbm>>
      tpu.enqueue_dma source(%dma_start3A_54 : memref<40x128xi32, #tpu.memory_space<hbm>>) target(%arg6 : memref<40x128xi32, #tpu.memory_space<vmem>>) target_semaphore(%run_scoped3A : memref<!tpu.dma_semaphore, #tpu.memory_space<semaphore_mem>>)
      %dma_wait3A = arith.constant 0 : i32
      %dma_wait3A_55 = tpu.memref_slice %arg3[%add3A_35, %dma_wait3A] : memref<2560x128xi32, #tpu.memory_space<hbm>> -> memref<40x128xi32, #tpu.memory_space<hbm>>
      %dma_wait3A_56 = arith.constant 0 : i32
      %dma_wait3A_57 = tpu.memref_slice %arg3[%add3A_35, %dma_wait3A_56] : memref<2560x128xi32, #tpu.memory_space<hbm>> -> memref<40x128xi32, #tpu.memory_space<hbm>>
      tpu.wait_dma2 semaphore(%run_scoped3A : memref<!tpu.dma_semaphore, #tpu.memory_space<semaphore_mem>>) src(%dma_wait3A_57 : memref<40x128xi32, #tpu.memory_space<hbm>>) dst(%arg6 : memref<40x128xi32, #tpu.memory_space<vmem>>)
      tpu.yield
    }) : () -> ()
    %add3A_36 = arith.constant 40 : i32
    %add3A_37 = arith.addi %mul3A_18, %add3A_36 : i32
    "tpu.region"() ({
      %run_scoped3A = tpu.sem_alloc : memref<!tpu.dma_semaphore, #tpu.memory_space<semaphore_mem>>
      %dma_start3A_51 = arith.constant 0 : i32
      %dma_start3A_52 = tpu.memref_slice %arg4[%add3A_37, %dma_start3A_51] : memref<2560x128xi32, #tpu.memory_space<hbm>> -> memref<40x128xi32, #tpu.memory_space<hbm>>
      %dma_start3A_53 = arith.constant 0 : i32
      %dma_start3A_54 = tpu.memref_slice %arg4[%add3A_37, %dma_start3A_53] : memref<2560x128xi32, #tpu.memory_space<hbm>> -> memref<40x128xi32, #tpu.memory_space<hbm>>
      tpu.enqueue_dma source(%dma_start3A_54 : memref<40x128xi32, #tpu.memory_space<hbm>>) target(%arg7 : memref<40x128xi32, #tpu.memory_space<vmem>>) target_semaphore(%run_scoped3A : memref<!tpu.dma_semaphore, #tpu.memory_space<semaphore_mem>>)
      %dma_wait3A = arith.constant 0 : i32
      %dma_wait3A_55 = tpu.memref_slice %arg4[%add3A_37, %dma_wait3A] : memref<2560x128xi32, #tpu.memory_space<hbm>> -> memref<40x128xi32, #tpu.memory_space<hbm>>
      %dma_wait3A_56 = arith.constant 0 : i32
      %dma_wait3A_57 = tpu.memref_slice %arg4[%add3A_37, %dma_wait3A_56] : memref<2560x128xi32, #tpu.memory_space<hbm>> -> memref<40x128xi32, #tpu.memory_space<hbm>>
      tpu.wait_dma2 semaphore(%run_scoped3A : memref<!tpu.dma_semaphore, #tpu.memory_space<semaphore_mem>>) src(%dma_wait3A_57 : memref<40x128xi32, #tpu.memory_space<hbm>>) dst(%arg7 : memref<40x128xi32, #tpu.memory_space<vmem>>)
      tpu.yield
    }) : () -> ()
    %dma_start3A_38 = arith.constant 0 : i32
    %dma_start3A_39 = arith.constant 0 : i32
    %dma_start3A_40 = tpu.memref_slice %arg6[%dma_start3A_38, %dma_start3A_39] : memref<40x128xi32, #tpu.memory_space<vmem>> -> memref<1x128xi32, #tpu.memory_space<vmem>>
    %dma_start3A_41 = tpu.memref_squeeze %dma_start3A_40 : memref<1x128xi32, #tpu.memory_space<vmem>> -> memref<128xi32, #tpu.memory_space<vmem>>
    %dma_start3A_42 = arith.constant 0 : i32
    %dma_start3A_43 = arith.constant 0 : i32
    %dma_start3A_44 = tpu.memref_slice %arg2[%dma_start3A_42, %dma_start3A_43] : memref<10000x128xf32, #tpu.memory_space<hbm>> -> memref<10000x128xf32, #tpu.memory_space<hbm>>
    tpu.enqueue_indirect_dma source(%dma_start3A_44 : memref<10000x128xf32, #tpu.memory_space<hbm>>) target(%arg8 : memref<128x128xf32, #tpu.memory_space<vmem>>) offsets(%dma_start3A_41 : memref<128xi32, #tpu.memory_space<vmem>>) semaphore(%arg10 : memref<!tpu.dma_semaphore, #tpu.memory_space<semaphore_mem>>)
    %scan3A_45 = arith.constant 0 : i32
    %scan3A_46 = arith.constant 20 : i32
    %scan3A_47 = arith.addi %scan3A_45, %scan3A_46 : i32
    %scan3A_48 = arith.constant 1 : i32
    scf.for %scan3A_51 = %scan3A_45 to %scan3A_47 step %scan3A_48  : i32 {
      %mul3A_52 = arith.constant 1 : i32
      %mul3A_53 = arith.muli %scan3A_51, %mul3A_52 : i32
      %add3A_54 = arith.constant 0 : i32
      %add3A_55 = arith.addi %add3A_54, %mul3A_53 : i32
      %mul3A_56 = arith.constant 2 : i32
      %mul3A_57 = arith.muli %mul3A_56, %add3A_55 : i32
      %add3A_58 = arith.constant 1 : i32
      %add3A_59 = arith.addi %mul3A_57, %add3A_58 : i32
      %dma_start3A_60 = arith.constant 0 : i32
      %dma_start3A_61 = tpu.memref_slice %arg6[%add3A_59, %dma_start3A_60] : memref<40x128xi32, #tpu.memory_space<vmem>> -> memref<1x128xi32, #tpu.memory_space<vmem>>
      %dma_start3A_62 = tpu.memref_squeeze %dma_start3A_61 : memref<1x128xi32, #tpu.memory_space<vmem>> -> memref<128xi32, #tpu.memory_space<vmem>>
      %dma_start3A_63 = arith.constant 0 : i32
      %dma_start3A_64 = arith.constant 0 : i32
      %dma_start3A_65 = tpu.memref_slice %arg2[%dma_start3A_63, %dma_start3A_64] : memref<10000x128xf32, #tpu.memory_space<hbm>> -> memref<10000x128xf32, #tpu.memory_space<hbm>>
      tpu.enqueue_indirect_dma source(%dma_start3A_65 : memref<10000x128xf32, #tpu.memory_space<hbm>>) target(%arg9 : memref<128x128xf32, #tpu.memory_space<vmem>>) offsets(%dma_start3A_62 : memref<128xi32, #tpu.memory_space<vmem>>) semaphore(%arg11 : memref<!tpu.dma_semaphore, #tpu.memory_space<semaphore_mem>>)
      %dma_wait3A = arith.constant 0 : i32
      %dma_wait3A_66 = arith.constant 0 : i32
      %dma_wait3A_67 = tpu.memref_slice %arg6[%dma_wait3A, %dma_wait3A_66] : memref<40x128xi32, #tpu.memory_space<vmem>> -> memref<1x128xi32, #tpu.memory_space<vmem>>
      %dma_wait3A_68 = tpu.memref_squeeze %dma_wait3A_67 : memref<1x128xi32, #tpu.memory_space<vmem>> -> memref<128xi32, #tpu.memory_space<vmem>>
      %dma_wait3A_69 = arith.constant 0 : i32
      %dma_wait3A_70 = arith.constant 0 : i32
      %dma_wait3A_71 = tpu.memref_slice %arg2[%dma_wait3A_69, %dma_wait3A_70] : memref<10000x128xf32, #tpu.memory_space<hbm>> -> memref<10000x128xf32, #tpu.memory_space<hbm>>
      tpu.wait_indirect_dma semaphore(%arg10 : memref<!tpu.dma_semaphore, #tpu.memory_space<semaphore_mem>>) src(%dma_wait3A_71 : memref<10000x128xf32, #tpu.memory_space<hbm>>) dst(%arg8 : memref<128x128xf32, #tpu.memory_space<vmem>>)
      %mul3A_72 = arith.constant 2 : i32
      %mul3A_73 = arith.muli %mul3A_72, %add3A_55 : i32
      %dma_start3A_74 = arith.constant 0 : i32
      %dma_start3A_75 = tpu.memref_slice %arg7[%mul3A_73, %dma_start3A_74] : memref<40x128xi32, #tpu.memory_space<vmem>> -> memref<1x128xi32, #tpu.memory_space<vmem>>
      %dma_start3A_76 = tpu.memref_squeeze %dma_start3A_75 : memref<1x128xi32, #tpu.memory_space<vmem>> -> memref<128xi32, #tpu.memory_space<vmem>>
      %dma_start3A_77 = arith.constant 0 : i32
      %dma_start3A_78 = arith.constant 0 : i32
      %dma_start3A_79 = tpu.memref_slice %arg12[%dma_start3A_77, %dma_start3A_78] : memref<10112x128xf32, #tpu.memory_space<vmem_shared>> -> memref<10112x128xf32, #tpu.memory_space<vmem_shared>>
      tpu.enqueue_indirect_dma source(%arg8 : memref<128x128xf32, #tpu.memory_space<vmem>>) target(%dma_start3A_79 : memref<10112x128xf32, #tpu.memory_space<vmem_shared>>) offsets(%dma_start3A_76 : memref<128xi32, #tpu.memory_space<vmem>>) semaphore(%arg10 : memref<!tpu.dma_semaphore, #tpu.memory_space<semaphore_mem>>) {add = true}
      %dma_wait3A_80 = arith.constant 0 : i32
      %dma_wait3A_81 = arith.constant 0 : i32
      %dma_wait3A_82 = tpu.memref_slice %arg7[%dma_wait3A_80, %dma_wait3A_81] : memref<40x128xi32, #tpu.memory_space<vmem>> -> memref<1x128xi32, #tpu.memory_space<vmem>>
      %dma_wait3A_83 = tpu.memref_squeeze %dma_wait3A_82 : memref<1x128xi32, #tpu.memory_space<vmem>> -> memref<128xi32, #tpu.memory_space<vmem>>
      %dma_wait3A_84 = arith.constant 0 : i32
      %dma_wait3A_85 = arith.constant 0 : i32
      %dma_wait3A_86 = tpu.memref_slice %arg12[%dma_wait3A_84, %dma_wait3A_85] : memref<10112x128xf32, #tpu.memory_space<vmem_shared>> -> memref<10112x128xf32, #tpu.memory_space<vmem_shared>>
      tpu.wait_indirect_dma semaphore(%arg10 : memref<!tpu.dma_semaphore, #tpu.memory_space<semaphore_mem>>) src(%arg8 : memref<128x128xf32, #tpu.memory_space<vmem>>) dst(%dma_wait3A_86 : memref<10112x128xf32, #tpu.memory_space<vmem_shared>>)
      %lt3A = arith.constant 19 : i32
      %lt3A_87 = arith.cmpi slt, %add3A_55, %lt3A : i32
      %convert_element_type3A = arith.extui %lt3A_87 : i1 to i32
      %cond3A = arith.constant 0 : i32
      %cond3A_88 = arith.cmpi ne, %convert_element_type3A, %cond3A : i32
      scf.if %cond3A_88 {
        %mul3A_113 = arith.constant 2 : i32
        %mul3A_114 = arith.muli %mul3A_113, %add3A_55 : i32
        %add3A_115 = arith.constant 2 : i32
        %add3A_116 = arith.addi %mul3A_114, %add3A_115 : i32
        %dma_start3A_117 = arith.constant 0 : i32
        %dma_start3A_118 = tpu.memref_slice %arg6[%add3A_116, %dma_start3A_117] : memref<40x128xi32, #tpu.memory_space<vmem>> -> memref<1x128xi32, #tpu.memory_space<vmem>>
        %dma_start3A_119 = tpu.memref_squeeze %dma_start3A_118 : memref<1x128xi32, #tpu.memory_space<vmem>> -> memref<128xi32, #tpu.memory_space<vmem>>
        %dma_start3A_120 = arith.constant 0 : i32
        %dma_start3A_121 = arith.constant 0 : i32
        %dma_start3A_122 = tpu.memref_slice %arg2[%dma_start3A_120, %dma_start3A_121] : memref<10000x128xf32, #tpu.memory_space<hbm>> -> memref<10000x128xf32, #tpu.memory_space<hbm>>
        tpu.enqueue_indirect_dma source(%dma_start3A_122 : memref<10000x128xf32, #tpu.memory_space<hbm>>) target(%arg8 : memref<128x128xf32, #tpu.memory_space<vmem>>) offsets(%dma_start3A_119 : memref<128xi32, #tpu.memory_space<vmem>>) semaphore(%arg10 : memref<!tpu.dma_semaphore, #tpu.memory_space<semaphore_mem>>)
      } else {
      }
      %dma_wait3A_89 = arith.constant 0 : i32
      %dma_wait3A_90 = arith.constant 0 : i32
      %dma_wait3A_91 = tpu.memref_slice %arg6[%dma_wait3A_89, %dma_wait3A_90] : memref<40x128xi32, #tpu.memory_space<vmem>> -> memref<1x128xi32, #tpu.memory_space<vmem>>
      %dma_wait3A_92 = tpu.memref_squeeze %dma_wait3A_91 : memref<1x128xi32, #tpu.memory_space<vmem>> -> memref<128xi32, #tpu.memory_space<vmem>>
      %dma_wait3A_93 = arith.constant 0 : i32
      %dma_wait3A_94 = arith.constant 0 : i32
      %dma_wait3A_95 = tpu.memref_slice %arg2[%dma_wait3A_93, %dma_wait3A_94] : memref<10000x128xf32, #tpu.memory_space<hbm>> -> memref<10000x128xf32, #tpu.memory_space<hbm>>
      tpu.wait_indirect_dma semaphore(%arg11 : memref<!tpu.dma_semaphore, #tpu.memory_space<semaphore_mem>>) src(%dma_wait3A_95 : memref<10000x128xf32, #tpu.memory_space<hbm>>) dst(%arg9 : memref<128x128xf32, #tpu.memory_space<vmem>>)
      %mul3A_96 = arith.constant 2 : i32
      %mul3A_97 = arith.muli %mul3A_96, %add3A_55 : i32
      %add3A_98 = arith.constant 1 : i32
      %add3A_99 = arith.addi %mul3A_97, %add3A_98 : i32
      %dma_start3A_100 = arith.constant 0 : i32
      %dma_start3A_101 = tpu.memref_slice %arg7[%add3A_99, %dma_start3A_100] : memref<40x128xi32, #tpu.memory_space<vmem>> -> memref<1x128xi32, #tpu.memory_space<vmem>>
      %dma_start3A_102 = tpu.memref_squeeze %dma_start3A_101 : memref<1x128xi32, #tpu.memory_space<vmem>> -> memref<128xi32, #tpu.memory_space<vmem>>
      %dma_start3A_103 = arith.constant 0 : i32
      %dma_start3A_104 = arith.constant 0 : i32
      %dma_start3A_105 = tpu.memref_slice %arg12[%dma_start3A_103, %dma_start3A_104] : memref<10112x128xf32, #tpu.memory_space<vmem_shared>> -> memref<10112x128xf32, #tpu.memory_space<vmem_shared>>
      tpu.enqueue_indirect_dma source(%arg9 : memref<128x128xf32, #tpu.memory_space<vmem>>) target(%dma_start3A_105 : memref<10112x128xf32, #tpu.memory_space<vmem_shared>>) offsets(%dma_start3A_102 : memref<128xi32, #tpu.memory_space<vmem>>) semaphore(%arg11 : memref<!tpu.dma_semaphore, #tpu.memory_space<semaphore_mem>>) {add = true}
      %dma_wait3A_106 = arith.constant 0 : i32
      %dma_wait3A_107 = arith.constant 0 : i32
      %dma_wait3A_108 = tpu.memref_slice %arg7[%dma_wait3A_106, %dma_wait3A_107] : memref<40x128xi32, #tpu.memory_space<vmem>> -> memref<1x128xi32, #tpu.memory_space<vmem>>
      %dma_wait3A_109 = tpu.memref_squeeze %dma_wait3A_108 : memref<1x128xi32, #tpu.memory_space<vmem>> -> memref<128xi32, #tpu.memory_space<vmem>>
      %dma_wait3A_110 = arith.constant 0 : i32
      %dma_wait3A_111 = arith.constant 0 : i32
      %dma_wait3A_112 = tpu.memref_slice %arg12[%dma_wait3A_110, %dma_wait3A_111] : memref<10112x128xf32, #tpu.memory_space<vmem_shared>> -> memref<10112x128xf32, #tpu.memory_space<vmem_shared>>
      tpu.wait_indirect_dma semaphore(%arg11 : memref<!tpu.dma_semaphore, #tpu.memory_space<semaphore_mem>>) src(%arg9 : memref<128x128xf32, #tpu.memory_space<vmem>>) dst(%dma_wait3A_112 : memref<10112x128xf32, #tpu.memory_space<vmem_shared>>)
    }
    %scan3A_49 = arith.constant 20 : i32
    %barrier3A_50 = arith.constant 0 : index
    tpu.barrier barrier_id(%barrier3A_50)
    "tpu.region"() ({
      %run_scoped3A = tpu.sem_alloc : memref<!tpu.dma_semaphore, #tpu.memory_space<semaphore_mem>>
      %dma_start3A_51 = arith.constant 0 : i32
      %dma_start3A_52 = arith.constant 0 : i32
      %dma_start3A_53 = tpu.memref_slice %arg5[%arg0, %dma_start3A_51, %dma_start3A_52] : memref<2x10112x128xf32, #tpu.memory_space<hbm>> -> memref<1x10112x128xf32, #tpu.memory_space<hbm>>
      %dma_start3A_54 = tpu.memref_squeeze %dma_start3A_53 : memref<1x10112x128xf32, #tpu.memory_space<hbm>> -> memref<10112x128xf32, #tpu.memory_space<hbm>>
      %dma_start3A_55 = arith.constant 0 : i32
      %dma_start3A_56 = tpu.memref_slice %dma_start3A_54[%mul3A_6, %dma_start3A_55] : memref<10112x128xf32, #tpu.memory_space<hbm>> -> memref<632x128xf32, #tpu.memory_space<hbm>>
      %dma_start3A_57 = arith.constant 0 : i32
      %dma_start3A_58 = tpu.memref_slice %arg12[%mul3A_6, %dma_start3A_57] : memref<10112x128xf32, #tpu.memory_space<vmem_shared>> -> memref<632x128xf32, #tpu.memory_space<vmem_shared>>
      tpu.enqueue_dma source(%dma_start3A_58 : memref<632x128xf32, #tpu.memory_space<vmem_shared>>) target(%dma_start3A_56 : memref<632x128xf32, #tpu.memory_space<hbm>>) target_semaphore(%run_scoped3A : memref<!tpu.dma_semaphore, #tpu.memory_space<semaphore_mem>>)
      %dma_wait3A = arith.constant 0 : i32
      %dma_wait3A_59 = arith.constant 0 : i32
      %dma_wait3A_60 = tpu.memref_slice %arg5[%arg0, %dma_wait3A, %dma_wait3A_59] : memref<2x10112x128xf32, #tpu.memory_space<hbm>> -> memref<1x10112x128xf32, #tpu.memory_space<hbm>>
      %dma_wait3A_61 = tpu.memref_squeeze %dma_wait3A_60 : memref<1x10112x128xf32, #tpu.memory_space<hbm>> -> memref<10112x128xf32, #tpu.memory_space<hbm>>
      %dma_wait3A_62 = arith.constant 0 : i32
      %dma_wait3A_63 = tpu.memref_slice %dma_wait3A_61[%mul3A_6, %dma_wait3A_62] : memref<10112x128xf32, #tpu.memory_space<hbm>> -> memref<632x128xf32, #tpu.memory_space<hbm>>
      %dma_wait3A_64 = arith.constant 0 : i32
      %dma_wait3A_65 = tpu.memref_slice %arg12[%mul3A_6, %dma_wait3A_64] : memref<10112x128xf32, #tpu.memory_space<vmem_shared>> -> memref<632x128xf32, #tpu.memory_space<vmem_shared>>
      tpu.wait_dma2 semaphore(%run_scoped3A : memref<!tpu.dma_semaphore, #tpu.memory_space<semaphore_mem>>) src(%dma_wait3A_65 : memref<632x128xf32, #tpu.memory_space<vmem_shared>>) dst(%dma_wait3A_63 : memref<632x128xf32, #tpu.memory_space<hbm>>)
      tpu.yield
    }) : () -> ()
    return
  }
}

module attributes {stable_mosaic.version = 14 : i64} {
  func.func @_layer1_body(%arg0: i32, %arg1: memref<1x1000x128xf32, #tpu.memory_space<vmem>>, %arg2: memref<1x1000x128xf32, #tpu.memory_space<vmem>>, %arg3: memref<1x1000x128xf32, #tpu.memory_space<vmem>>, %arg4: memref<1x1000x128xf32, #tpu.memory_space<vmem>>, %arg5: memref<1000x128xf32, #tpu.memory_space<vmem>>, %arg6: memref<128x128xf32, #tpu.memory_space<vmem>>, %arg7: memref<1x128xf32, #tpu.memory_space<vmem>>, %arg8: memref<128x128xf32, #tpu.memory_space<vmem>>, %arg9: memref<1000x128xf32, #tpu.memory_space<vmem>>) attributes {dimension_semantics = [#tpu.dimension_semantics<arbitrary>], iteration_bounds = array<i64: 10>, scalar_prefetch = 0 : i64, scratch_operands = 0 : i64, tpu.core_type = #tpu.core_type<tc>, window_params = [{transform_indices = @transform_0, window_bounds = array<i64: 1, 1000, 128>}, {transform_indices = @transform_1, window_bounds = array<i64: 1, 1000, 128>}, {transform_indices = @transform_2, window_bounds = array<i64: 1, 1000, 128>}, {transform_indices = @transform_3, window_bounds = array<i64: 1, 1000, 128>}, {transform_indices = @transform_4, window_bounds = array<i64: 1000, 128>}, {pipeline_mode = #tpu.pipeline_mode<synchronous>, transform_indices = @transform_5, window_bounds = array<i64: 128, 128>}, {pipeline_mode = #tpu.pipeline_mode<synchronous>, transform_indices = @transform_6, window_bounds = array<i64: 1, 128>}, {pipeline_mode = #tpu.pipeline_mode<synchronous>, transform_indices = @transform_7, window_bounds = array<i64: 128, 128>}, {transform_indices = @transform_8, window_bounds = array<i64: 1000, 128>}]} {
    %get3A = arith.constant 0 : index
    %get3A_0 = arith.constant 0 : index
    %get3A_1 = arith.constant 0 : index
    %get3A_2 = vector.load %arg3[%get3A, %get3A_0, %get3A_1] : memref<1x1000x128xf32, #tpu.memory_space<vmem>>, vector<1x1000x1xf32>
    %get3A_3 = vector.shape_cast %get3A_2 : vector<1x1000x1xf32> to vector<1000x1xf32>
    %get3A_4 = arith.constant 0 : index
    %get3A_5 = arith.constant 0 : index
    %get3A_6 = arith.constant 0 : index
    %get3A_7 = vector.load %arg4[%get3A_4, %get3A_5, %get3A_6] : memref<1x1000x128xf32, #tpu.memory_space<vmem>>, vector<1x1000x1xf32>
    %get3A_8 = vector.shape_cast %get3A_7 : vector<1x1000x1xf32> to vector<1000x1xf32>
    %add3A = arith.addf %get3A_3, %get3A_8 : vector<1000x1xf32>
    %max3A = arith.constant 1.000000e+00 : f32
    %max3A_9 = vector.broadcast %max3A : f32 to vector<1000x1xf32>
    %max3A_10 = arith.maximumf %add3A, %max3A_9 : vector<1000x1xf32>
    %get3A_11 = arith.constant 0 : index
    %get3A_12 = arith.constant 0 : index
    %get3A_13 = arith.constant 0 : index
    %get3A_14 = vector.load %arg1[%get3A_11, %get3A_12, %get3A_13] : memref<1x1000x128xf32, #tpu.memory_space<vmem>>, vector<1x1000x128xf32>
    %get3A_15 = vector.shape_cast %get3A_14 : vector<1x1000x128xf32> to vector<1000x128xf32>
    %get3A_16 = arith.constant 0 : index
    %get3A_17 = arith.constant 0 : index
    %get3A_18 = arith.constant 0 : index
    %get3A_19 = vector.load %arg2[%get3A_16, %get3A_17, %get3A_18] : memref<1x1000x128xf32, #tpu.memory_space<vmem>>, vector<1x1000x128xf32>
    %get3A_20 = vector.shape_cast %get3A_19 : vector<1x1000x128xf32> to vector<1000x128xf32>
    %add3A_21 = arith.addf %get3A_15, %get3A_20 : vector<1000x128xf32>
    %div3A = vector.broadcast %max3A_10 : vector<1000x1xf32> to vector<1000x128xf32>
    %div3A_22 = arith.divf %add3A_21, %div3A : vector<1000x128xf32>
    %get3A_23 = arith.constant 0 : index
    %get3A_24 = arith.constant 0 : index
    %get3A_25 = vector.load %arg6[%get3A_23, %get3A_24] : memref<128x128xf32, #tpu.memory_space<vmem>>, vector<128x128xf32>
    %dot_general3A = arith.constant dense<0.000000e+00> : vector<1000x128xf32>
    %dot_general3A_26 = tpu.matmul %div3A_22, %get3A_25, %dot_general3A {dimension_numbers = #tpu.dot_dimension_numbers<[1], [1], [0], [0], [0, 0, 1, 0], [], []>, transpose_lhs_hint = false} : vector<1000x128xf32>, vector<128x128xf32>, vector<1000x128xf32> -> vector<1000x128xf32>
    %get3A_27 = arith.constant 0 : index
    %get3A_28 = arith.constant 0 : index
    %get3A_29 = vector.load %arg5[%get3A_27, %get3A_28] : memref<1000x128xf32, #tpu.memory_space<vmem>>, vector<1000x128xf32>
    %get3A_30 = arith.constant 0 : index
    %get3A_31 = arith.constant 0 : index
    %get3A_32 = vector.load %arg8[%get3A_30, %get3A_31] : memref<128x128xf32, #tpu.memory_space<vmem>>, vector<128x128xf32>
    %dot_general3A_33 = arith.constant dense<0.000000e+00> : vector<1000x128xf32>
    %dot_general3A_34 = tpu.matmul %get3A_29, %get3A_32, %dot_general3A_33 {dimension_numbers = #tpu.dot_dimension_numbers<[1], [1], [0], [0], [0, 0, 1, 0], [], []>, transpose_lhs_hint = false} : vector<1000x128xf32>, vector<128x128xf32>, vector<1000x128xf32> -> vector<1000x128xf32>
    %add3A_35 = arith.addf %dot_general3A_26, %dot_general3A_34 : vector<1000x128xf32>
    %get3A_36 = arith.constant 0 : index
    %get3A_37 = arith.constant 0 : index
    %get3A_38 = vector.load %arg7[%get3A_36, %get3A_37] : memref<1x128xf32, #tpu.memory_space<vmem>>, vector<1x128xf32>
    %add3A_39 = vector.broadcast %get3A_38 : vector<1x128xf32> to vector<1000x128xf32>
    %add3A_40 = arith.addf %add3A_35, %add3A_39 : vector<1000x128xf32>
    %max3A_41 = arith.constant 0.000000e+00 : f32
    %max3A_42 = vector.broadcast %max3A_41 : f32 to vector<1000x128xf32>
    %max3A_43 = arith.maximumf %add3A_40, %max3A_42 : vector<1000x128xf32>
    %swap3A = arith.constant 0 : index
    %swap3A_44 = arith.constant 0 : index
    %swap3A_45 = vector.load %arg9[%swap3A, %swap3A_44] : memref<1000x128xf32, #tpu.memory_space<vmem>>, vector<1000x128xf32>
    tpu.vector_store %arg9[%swap3A, %swap3A_44], %max3A_43 {strides = array<i32>} : memref<1000x128xf32, #tpu.memory_space<vmem>>, vector<1000x128xf32>,
    return
  }
  func.func @transform_0(%arg0: i32) -> (i32, i32, i32) {
    %c0_i32 = arith.constant 0 : i32
    %c0_i32_0 = arith.constant 0 : i32
    %c0_i32_1 = arith.constant 0 : i32
    return %c0_i32, %arg0, %c0_i32_0 : i32, i32, i32
  }
  func.func @transform_1(%arg0: i32) -> (i32, i32, i32) {
    %c1_i32 = arith.constant 1 : i32
    %c0_i32 = arith.constant 0 : i32
    %c0_i32_0 = arith.constant 0 : i32
    return %c1_i32, %arg0, %c0_i32 : i32, i32, i32
  }
  func.func @transform_2(%arg0: i32) -> (i32, i32, i32) {
    %c0_i32 = arith.constant 0 : i32
    %c0_i32_0 = arith.constant 0 : i32
    %c0_i32_1 = arith.constant 0 : i32
    return %c0_i32, %arg0, %c0_i32_0 : i32, i32, i32
  }
  func.func @transform_3(%arg0: i32) -> (i32, i32, i32) {
    %c1_i32 = arith.constant 1 : i32
    %c0_i32 = arith.constant 0 : i32
    %c0_i32_0 = arith.constant 0 : i32
    return %c1_i32, %arg0, %c0_i32 : i32, i32, i32
  }
  func.func @transform_4(%arg0: i32) -> (i32, i32) {
    %c0_i32 = arith.constant 0 : i32
    %c0_i32_0 = arith.constant 0 : i32
    return %arg0, %c0_i32 : i32, i32
  }
  func.func @transform_5(%arg0: i32) -> (i32, i32) {
    %c0_i32 = arith.constant 0 : i32
    %c0_i32_0 = arith.constant 0 : i32
    %c0_i32_1 = arith.constant 0 : i32
    return %c0_i32, %c0_i32_0 : i32, i32
  }
  func.func @transform_6(%arg0: i32) -> (i32, i32) {
    %c0_i32 = arith.constant 0 : i32
    %c0_i32_0 = arith.constant 0 : i32
    %c0_i32_1 = arith.constant 0 : i32
    return %c0_i32, %c0_i32_0 : i32, i32
  }
  func.func @transform_7(%arg0: i32) -> (i32, i32) {
    %c0_i32 = arith.constant 0 : i32
    %c0_i32_0 = arith.constant 0 : i32
    %c0_i32_1 = arith.constant 0 : i32
    return %c0_i32, %c0_i32_0 : i32, i32
  }
  func.func @transform_8(%arg0: i32) -> (i32, i32) {
    %c0_i32 = arith.constant 0 : i32
    %c0_i32_0 = arith.constant 0 : i32
    return %arg0, %c0_i32 : i32, i32
  }
}

module attributes {stable_mosaic.version = 14 : i64} {
  func.func @_layer2_body(%arg0: i32, %arg1: memref<1x1000x128xf32, #tpu.memory_space<vmem>>, %arg2: memref<1x1000x128xf32, #tpu.memory_space<vmem>>, %arg3: memref<1x1000x128xf32, #tpu.memory_space<vmem>>, %arg4: memref<1x1000x128xf32, #tpu.memory_space<vmem>>, %arg5: memref<1000x128xf32, #tpu.memory_space<vmem>>, %arg6: memref<128x128xf32, #tpu.memory_space<vmem>>, %arg7: memref<1x128xf32, #tpu.memory_space<vmem>>, %arg8: memref<128x128xf32, #tpu.memory_space<vmem>>, %arg9: memref<2x128xf32, #tpu.memory_space<vmem>>, %arg10: memref<1x2xf32, #tpu.memory_space<vmem>>, %arg11: memref<1000x2xf32, #tpu.memory_space<vmem>>) attributes {dimension_semantics = [#tpu.dimension_semantics<arbitrary>], iteration_bounds = array<i64: 10>, scalar_prefetch = 0 : i64, scratch_operands = 0 : i64, tpu.core_type = #tpu.core_type<tc>, window_params = [{transform_indices = @transform_0, window_bounds = array<i64: 1, 1000, 128>}, {transform_indices = @transform_1, window_bounds = array<i64: 1, 1000, 128>}, {transform_indices = @transform_2, window_bounds = array<i64: 1, 1000, 128>}, {transform_indices = @transform_3, window_bounds = array<i64: 1, 1000, 128>}, {transform_indices = @transform_4, window_bounds = array<i64: 1000, 128>}, {pipeline_mode = #tpu.pipeline_mode<synchronous>, transform_indices = @transform_5, window_bounds = array<i64: 128, 128>}, {pipeline_mode = #tpu.pipeline_mode<synchronous>, transform_indices = @transform_6, window_bounds = array<i64: 1, 128>}, {pipeline_mode = #tpu.pipeline_mode<synchronous>, transform_indices = @transform_7, window_bounds = array<i64: 128, 128>}, {pipeline_mode = #tpu.pipeline_mode<synchronous>, transform_indices = @transform_8, window_bounds = array<i64: 2, 128>}, {pipeline_mode = #tpu.pipeline_mode<synchronous>, transform_indices = @transform_9, window_bounds = array<i64: 1, 2>}, {transform_indices = @transform_10, window_bounds = array<i64: 1000, 2>}]} {
    %get3A = arith.constant 0 : index
    %get3A_0 = arith.constant 0 : index
    %get3A_1 = arith.constant 0 : index
    %get3A_2 = vector.load %arg3[%get3A, %get3A_0, %get3A_1] : memref<1x1000x128xf32, #tpu.memory_space<vmem>>, vector<1x1000x1xf32>
    %get3A_3 = vector.shape_cast %get3A_2 : vector<1x1000x1xf32> to vector<1000x1xf32>
    %get3A_4 = arith.constant 0 : index
    %get3A_5 = arith.constant 0 : index
    %get3A_6 = arith.constant 0 : index
    %get3A_7 = vector.load %arg4[%get3A_4, %get3A_5, %get3A_6] : memref<1x1000x128xf32, #tpu.memory_space<vmem>>, vector<1x1000x1xf32>
    %get3A_8 = vector.shape_cast %get3A_7 : vector<1x1000x1xf32> to vector<1000x1xf32>
    %add3A = arith.addf %get3A_3, %get3A_8 : vector<1000x1xf32>
    %max3A = arith.constant 1.000000e+00 : f32
    %max3A_9 = vector.broadcast %max3A : f32 to vector<1000x1xf32>
    %max3A_10 = arith.maximumf %add3A, %max3A_9 : vector<1000x1xf32>
    %get3A_11 = arith.constant 0 : index
    %get3A_12 = arith.constant 0 : index
    %get3A_13 = arith.constant 0 : index
    %get3A_14 = vector.load %arg1[%get3A_11, %get3A_12, %get3A_13] : memref<1x1000x128xf32, #tpu.memory_space<vmem>>, vector<1x1000x128xf32>
    %get3A_15 = vector.shape_cast %get3A_14 : vector<1x1000x128xf32> to vector<1000x128xf32>
    %get3A_16 = arith.constant 0 : index
    %get3A_17 = arith.constant 0 : index
    %get3A_18 = arith.constant 0 : index
    %get3A_19 = vector.load %arg2[%get3A_16, %get3A_17, %get3A_18] : memref<1x1000x128xf32, #tpu.memory_space<vmem>>, vector<1x1000x128xf32>
    %get3A_20 = vector.shape_cast %get3A_19 : vector<1x1000x128xf32> to vector<1000x128xf32>
    %add3A_21 = arith.addf %get3A_15, %get3A_20 : vector<1000x128xf32>
    %div3A = vector.broadcast %max3A_10 : vector<1000x1xf32> to vector<1000x128xf32>
    %div3A_22 = arith.divf %add3A_21, %div3A : vector<1000x128xf32>
    %get3A_23 = arith.constant 0 : index
    %get3A_24 = arith.constant 0 : index
    %get3A_25 = vector.load %arg6[%get3A_23, %get3A_24] : memref<128x128xf32, #tpu.memory_space<vmem>>, vector<128x128xf32>
    %dot_general3A = arith.constant dense<0.000000e+00> : vector<1000x128xf32>
    %dot_general3A_26 = tpu.matmul %div3A_22, %get3A_25, %dot_general3A {dimension_numbers = #tpu.dot_dimension_numbers<[1], [1], [0], [0], [0, 0, 1, 0], [], []>, transpose_lhs_hint = false} : vector<1000x128xf32>, vector<128x128xf32>, vector<1000x128xf32> -> vector<1000x128xf32>
    %get3A_27 = arith.constant 0 : index
    %get3A_28 = arith.constant 0 : index
    %get3A_29 = vector.load %arg5[%get3A_27, %get3A_28] : memref<1000x128xf32, #tpu.memory_space<vmem>>, vector<1000x128xf32>
    %get3A_30 = arith.constant 0 : index
    %get3A_31 = arith.constant 0 : index
    %get3A_32 = vector.load %arg8[%get3A_30, %get3A_31] : memref<128x128xf32, #tpu.memory_space<vmem>>, vector<128x128xf32>
    %dot_general3A_33 = arith.constant dense<0.000000e+00> : vector<1000x128xf32>
    %dot_general3A_34 = tpu.matmul %get3A_29, %get3A_32, %dot_general3A_33 {dimension_numbers = #tpu.dot_dimension_numbers<[1], [1], [0], [0], [0, 0, 1, 0], [], []>, transpose_lhs_hint = false} : vector<1000x128xf32>, vector<128x128xf32>, vector<1000x128xf32> -> vector<1000x128xf32>
    %add3A_35 = arith.addf %dot_general3A_26, %dot_general3A_34 : vector<1000x128xf32>
    %get3A_36 = arith.constant 0 : index
    %get3A_37 = arith.constant 0 : index
    %get3A_38 = vector.load %arg7[%get3A_36, %get3A_37] : memref<1x128xf32, #tpu.memory_space<vmem>>, vector<1x128xf32>
    %add3A_39 = vector.broadcast %get3A_38 : vector<1x128xf32> to vector<1000x128xf32>
    %add3A_40 = arith.addf %add3A_35, %add3A_39 : vector<1000x128xf32>
    %max3A_41 = arith.constant 0.000000e+00 : f32
    %max3A_42 = vector.broadcast %max3A_41 : f32 to vector<1000x128xf32>
    %max3A_43 = arith.maximumf %add3A_40, %max3A_42 : vector<1000x128xf32>
    %get3A_44 = arith.constant 0 : index
    %get3A_45 = arith.constant 0 : index
    %get3A_46 = vector.load %arg9[%get3A_44, %get3A_45] : memref<2x128xf32, #tpu.memory_space<vmem>>, vector<2x128xf32>
    %dot_general3A_47 = arith.constant dense<0.000000e+00> : vector<1000x2xf32>
    %dot_general3A_48 = tpu.matmul %max3A_43, %get3A_46, %dot_general3A_47 {dimension_numbers = #tpu.dot_dimension_numbers<[1], [1], [0], [0], [0, 0, 1, 0], [], []>, transpose_lhs_hint = false} : vector<1000x128xf32>, vector<2x128xf32>, vector<1000x2xf32> -> vector<1000x2xf32>
    %get3A_49 = arith.constant 0 : index
    %get3A_50 = arith.constant 0 : index
    %get3A_51 = vector.load %arg10[%get3A_49, %get3A_50] : memref<1x2xf32, #tpu.memory_space<vmem>>, vector<1x2xf32>
    %add3A_52 = vector.broadcast %get3A_51 : vector<1x2xf32> to vector<1000x2xf32>
    %add3A_53 = arith.addf %dot_general3A_48, %add3A_52 : vector<1000x2xf32>
    %reduce_max3A = arith.constant dense<0xFF800000> : vector<1000xf32>
    %reduce_max3A_54 = vector.multi_reduction <maximumf>, %add3A_53, %reduce_max3A [1] : vector<1000x2xf32> to vector<1000xf32>
    %broadcast_in_dim3A = vector.shape_cast %reduce_max3A_54 : vector<1000xf32> to vector<1000x1xf32>
    %sub3A = vector.broadcast %broadcast_in_dim3A : vector<1000x1xf32> to vector<1000x2xf32>
    %sub3A_55 = arith.subf %add3A_53, %sub3A : vector<1000x2xf32>
    %exp3A = math.exp %sub3A_55 : vector<1000x2xf32>
    %reduce_sum3A = arith.constant dense<0.000000e+00> : vector<1000xf32>
    %reduce_sum3A_56 = vector.multi_reduction <add>, %exp3A, %reduce_sum3A [1] : vector<1000x2xf32> to vector<1000xf32>
    %broadcast_in_dim3A_57 = vector.shape_cast %reduce_sum3A_56 : vector<1000xf32> to vector<1000x1xf32>
    %log3A = math.log %broadcast_in_dim3A_57 : vector<1000x1xf32>
    %add3A_58 = arith.addf %broadcast_in_dim3A, %log3A : vector<1000x1xf32>
    %sub3A_59 = vector.broadcast %add3A_58 : vector<1000x1xf32> to vector<1000x2xf32>
    %sub3A_60 = arith.subf %add3A_53, %sub3A_59 : vector<1000x2xf32>
    %swap3A = arith.constant 0 : index
    %swap3A_61 = arith.constant 0 : index
    %swap3A_62 = vector.load %arg11[%swap3A, %swap3A_61] : memref<1000x2xf32, #tpu.memory_space<vmem>>, vector<1000x2xf32>
    tpu.vector_store %arg11[%swap3A, %swap3A_61], %sub3A_60 {strides = array<i32>} : memref<1000x2xf32, #tpu.memory_space<vmem>>, vector<1000x2xf32>,
    return
  }
  func.func @transform_0(%arg0: i32) -> (i32, i32, i32) {
    %c0_i32 = arith.constant 0 : i32
    %c0_i32_0 = arith.constant 0 : i32
    %c0_i32_1 = arith.constant 0 : i32
    return %c0_i32, %arg0, %c0_i32_0 : i32, i32, i32
  }
  func.func @transform_1(%arg0: i32) -> (i32, i32, i32) {
    %c1_i32 = arith.constant 1 : i32
    %c0_i32 = arith.constant 0 : i32
    %c0_i32_0 = arith.constant 0 : i32
    return %c1_i32, %arg0, %c0_i32 : i32, i32, i32
  }
  func.func @transform_2(%arg0: i32) -> (i32, i32, i32) {
    %c0_i32 = arith.constant 0 : i32
    %c0_i32_0 = arith.constant 0 : i32
    %c0_i32_1 = arith.constant 0 : i32
    return %c0_i32, %arg0, %c0_i32_0 : i32, i32, i32
  }
  func.func @transform_3(%arg0: i32) -> (i32, i32, i32) {
    %c1_i32 = arith.constant 1 : i32
    %c0_i32 = arith.constant 0 : i32
    %c0_i32_0 = arith.constant 0 : i32
    return %c1_i32, %arg0, %c0_i32 : i32, i32, i32
  }
  func.func @transform_4(%arg0: i32) -> (i32, i32) {
    %c0_i32 = arith.constant 0 : i32
    %c0_i32_0 = arith.constant 0 : i32
    return %arg0, %c0_i32 : i32, i32
  }
  func.func @transform_5(%arg0: i32) -> (i32, i32) {
    %c0_i32 = arith.constant 0 : i32
    %c0_i32_0 = arith.constant 0 : i32
    %c0_i32_1 = arith.constant 0 : i32
    return %c0_i32, %c0_i32_0 : i32, i32
  }
  func.func @transform_6(%arg0: i32) -> (i32, i32) {
    %c0_i32 = arith.constant 0 : i32
    %c0_i32_0 = arith.constant 0 : i32
    %c0_i32_1 = arith.constant 0 : i32
    return %c0_i32, %c0_i32_0 : i32, i32
  }
  func.func @transform_7(%arg0: i32) -> (i32, i32) {
    %c0_i32 = arith.constant 0 : i32
    %c0_i32_0 = arith.constant 0 : i32
    %c0_i32_1 = arith.constant 0 : i32
    return %c0_i32, %c0_i32_0 : i32, i32
  }
  func.func @transform_8(%arg0: i32) -> (i32, i32) {
    %c0_i32 = arith.constant 0 : i32
    %c0_i32_0 = arith.constant 0 : i32
    %c0_i32_1 = arith.constant 0 : i32
    return %c0_i32, %c0_i32_0 : i32, i32
  }
  func.func @transform_9(%arg0: i32) -> (i32, i32) {
    %c0_i32 = arith.constant 0 : i32
    %c0_i32_0 = arith.constant 0 : i32
    %c0_i32_1 = arith.constant 0 : i32
    return %c0_i32, %c0_i32_0 : i32, i32
  }
  func.func @transform_10(%arg0: i32) -> (i32, i32) {
    %c0_i32 = arith.constant 0 : i32
    %c0_i32_0 = arith.constant 0 : i32
    return %arg0, %c0_i32 : i32, i32
  }
}

</mosaic_0001>

<sc_bundles>
// kernel: kernel.10.cloned.1.call-start
scs
__scs_entry_jumppad:
0x0: {  	(pc) =	sbr.rel $0x88, $3  }
0x1: {  	(tag) =	ssettag $0x0;
	lr =	simm.s32 $0x1  }
0x2: {  	[smem:$0x3F97] =	sst lr;
	_ =	strace $0xD0000000  }
0x3: {  	_ = 	snop  }
0x4: {  	_ = 	snop  }
0x5: {  	_ = 	snop  }
0x6: {  	_ = 	snop  }
0x7: {  	_ = 	snop  }
__scs_overlays_trampoline_lowered:
0x8: {  	[smem:$0x3FA6] =	sst s0  }
0x9: {  	[smem:$0x3FA7] =	sst s1  }
0xa: {  	[smem:$0x3FA8] =	sst s2  }
0xb: {  	[smem:$0x3FA9] =	sst s3  }
0xc: {  	[smem:$0x3FAA] =	sst s4  }
0xd: {  	[smem:$0x3FAB] =	sst s5  }
0xe: {  	[smem:$0x3FAC] =	sst s6  }
0xf: {  	[smem:$0x3FAD] =	sst s7  }
0x10: {  	[smem:$0x3FAE] =	sst s8  }
0x11: {  	[smem:$0x3FAF] =	sst s9;
	s0 =	simm.s32 @!p0 $0x0  }
0x12: {  	s1 =	sld [smem:$0x3F95];
	s0 =	simm.s32 @p0 $0x1  }
0x13: {  	[smem:$0x3FB0] =	sst s0;
	s0 =	simm.s32 @!p1 $0x0  }
0x14: {  	s2 =	sld [smem:$0x3F94];
	s0 =	simm.s32 @p1 $0x1  }
0x15: {  	[smem:$0x3FB1] =	sst s0;
	s0 =	simm.s32 @!p2 $0x0  }
0x16: {  	s3 =	sld [smem:$0x3FDB];
	s0 =	simm.s32 @p2 $0x1  }
0x17: {  	s4 =	simm.s32 $0x1BF5;
	[smem:$0x3FB3] =	sst s0  }
0x18: {  	s0 =	sld [smem:$0x3F96];
	_ =	swait.ge [sflag:s4], $0x0  }
0x19: {  	s7 =	sld [smem:$0x3F97]  }
0x1a: {  	s8 =	sadd.s32 $0xFFFFE003, lr  }
0x1b: {  	s9 =	sadd.s32 $0xFFFFFEF7, lr;
	s5 =	simm.s32 $0xFFFFFFFF;
	p2 =	slt.u32 s8, $0xFFFFF086  }
0x1c: {  	p1 =	slt.u32 s9, $0xF7A;
	s5 =	simm.s32 @!p2 $0x0  }
0x1d: {  	s5 =	simm.s32 @p1 $0x1;
	p0 =	seq.s32 s7, s2  }
0x1e: {  	s7 =	smul.u32 @!p0 $0xF7A, s2;
	p2 =	seq.s32 @!p0 s5, $0x0  }
0x1f: {  	s9 =	smul.u32 $0xF7A, s1;
	s8 =	simm.s32 @!p0 $0x1BF5;
	p2 =	por !p2, p0  }
0x20: {  	[sflag:s8] =	ssyncset.s32 @!p0 $0xFFFFF086;
	s6 =	sadd.s32 @!p0 s3, s7;
	s7 =	simm.s32 @!p0 $0x108  }
0x21: {  	s3 =	sadd.s32 s3, s9;
	s6 =	sadd.s32 @!p0 $0x88, s6;
	s7 =	simm.s32 @p2 $0x1082  }
0x22: {  	[simem:s7], [sflag:s8] =	dma.local @!p0 [hbm:s6], $0xF7A  }
0x23: {  	s9 =	sor.u32 $0xD0000000, s2;
	s6 =	simm.s32 $0x108;
	_ =	swait.ge @!p0 [sflag:s8], $0x0  }
0x24: {  	s3 =	sadd.s32 $0x88, s3;
	s6 =	simm.s32 @!p1 $0x1082;
	[sflag:s4] =	ssyncset.s32 $0xFFFFF086  }
0x25: {  	[simem:s6], [sflag:s4] =	dma.local [hbm:s3], $0xF7A  }
0x26: {  	[smem:$0x3F97] =	sst s1;
	(tag) =	ssettag s2;
	_ =	strace s9  }
0x27: {  	s1 =	sld [smem:$0x3FA7]  }
0x28: {  	s2 =	sld [smem:$0x3FA8]  }
0x29: {  	s4 =	sld [smem:$0x3FAA]  }
0x2a: {  	p0 =	seq.s32 s5, $0x0;
	s5 =	sld [smem:$0x3FAB]  }
0x2b: {  	s6 =	sld [smem:$0x3FAC]  }
0x2c: {  	s7 =	sld [smem:$0x3FAD]  }
0x2d: {  	s3 =	simm.s32 $0x108;
	s8 =	sld [smem:$0x3FAE]  }
0x2e: {  	s3 =	simm.s32 @!p0 $0x1082;
	s9 =	sld [smem:$0x3FAF]  }
0x2f: {  	lr =	sadd.s32 s0, s3;
	s0 =	sld [smem:$0x3FA6]  }
0x30: {  	s3 =	sld [smem:$0x3FA9]  }
0x31: {  	[smem:$0x3FB2] =	sst s10  }
0x32: {  	s10 =	sld [smem:$0x3FB0];
	_ =	sdelay $0x3  }
0x33: {  	p0 =	seq.s32 s10, $0x1;
	s10 =	sld [smem:$0x3FB2];
	_ =	sdelay $0x3  }
0x34: {  	[smem:$0x3FB2] =	sst s10  }
0x35: {  	s10 =	sld [smem:$0x3FB1];
	_ =	sdelay $0x3  }
0x36: {  	p1 =	seq.s32 s10, $0x1;
	s10 =	sld [smem:$0x3FB2];
	_ =	sdelay $0x3  }
0x37: {  	[smem:$0x3FB2] =	sst s10  }
0x38: {  	s10 =	sld [smem:$0x3FB3]  }
0x39: {  	_ = 	snop;
	(pc) =	sbr.ind lr, $3  }
0x3a: {  	_ = 	snop  }
0x3b: {  	_ = 	snop  }
0x3c: {  	p2 =	seq.s32 s10, $0x1;
	s10 =	sld [smem:$0x3FB2]  }
0x3d: {  	_ =	shalt  }
0x3e: {  	_ =	shalt  }
0x3f: {  	_ =	shalt  }
0x40: {  	_ =	shalt  }
0x41: {  	_ =	shalt  }
0x42: {  	_ =	shalt  }
0x43: {  	_ =	shalt  }
0x44: {  	_ =	shalt  }
0x45: {  	_ =	shalt  }
0x46: {  	_ =	shalt  }
0x47: {  	_ =	shalt  }
0x48: {  	_ =	shalt  }
0x49: {  	_ =	shalt  }
0x4a: {  	_ =	shalt  }
0x4b: {  	_ =	shalt  }
0x4c: {  	_ =	shalt  }
0x4d: {  	_ =	shalt  }
0x4e: {  	_ =	shalt  }
0x4f: {  	_ =	shalt  }
0x50: {  	_ =	shalt  }
0x51: {  	_ =	shalt  }
0x52: {  	_ =	shalt  }
0x53: {  	_ =	shalt  }
0x54: {  	_ =	shalt  }
0x55: {  	_ =	shalt  }
0x56: {  	_ =	shalt  }
0x57: {  	_ =	shalt  }
0x58: {  	_ =	shalt  }
0x59: {  	_ =	shalt  }
0x5a: {  	_ =	shalt  }
0x5b: {  	_ =	shalt  }
0x5c: {  	_ =	shalt  }
0x5d: {  	_ =	shalt  }
0x5e: {  	_ =	shalt  }
0x5f: {  	_ =	shalt  }
0x60: {  	_ =	shalt  }
0x61: {  	_ =	shalt  }
0x62: {  	_ =	shalt  }
0x63: {  	_ =	shalt  }
0x64: {  	_ =	shalt  }
0x65: {  	_ =	shalt  }
0x66: {  	_ =	shalt  }
0x67: {  	_ =	shalt  }
0x68: {  	_ =	shalt  }
0x69: {  	_ =	shalt  }
0x6a: {  	_ =	shalt  }
0x6b: {  	_ =	shalt  }
0x6c: {  	_ =	shalt  }
0x6d: {  	_ =	shalt  }
0x6e: {  	_ =	shalt  }
0x6f: {  	_ =	shalt  }
0x70: {  	_ =	shalt  }
0x71: {  	_ =	shalt  }
0x72: {  	_ =	shalt  }
0x73: {  	_ =	shalt  }
0x74: {  	_ =	shalt  }
0x75: {  	_ =	shalt  }
0x76: {  	_ =	shalt  }
0x77: {  	_ =	shalt  }
0x78: {  	_ =	shalt  }
0x79: {  	_ =	shalt  }
0x7a: {  	_ =	shalt  }
0x7b: {  	_ =	shalt  }
0x7c: {  	_ =	shalt  }
0x7d: {  	_ =	shalt  }
0x7e: {  	_ =	shalt  }
0x7f: {  	_ =	shalt  }
0x80: {  	_ =	shalt  }
0x81: {  	_ =	shalt  }
0x82: {  	_ =	shalt  }
0x83: {  	_ =	shalt  }
0x84: {  	_ =	shalt  }
0x85: {  	_ =	shalt  }
0x86: {  	_ =	shalt  }
0x87: {  	_ =	shalt  }
.Lfunc_end0:
.L_simem_size_0:
called_computation.1_lowered:
.L_overlay_start_0:
0x88: {  	s2 =	sld [smem:$0x3FD9]  }
0x89: {  	s3 =	sld [smem:$0x3FFE];
	_ =	sdelay $0x1  }
0x8a: {  	s1 =	srdreg.scid  }
0x8b: {  	s0 =	sand.u32 $0x1, s1  }
0x8c: {  	s17 =	sshll.u32 s0, $0xA;
	s2 =	sadd.s32 s3, s2  }
0x8d: {  	s2 =	sadd.s32 s2, s17  }
0x8e: {  	[smem:$0x3FBE] =	sst s2  }
0x8f: {  	_ = 	snop  }
0x90: {  	s2 =	sld [smem:$0x3FC9];
	(tm) =	ssettm $0x1  }
0x91: {  	s18 =	sld [smem:$0x3FFB];
	_ =	sdelay $0x3  }
0x92: {  	_ =	strace s18  }
0x93: {  	s3 =	sld [smem:$0x3FFC];
	_ =	sdelay $0x3  }
0x94: {  	_ =	strace s3  }
0x95: {  	s3 =	sld [smem:$0x3FFD];
	_ =	sdelay $0x3  }
0x96: {  	_ =	strace s3  }
0x97: {  	_ =	strace $0x8FFFFFFF  }
0x98: {  	s19 =	sld [smem:$0x3FDB];
	_ =	sdelay $0x1  }
0x99: {  	s4 =	simm.s32 $_scs_section_size  }
0x9a: {  	s5 =	simm.s32 $_size__tile_overlayer_lowered;
	s6 =	simm.s32 $_tile_overlayer_lowered  }
0x9b: {  	s22 =	simm.s32 $0x1BFF;
	s21 =	sshll.u32 s6, $0x1;
	s3 =	sadd.s32 s4, s19  }
0x9c: {  	s7 =	simm.s32 $0x0;
	s20 =	sshll.u32 s5, $0x1;
	s5 =	sadd.s32 s21, s3  }
0x9d: {  	[timem:s7], [sflag:s22] =	dma.local [hbm:s5], s20  }
0x9e: {  	_ =	swait.ge [sflag:s22], s20  }
0x9f: {  	s4 =	ssub.s32 $0x0, s20;
	[sflag:s22] =	ssyncset.done $0x0  }
0xa0: {  	[sflag:s22] =	ssyncadd.s32 s4;
	_ =	sdelay $0x1  }
0xa1: {  	s23 =	simm.s32 $0x1B8B  }
0xa2: {  	_ =	swait.ge [sflag:s23], $0x1  }
0xa3: {  	[sflag:s23] =	ssyncset.done $0x0  }
0xa4: {  	s25 =	simm.s32 $0x1B8E;
	s24 =	sld [smem:$0x3FFE];
	[sflag:s23] =	ssyncadd.s32 $0xFFFFFFFF  }
0xa5: {  	s26 =	simm.s32 $execute0_lowered;
	[smem:$0x3FD2] =	sst s25  }
0xa6: {  	s5 =	sshll.u32 s26, $0x1;
	_ =	strace $0x80000046;
	[dreg:$0x1] =	wrdreg $0xFFFFFFFF  }
0xa7: {  	s28 =	simm.s32 $_size_execute0_lowered;
	s3 =	sadd.s32 s3, s5;
	[dreg:$0x0] =	wrdreg $0x0  }
0xa8: {  	s5 =	sshll.u32 s28, $0x1;
	[dreg:$0x2] =	wrdreg s3  }
0xa9: {  	[dreg:$0x3] =	wrdreg s5  }
0xaa: {  	[dreg:$0x4] =	wrdreg $0xC0  }
0xab: {  	_ =	task [dreg:s7], $0x5FFFF  }
0xac: {  	[dreg:$0x1] =	wrdreg $0xFFFFFFFF  }
0xad: {  	[dreg:$0x0] =	wrdreg $0x60  }
0xae: {  	[dreg:$0x2] =	wrdreg s2  }
0xaf: {  	[dreg:$0x3] =	wrdreg s24  }
0xb0: {  	[dreg:$0x4] =	wrdreg $0xA8000  }
0xb1: {  	[dreg:$0x5] =	wrdreg $0xA  }
0xb2: {  	_ =	task.clear_ibuf [dreg:s7], $0x6FFFF;
	_ =	strace $0x90000046  }
0xb3: {  	s29 =	simm.s32 $0xA;
	_ =	strace $0x80000048  }
0xb4: {  	_ =	swait.ge [sflag:s29], $0x1  }
0xb5: {  	[sflag:s29] =	ssyncadd.s32 $0xFFFFFFFF  }
0xb6: {  	_ =	strace $0x90000048  }
0xb7: {  	_ =	sfence  }
0xb8: {  	s30 =	sld [smem:$0x0];
	_ =	sdelay $0x2  }
0xb9: {  	s31 =	sshll.u32 s1, $0xD;
	s1 =	sshrl.u32 s1, $0x2  }
0xba: {  	s3 =	sand.u32 $0x4000, s31;
	s1 =	sadd.s32 s1, s30  }
0xbb: {  	s0 =	sor.u32 s3, s0;
	s1 =	sshll.u32 s1, $0x11  }
0xbc: {  	s0 =	sor.u32 s1, s0  }
0xbd: {  	s0 =	sadd.s32 $0x8F2B, s0  }
0xbe: {  	[sflag:s0] =	ssyncadd.remote.s32 $0x1  }
0xbf: {  	_ =	sfence.sel $0xFFFF  }
0xc0: {  	[dreg:$0x0] =	wrdreg $0xFFFFFFFF;
	(pc) =	sbr.abs _section_cstart, $3  }
0xc1: {  	[dreg:$0x1] =	wrdreg $0xFFFFFFFF  }
0xc2: {  	_ =	task.clear_ibuf [dreg:s7], $0x2FFFF;
	_ =	strace $0x9FFFFFFF  }
0xc3: {  	(tm) =	ssettm $0x7FFFFFFF  }
tec
execute0_lowered:
.L_overlay_start_1:
0x0: {  	(tag) =	ssettag $0x1  }
0x1: {  	s1 =	rddreg [dreg:$0x0]  }
0x2: {  	s6 =	rddreg [dreg:$0x1]  }
0x3: {  	s2 =	rddreg [dreg:$0x2]  }
0x4: {  	s0 =	rddreg [dreg:$0x3];
	s4 =	simm.s32 $0x0;
	s5 =	srdreg.scid  }
0x5: {  	s3 =	stileid.u32;
	s18 =	simm.s32 $0x80;
	s19 =	simm.s32 $0x6800  }
0x6: {  	s20 =	simm.s32 $0x1;
	s21 =	simm.s32 $0x2;
	s22 =	simm.s32 $0x1380  }
0x7: {  	s23 =	simm.s32 $0x2700;
	[smem:$0x7FF] =	sst s4;
	s7 =	smul.u32 $0x4F000, s3  }
0x8: {  	s12 =	sadd.s32 $0x2600, s6;
	s5 =	sand.u32 $0x1, s5;
	s25 =	smul.u32 $0x2780, s3  }
0x9: {  	s13 =	sadd.s32 $0xC600, s6;
	_ =	strace $0x80000047;
	s8 =	smul.u32 $0x27800, s5  }
0xa: {  	s9 =	sshll.u32 s5, $0x4;
	s10 =	ssub.s32 $0x2, s5;
	s29 =	sshrl.u32 s7, $0x2  }
0xb: {  	s9 =	sor.u32 s3, s9;
	s30 =	sshrl.u32 s10, $0x1;
	s5 =	sadd.s32 s29, s2  }
0xc: {  	s11 =	smul.u32 $0x2800, s9;
	s14 =	sadd.s32 s8, s6;
	s15 =	ssub.s32 s10, s30  }
0xd: {  	s16 =	smul.u32 $0x500, s9;
	s6 =	sadd.s32 $0x4000, s5;
	s7 =	sadd.s32 $0x8000, s5  }
0xe: {  	s8 =	sadd.s32 $0xC000, s5;
	s9 =	sadd.s32 $0x10000, s5;
	s24 =	sadd.s32 $0x16600, s14  }
0xf: {  	s14 =	smax.u32 s15, $0x1;
	s15 =	simm.s32 $0x2800;
	s31 =	sshrl.u32 s11, $0x3  }
0x10: {  	s10 =	sadd.s32 s12, s16;
	s11 =	sadd.s32 s13, s16;
	s16 =	simm.s32 $0x3  }
0x11: {  	s24 =	sadd.s32 s25, s24;
	s25 =	simm.s32 $0x2780;
	s17 =	sadd.s32 $0x280, s31  }
0x12: {  	v0 =	vimm.f32 $0.0e+00;
	s12 =	sadd.s32 s12, s17;
	s13 =	sadd.s32 s13, s17;
	s17 =	simm.s32 $0x1400  }
.LBB2_1:
0x13: {  	s26 =	simm.s32 $0x0;
	s28 =	simm.s32 $0x200  }
.LBB2_2:
0x14: {  	p0 =	sne.s32 s28, $0xFE00;
	[tilespmem:s26+$0x2870] =	vst v0  }
0x15: {  	[tilespmem:s26+$0x2800] =	vst v0  }
0x16: {  	[tilespmem:s26+$0x2810] =	vst v0  }
.Ltmp0:
0x17: {  	[tilespmem:s26+$0x2820] =	vst v0;
	(pc) =	sbr.rel @p0 .LBB2_2-.Ltmp0, $4  }
0x18: {  	[tilespmem:s26+$0x2830] =	vst v0  }
0x19: {  	[tilespmem:s26+$0x2840] =	vst v0  }
0x1a: {  	[tilespmem:s26+$0x2850] =	vst v0  }
0x1b: {  	[tilespmem:s26+$0x2860] =	vst v0;
	s26 =	sshra.s32 s28, $0x2;
	s28 =	sadd.s32 $0x200, s28  }
0x1c: {  	[tilespmem:s26+$0x2870] =	vst v0  }
0x1d: {  	[tilespmem:s26+$0x2800] =	vst v0  }
0x1e: {  	[tilespmem:s26+$0x2810] =	vst v0  }
0x1f: {  	[tilespmem:s26+$0x2820] =	vst v0  }
0x20: {  	[tilespmem:s26+$0x2830] =	vst v0  }
0x21: {  	[tilespmem:s26+$0x2840] =	vst v0  }
0x22: {  	[tilespmem:s26+$0x2850] =	vst v0  }
0x23: {  	[tilespmem:s26+$0x2860] =	vst v0  }
0x24: {  	[spmem:s5] =	stream.linear.scatter [tilespmem:s15], [sflag:$0x3], $0x4000, $0x38;
	[tilespmem:$0x1E400] =	vst v63  }
0x25: {  	_ =	swait.ge [sflag:s16], $0x4000  }
0x26: {  	[sflag:s16] =	ssyncset.done $0x0  }
0x27: {  	[sflag:s16] =	ssyncadd.s32 $0xFFFFC000  }
0x28: {  	[spmem:s6] =	stream.linear.scatter [tilespmem:s15], [sflag:$0x3], $0x4000, $0x38;
	[tilespmem:$0x1E400] =	vst v63  }
0x29: {  	_ =	swait.ge [sflag:s16], $0x4000  }
0x2a: {  	[sflag:s16] =	ssyncset.done $0x0  }
0x2b: {  	[sflag:s16] =	ssyncadd.s32 $0xFFFFC000  }
0x2c: {  	[spmem:s7] =	stream.linear.scatter [tilespmem:s15], [sflag:$0x3], $0x4000, $0x38;
	[tilespmem:$0x1E400] =	vst v63  }
0x2d: {  	_ =	swait.ge [sflag:s16], $0x4000  }
0x2e: {  	[sflag:s16] =	ssyncset.done $0x0  }
0x2f: {  	[sflag:s16] =	ssyncadd.s32 $0xFFFFC000  }
0x30: {  	[spmem:s8] =	stream.linear.scatter [tilespmem:s15], [sflag:$0x3], $0x4000, $0x38;
	[tilespmem:$0x1E400] =	vst v63  }
0x31: {  	_ =	swait.ge [sflag:s16], $0x4000  }
0x32: {  	[sflag:s16] =	ssyncset.done $0x0  }
0x33: {  	[sflag:s16] =	ssyncadd.s32 $0xFFFFC000  }
0x34: {  	[spmem:s9] =	stream.linear.scatter [tilespmem:s15], [sflag:$0x3], $0x3C00, $0x38;
	[tilespmem:$0x1E400] =	vst v63  }
0x35: {  	_ =	swait.ge [sflag:s16], $0x3C00  }
0x36: {  	[sflag:s16] =	ssyncset.done $0x0  }
0x37: {  	[sflag:s16] =	ssyncadd.s32 $0xFFFFC400  }
0x38: {  	s30 =	simm.s32 $0x0;
	[bflag:$0x0] =	sbarrier.arrive $0xFFFF  }
0x39: {  	[tilespmem:s30], [sflag:$0x3] =	stream.linear.gather [hbm4b:s10+s30], $0x1400, $0x38;
	[tilespmem:$0x1E400] =	vst v63  }
0x3a: {  	_ =	swait.ge [sflag:s16], $0x1400  }
0x3b: {  	[sflag:s16] =	ssyncset.done $0x0  }
0x3c: {  	[sflag:s16] =	ssyncadd.s32 $0xFFFFEC00  }
0x3d: {  	[tilespmem:s17], [sflag:$0x3] =	stream.linear.gather [hbm4b:s11+s30], $0x1400, $0x38;
	[tilespmem:$0x1E400] =	vst v63  }
0x3e: {  	_ =	swait.ge [sflag:s16], $0x1400  }
0x3f: {  	[sflag:s16] =	ssyncset.done $0x0  }
0x40: {  	[sflag:s16] =	ssyncadd.s32 $0xFFFFEC00  }
0x41: {  	[tilespmem:s15], [sflag:$0x1] =	stream.indirect.gather [hbm4b:s1+s18], $0x80, s30, s18, $0xb8;
	[tilespmem:$0x1E400] =	vst v63  }
0x42: {  	s31 =	simm.s32 $0x80  }
0x43: {  	[tilespmem:s19], [sflag:$0x2] =	stream.indirect.gather [hbm4b:s1+s18], $0x80, s31, s18, $0xb8;
	[tilespmem:$0x1E400] =	vst v63  }
0x44: {  	_ =	swait.ge [sflag:s20], $0x4000  }
0x45: {  	[sflag:s20] =	ssyncset.done $0x0  }
0x46: {  	s29 =	simm.s32 $0x1400;
	[sflag:s20] =	ssyncadd.s32 $0xFFFFC000  }
0x47: {  	[spmem:s2] =	stream.indirect.scatter.add.f32 [tilespmem:s15], [sflag:$0x1], $0x80, s29, s18, $0xb8;
	[tilespmem:$0x1E400] =	vst v63  }
0x48: {  	_ =	swait.ge [sflag:s20], $0x4000  }
0x49: {  	[sflag:s20] =	ssyncset.done $0x0  }
0x4a: {  	s30 =	simm.s32 $0x100;
	[sflag:s20] =	ssyncadd.s32 $0xFFFFC000  }
0x4b: {  	[tilespmem:s15], [sflag:$0x1] =	stream.indirect.gather [hbm4b:s1+s18], $0x80, s30, s18, $0xb8;
	[tilespmem:$0x1E400] =	vst v63  }
0x4c: {  	_ =	swait.ge [sflag:s21], $0x4000  }
0x4d: {  	[sflag:s21] =	ssyncset.done $0x0  }
0x4e: {  	s31 =	simm.s32 $0x1480;
	[sflag:s21] =	ssyncadd.s32 $0xFFFFC000  }
0x4f: {  	[spmem:s2] =	stream.indirect.scatter.add.f32 [tilespmem:s19], [sflag:$0x2], $0x80, s31, s18, $0xb8;
	[tilespmem:$0x1E400] =	vst v63  }
0x50: {  	_ =	swait.ge [sflag:s21], $0x4000  }
0x51: {  	s28 =	simm.s32 $0x800;
	s26 =	simm.s32 $0x100;
	[sflag:s21] =	ssyncset.done $0x0  }
.LBB2_4:
0x52: {  	s29 =	sadd.s32 $0x80, s26  }
0x53: {  	[sflag:s21] =	ssyncadd.s32 $0xFFFFC000;
	s30 =	smov.u32 s28;
	s31 =	sadd.s32 $0x400, s28  }
0x54: {  	[tilespmem:s19], [sflag:$0x2] =	stream.indirect.gather [hbm4b:s1+s18], $0x80, s29, s18, $0xb8;
	[tilespmem:$0x1E400] =	vst v63  }
0x55: {  	p0 =	sne.s32 s28, $0x4800;
	_ =	swait.ge [sflag:s20], $0x4000  }
0x56: {  	[sflag:s20] =	ssyncset.done $0x0  }
0x57: {  	s28 =	sadd.s32 $0x1400, s26;
	[sflag:s20] =	ssyncadd.s32 $0xFFFFC000  }
0x58: {  	[spmem:s2] =	stream.indirect.scatter.add.f32 [tilespmem:s15], [sflag:$0x1], $0x80, s28, s18, $0xb8;
	[tilespmem:$0x1E400] =	vst v63  }
0x59: {  	_ =	swait.ge [sflag:s20], $0x4000  }
0x5a: {  	[sflag:s20] =	ssyncset.done $0x0  }
0x5b: {  	s28 =	sadd.s32 $0x100, s26;
	[sflag:s20] =	ssyncadd.s32 $0xFFFFC000  }
0x5c: {  	[tilespmem:s15], [sflag:$0x1] =	stream.indirect.gather [hbm4b:s1+s18], $0x80, s28, s18, $0xb8;
	[tilespmem:$0x1E400] =	vst v63  }
0x5d: {  	_ =	swait.ge [sflag:s21], $0x4000  }
.Ltmp1:
0x5e: {  	[sflag:s21] =	ssyncset.done $0x0;
	(pc) =	sbr.rel @p0 .LBB2_4-.Ltmp1, $4  }
0x5f: {  	s26 =	sadd.s32 $0x1480, s26;
	[sflag:s21] =	ssyncadd.s32 $0xFFFFC000  }
0x60: {  	[spmem:s2] =	stream.indirect.scatter.add.f32 [tilespmem:s19], [sflag:$0x2], $0x80, s26, s18, $0xb8;
	[tilespmem:$0x1E400] =	vst v63  }
0x61: {  	_ =	swait.ge [sflag:s21], $0x4000  }
0x62: {  	s28 =	smov.u32 s31;
	s26 =	sshra.s32 s30, $0x2;
	[sflag:s21] =	ssyncset.done $0x0  }
0x63: {  	s28 =	sadd.s32 $0x80, s26;
	[sflag:s21] =	ssyncadd.s32 $0xFFFFC000  }
0x64: {  	[tilespmem:s19], [sflag:$0x2] =	stream.indirect.gather [hbm4b:s1+s18], $0x80, s28, s18, $0xb8;
	[tilespmem:$0x1E400] =	vst v63  }
0x65: {  	_ =	swait.ge [sflag:s20], $0x4000  }
0x66: {  	[sflag:s20] =	ssyncset.done $0x0  }
0x67: {  	s28 =	sadd.s32 $0x1400, s26;
	[sflag:s20] =	ssyncadd.s32 $0xFFFFC000  }
0x68: {  	[spmem:s2] =	stream.indirect.scatter.add.f32 [tilespmem:s15], [sflag:$0x1], $0x80, s28, s18, $0xb8;
	[tilespmem:$0x1E400] =	vst v63  }
0x69: {  	_ =	swait.ge [sflag:s20], $0x4000  }
0x6a: {  	[sflag:s20] =	ssyncset.done $0x0  }
0x6b: {  	s28 =	sadd.s32 $0x100, s26;
	[sflag:s20] =	ssyncadd.s32 $0xFFFFC000  }
0x6c: {  	[tilespmem:s15], [sflag:$0x1] =	stream.indirect.gather [hbm4b:s1+s18], $0x80, s28, s18, $0xb8;
	[tilespmem:$0x1E400] =	vst v63  }
0x6d: {  	_ =	swait.ge [sflag:s21], $0x4000  }
0x6e: {  	[sflag:s21] =	ssyncset.done $0x0  }
0x6f: {  	s29 =	sadd.s32 $0x1480, s26;
	[sflag:s21] =	ssyncadd.s32 $0xFFFFC000  }
0x70: {  	[spmem:s2] =	stream.indirect.scatter.add.f32 [tilespmem:s19], [sflag:$0x2], $0x80, s29, s18, $0xb8;
	[tilespmem:$0x1E400] =	vst v63  }
0x71: {  	_ =	swait.ge [sflag:s21], $0x4000  }
0x72: {  	[sflag:s21] =	ssyncset.done $0x0  }
0x73: {  	[sflag:s21] =	ssyncadd.s32 $0xFFFFC000  }
0x74: {  	[tilespmem:s19], [sflag:$0x2] =	stream.indirect.gather [hbm4b:s1+s18], $0x80, s22, s18, $0xb8;
	[tilespmem:$0x1E400] =	vst v63  }
0x75: {  	_ =	swait.ge [sflag:s20], $0x4000  }
0x76: {  	[sflag:s20] =	ssyncset.done $0x0  }
0x77: {  	[sflag:s20] =	ssyncadd.s32 $0xFFFFC000  }
0x78: {  	[spmem:s2] =	stream.indirect.scatter.add.f32 [tilespmem:s15], [sflag:$0x1], $0x80, s23, s18, $0xb8;
	[tilespmem:$0x1E400] =	vst v63  }
0x79: {  	_ =	swait.ge [sflag:s20], $0x4000  }
0x7a: {  	[sflag:s20] =	ssyncset.done $0x0  }
0x7b: {  	[sflag:s20] =	ssyncadd.s32 $0xFFFFC000  }
0x7c: {  	_ =	swait.ge [sflag:s21], $0x4000  }
0x7d: {  	[sflag:s21] =	ssyncset.done $0x0  }
0x7e: {  	[sflag:s21] =	ssyncadd.s32 $0xFFFFC000  }
0x7f: {  	[spmem:s2] =	stream.indirect.scatter.add.f32 [tilespmem:s19], [sflag:$0x2], $0x80, s25, s18, $0xb8;
	[tilespmem:$0x1E400] =	vst v63  }
0x80: {  	_ =	swait.ge [sflag:s21], $0x4000  }
0x81: {  	[sflag:s21] =	ssyncset.done $0x0  }
0x82: {  	s30 =	simm.s32 $0x0;
	[sflag:s21] =	ssyncadd.s32 $0xFFFFC000  }
0x83: {  	[tilespmem:s30], [sflag:$0x3] =	stream.linear.gather [hbm4b:s12+s30], $0x1400, $0x38;
	[tilespmem:$0x1E400] =	vst v63  }
0x84: {  	_ =	swait.ge [sflag:s16], $0x1400  }
0x85: {  	[sflag:s16] =	ssyncset.done $0x0  }
0x86: {  	[sflag:s16] =	ssyncadd.s32 $0xFFFFEC00  }
0x87: {  	[tilespmem:s17], [sflag:$0x3] =	stream.linear.gather [hbm4b:s13+s30], $0x1400, $0x38;
	[tilespmem:$0x1E400] =	vst v63  }
0x88: {  	_ =	swait.ge [sflag:s16], $0x1400  }
0x89: {  	[sflag:s16] =	ssyncset.done $0x0  }
0x8a: {  	[sflag:s16] =	ssyncadd.s32 $0xFFFFEC00  }
0x8b: {  	[tilespmem:s15], [sflag:$0x1] =	stream.indirect.gather [hbm4b:s1+s18], $0x80, s30, s18, $0xb8;
	[tilespmem:$0x1E400] =	vst v63  }
0x8c: {  	s31 =	simm.s32 $0x80  }
0x8d: {  	[tilespmem:s19], [sflag:$0x2] =	stream.indirect.gather [hbm4b:s1+s18], $0x80, s31, s18, $0xb8;
	[tilespmem:$0x1E400] =	vst v63  }
0x8e: {  	_ =	swait.ge [sflag:s20], $0x4000  }
0x8f: {  	[sflag:s20] =	ssyncset.done $0x0  }
0x90: {  	s29 =	simm.s32 $0x1400;
	[sflag:s20] =	ssyncadd.s32 $0xFFFFC000  }
0x91: {  	[spmem:s2] =	stream.indirect.scatter.add.f32 [tilespmem:s15], [sflag:$0x1], $0x80, s29, s18, $0xb8;
	[tilespmem:$0x1E400] =	vst v63  }
0x92: {  	_ =	swait.ge [sflag:s20], $0x4000  }
0x93: {  	[sflag:s20] =	ssyncset.done $0x0  }
0x94: {  	s30 =	simm.s32 $0x100;
	[sflag:s20] =	ssyncadd.s32 $0xFFFFC000  }
0x95: {  	[tilespmem:s15], [sflag:$0x1] =	stream.indirect.gather [hbm4b:s1+s18], $0x80, s30, s18, $0xb8;
	[tilespmem:$0x1E400] =	vst v63  }
0x96: {  	_ =	swait.ge [sflag:s21], $0x4000  }
0x97: {  	[sflag:s21] =	ssyncset.done $0x0  }
0x98: {  	s31 =	simm.s32 $0x1480;
	[sflag:s21] =	ssyncadd.s32 $0xFFFFC000  }
0x99: {  	[spmem:s2] =	stream.indirect.scatter.add.f32 [tilespmem:s19], [sflag:$0x2], $0x80, s31, s18, $0xb8;
	[tilespmem:$0x1E400] =	vst v63  }
0x9a: {  	_ =	swait.ge [sflag:s21], $0x4000  }
0x9b: {  	s26 =	simm.s32 $0x100;
	s28 =	simm.s32 $0x800;
	[sflag:s21] =	ssyncset.done $0x0  }
.LBB2_6:
0x9c: {  	s29 =	sadd.s32 $0x80, s26  }
0x9d: {  	[sflag:s21] =	ssyncadd.s32 $0xFFFFC000;
	s30 =	smov.u32 s28;
	s31 =	sadd.s32 $0x400, s28  }
0x9e: {  	[tilespmem:s19], [sflag:$0x2] =	stream.indirect.gather [hbm4b:s1+s18], $0x80, s29, s18, $0xb8;
	[tilespmem:$0x1E400] =	vst v63  }
0x9f: {  	p0 =	sne.s32 s28, $0x4800;
	_ =	swait.ge [sflag:s20], $0x4000  }
0xa0: {  	[sflag:s20] =	ssyncset.done $0x0  }
0xa1: {  	s28 =	sadd.s32 $0x1400, s26;
	[sflag:s20] =	ssyncadd.s32 $0xFFFFC000  }
0xa2: {  	[spmem:s2] =	stream.indirect.scatter.add.f32 [tilespmem:s15], [sflag:$0x1], $0x80, s28, s18, $0xb8;
	[tilespmem:$0x1E400] =	vst v63  }
0xa3: {  	_ =	swait.ge [sflag:s20], $0x4000  }
0xa4: {  	[sflag:s20] =	ssyncset.done $0x0  }
0xa5: {  	s28 =	sadd.s32 $0x100, s26;
	[sflag:s20] =	ssyncadd.s32 $0xFFFFC000  }
0xa6: {  	[tilespmem:s15], [sflag:$0x1] =	stream.indirect.gather [hbm4b:s1+s18], $0x80, s28, s18, $0xb8;
	[tilespmem:$0x1E400] =	vst v63  }
0xa7: {  	_ =	swait.ge [sflag:s21], $0x4000  }
.Ltmp2:
0xa8: {  	[sflag:s21] =	ssyncset.done $0x0;
	(pc) =	sbr.rel @p0 .LBB2_6-.Ltmp2, $4  }
0xa9: {  	s26 =	sadd.s32 $0x1480, s26;
	[sflag:s21] =	ssyncadd.s32 $0xFFFFC000  }
0xaa: {  	[spmem:s2] =	stream.indirect.scatter.add.f32 [tilespmem:s19], [sflag:$0x2], $0x80, s26, s18, $0xb8;
	[tilespmem:$0x1E400] =	vst v63  }
0xab: {  	_ =	swait.ge [sflag:s21], $0x4000  }
0xac: {  	s28 =	smov.u32 s31;
	s26 =	sshra.s32 s30, $0x2;
	[sflag:s21] =	ssyncset.done $0x0  }
0xad: {  	s28 =	sadd.s32 $0x80, s26;
	[sflag:s21] =	ssyncadd.s32 $0xFFFFC000  }
0xae: {  	[tilespmem:s19], [sflag:$0x2] =	stream.indirect.gather [hbm4b:s1+s18], $0x80, s28, s18, $0xb8;
	[tilespmem:$0x1E400] =	vst v63  }
0xaf: {  	_ =	swait.ge [sflag:s20], $0x4000  }
0xb0: {  	[sflag:s20] =	ssyncset.done $0x0  }
0xb1: {  	s30 =	sadd.s32 $0x1400, s26;
	[sflag:s20] =	ssyncadd.s32 $0xFFFFC000  }
0xb2: {  	[spmem:s2] =	stream.indirect.scatter.add.f32 [tilespmem:s15], [sflag:$0x1], $0x80, s30, s18, $0xb8;
	[tilespmem:$0x1E400] =	vst v63  }
0xb3: {  	_ =	swait.ge [sflag:s20], $0x4000  }
0xb4: {  	[sflag:s20] =	ssyncset.done $0x0  }
0xb5: {  	s31 =	sadd.s32 $0x100, s26;
	[sflag:s20] =	ssyncadd.s32 $0xFFFFC000  }
0xb6: {  	[tilespmem:s15], [sflag:$0x1] =	stream.indirect.gather [hbm4b:s1+s18], $0x80, s31, s18, $0xb8;
	[tilespmem:$0x1E400] =	vst v63  }
0xb7: {  	_ =	swait.ge [sflag:s21], $0x4000  }
0xb8: {  	[sflag:s21] =	ssyncset.done $0x0  }
0xb9: {  	s29 =	sadd.s32 $0x1480, s26;
	[sflag:s21] =	ssyncadd.s32 $0xFFFFC000  }
0xba: {  	[spmem:s2] =	stream.indirect.scatter.add.f32 [tilespmem:s19], [sflag:$0x2], $0x80, s29, s18, $0xb8;
	[tilespmem:$0x1E400] =	vst v63  }
0xbb: {  	_ =	swait.ge [sflag:s21], $0x4000  }
0xbc: {  	[sflag:s21] =	ssyncset.done $0x0  }
0xbd: {  	[sflag:s21] =	ssyncadd.s32 $0xFFFFC000  }
0xbe: {  	[tilespmem:s19], [sflag:$0x2] =	stream.indirect.gather [hbm4b:s1+s18], $0x80, s22, s18, $0xb8;
	[tilespmem:$0x1E400] =	vst v63  }
0xbf: {  	_ =	swait.ge [sflag:s20], $0x4000  }
0xc0: {  	[sflag:s20] =	ssyncset.done $0x0  }
0xc1: {  	[sflag:s20] =	ssyncadd.s32 $0xFFFFC000  }
0xc2: {  	[spmem:s2] =	stream.indirect.scatter.add.f32 [tilespmem:s15], [sflag:$0x1], $0x80, s23, s18, $0xb8;
	[tilespmem:$0x1E400] =	vst v63  }
0xc3: {  	_ =	swait.ge [sflag:s20], $0x4000  }
0xc4: {  	[sflag:s20] =	ssyncset.done $0x0  }
0xc5: {  	[sflag:s20] =	ssyncadd.s32 $0xFFFFC000  }
0xc6: {  	_ =	swait.ge [sflag:s21], $0x4000  }
0xc7: {  	[sflag:s21] =	ssyncset.done $0x0  }
0xc8: {  	[sflag:s21] =	ssyncadd.s32 $0xFFFFC000  }
0xc9: {  	[spmem:s2] =	stream.indirect.scatter.add.f32 [tilespmem:s19], [sflag:$0x2], $0x80, s25, s18, $0xb8;
	[tilespmem:$0x1E400] =	vst v63  }
0xca: {  	_ =	swait.ge [sflag:s21], $0x4000  }
0xcb: {  	s4 =	sadd.s32 $0x1, s4;
	s30 =	sshll.u32 s3, $0x6;
	[sflag:s21] =	ssyncset.done $0x0  }
0xcc: {  	p0 =	sne.s32 s4, s14;
	s26 =	sor.u32 $0x1C03, s30;
	[sflag:s21] =	ssyncadd.s32 $0xFFFFC000  }
.Ltmp3:
0xcd: {  	s31 =	sshrl.u32 s5, $0x3;
	[bflag:$0x0] =	sbarrier.arrive $0xFFFF;
	(pc) =	sbr.rel @p0 .LBB2_1-.Ltmp3, $4  }
0xce: {  	[hbm:s24], [sflag:s26] =	dma.local [spmem:s31], $0x2780  }
0xcf: {  	_ =	swait.ge [sflag:s16], $0x2780  }
0xd0: {  	[sflag:s16] =	ssyncset.done $0x0  }
0xd1: {  	[sflag:s16] =	ssyncadd.s32 $0xFFFFD880  }
0xd2: {  	_ =	sfence.sel $0x180000  }
0xd3: {  	[bflag:$0x0] =	sbarrier.arrive $0xFFFF  }
0xd4: {  	p0 =	sne.s32 s3, $0x0;
	_ =	strace $0x90000047  }
0xd5: {  	s0 =	sadd.s32 @!p0 $0x100000, s0;
	[bflag:$0x2] =	sbarrier.arrive $0xFFFF  }
0xd6: {  	[sflag:s0] =	ssyncadd.tile.s32 @!p0 $0x1;
	_ =	shalt  }
.Lfunc_end2:
_tile_overlayer_lowered:
.L_overlay_start_2:
0xd7: {  	(tag) =	ssettag $0x2  }
0xd8: {  	s0 =	rddreg [dreg:$0x0];
	s2 =	stileid.u32  }
0xd9: {  	s1 =	rddreg [dreg:$0x1];
	p0 =	sne.s32 s2, $0x0  }
0xda: {  	s3 =	rddreg [dreg:$0x2];
	[bflag:$0x3] =	sbarrier.arrive $0xFFFF;
	s2 =	simm.s32 @!p0 $0x1C03  }
0xdb: {  	[timem:s3], [sflag:s2] =	dma.local @!p0 [hbm:s0], s1  }
0xdc: {  	s0 =	simm.s32 @!p0 $0x3  }
0xdd: {  	_ =	swait.ge @!p0 [sflag:s0], s1  }
0xde: {  	s1 =	ssub.s32 @!p0 $0x0, s1;
	[sflag:s0] =	ssyncset.done @!p0 $0x0  }
0xdf: {  	[sflag:s0] =	ssyncadd.s32 @!p0 s1  }
0xe0: {  	[bflag:$0x3] =	sbarrier.arrive $0xFFFF  }
0xe1: {  	_ =	shalt  }

// kernel: kernel.13.cloned.1.call-start
scs
__scs_entry_jumppad:
0x0: {  	(pc) =	sbr.rel $0x88, $3  }
0x1: {  	(tag) =	ssettag $0x0;
	lr =	simm.s32 $0x1  }
0x2: {  	[smem:$0x3F97] =	sst lr;
	_ =	strace $0xD0000000  }
0x3: {  	_ = 	snop  }
0x4: {  	_ = 	snop  }
0x5: {  	_ = 	snop  }
0x6: {  	_ = 	snop  }
0x7: {  	_ = 	snop  }
__scs_overlays_trampoline_lowered:
0x8: {  	[smem:$0x3FA6] =	sst s0  }
0x9: {  	[smem:$0x3FA7] =	sst s1  }
0xa: {  	[smem:$0x3FA8] =	sst s2  }
0xb: {  	[smem:$0x3FA9] =	sst s3  }
0xc: {  	[smem:$0x3FAA] =	sst s4  }
0xd: {  	[smem:$0x3FAB] =	sst s5  }
0xe: {  	[smem:$0x3FAC] =	sst s6  }
0xf: {  	[smem:$0x3FAD] =	sst s7  }
0x10: {  	[smem:$0x3FAE] =	sst s8  }
0x11: {  	[smem:$0x3FAF] =	sst s9;
	s0 =	simm.s32 @!p0 $0x0  }
0x12: {  	s1 =	sld [smem:$0x3F95];
	s0 =	simm.s32 @p0 $0x1  }
0x13: {  	[smem:$0x3FB0] =	sst s0;
	s0 =	simm.s32 @!p1 $0x0  }
0x14: {  	s2 =	sld [smem:$0x3F94];
	s0 =	simm.s32 @p1 $0x1  }
0x15: {  	[smem:$0x3FB1] =	sst s0;
	s0 =	simm.s32 @!p2 $0x0  }
0x16: {  	s3 =	sld [smem:$0x3FDB];
	s0 =	simm.s32 @p2 $0x1  }
0x17: {  	s4 =	simm.s32 $0x1BF5;
	[smem:$0x3FB3] =	sst s0  }
0x18: {  	s0 =	sld [smem:$0x3F96];
	_ =	swait.ge [sflag:s4], $0x0  }
0x19: {  	s7 =	sld [smem:$0x3F97]  }
0x1a: {  	s8 =	sadd.s32 $0xFFFFE003, lr  }
0x1b: {  	s9 =	sadd.s32 $0xFFFFFEF7, lr;
	s5 =	simm.s32 $0xFFFFFFFF;
	p2 =	slt.u32 s8, $0xFFFFF086  }
0x1c: {  	p1 =	slt.u32 s9, $0xF7A;
	s5 =	simm.s32 @!p2 $0x0  }
0x1d: {  	s5 =	simm.s32 @p1 $0x1;
	p0 =	seq.s32 s7, s2  }
0x1e: {  	s7 =	smul.u32 @!p0 $0xF7A, s2;
	p2 =	seq.s32 @!p0 s5, $0x0  }
0x1f: {  	s9 =	smul.u32 $0xF7A, s1;
	s8 =	simm.s32 @!p0 $0x1BF5;
	p2 =	por !p2, p0  }
0x20: {  	[sflag:s8] =	ssyncset.s32 @!p0 $0xFFFFF086;
	s6 =	sadd.s32 @!p0 s3, s7;
	s7 =	simm.s32 @!p0 $0x108  }
0x21: {  	s3 =	sadd.s32 s3, s9;
	s6 =	sadd.s32 @!p0 $0x88, s6;
	s7 =	simm.s32 @p2 $0x1082  }
0x22: {  	[simem:s7], [sflag:s8] =	dma.local @!p0 [hbm:s6], $0xF7A  }
0x23: {  	s9 =	sor.u32 $0xD0000000, s2;
	s6 =	simm.s32 $0x108;
	_ =	swait.ge @!p0 [sflag:s8], $0x0  }
0x24: {  	s3 =	sadd.s32 $0x88, s3;
	s6 =	simm.s32 @!p1 $0x1082;
	[sflag:s4] =	ssyncset.s32 $0xFFFFF086  }
0x25: {  	[simem:s6], [sflag:s4] =	dma.local [hbm:s3], $0xF7A  }
0x26: {  	[smem:$0x3F97] =	sst s1;
	(tag) =	ssettag s2;
	_ =	strace s9  }
0x27: {  	s1 =	sld [smem:$0x3FA7]  }
0x28: {  	s2 =	sld [smem:$0x3FA8]  }
0x29: {  	s4 =	sld [smem:$0x3FAA]  }
0x2a: {  	p0 =	seq.s32 s5, $0x0;
	s5 =	sld [smem:$0x3FAB]  }
0x2b: {  	s6 =	sld [smem:$0x3FAC]  }
0x2c: {  	s7 =	sld [smem:$0x3FAD]  }
0x2d: {  	s3 =	simm.s32 $0x108;
	s8 =	sld [smem:$0x3FAE]  }
0x2e: {  	s3 =	simm.s32 @!p0 $0x1082;
	s9 =	sld [smem:$0x3FAF]  }
0x2f: {  	lr =	sadd.s32 s0, s3;
	s0 =	sld [smem:$0x3FA6]  }
0x30: {  	s3 =	sld [smem:$0x3FA9]  }
0x31: {  	[smem:$0x3FB2] =	sst s10  }
0x32: {  	s10 =	sld [smem:$0x3FB0];
	_ =	sdelay $0x3  }
0x33: {  	p0 =	seq.s32 s10, $0x1;
	s10 =	sld [smem:$0x3FB2];
	_ =	sdelay $0x3  }
0x34: {  	[smem:$0x3FB2] =	sst s10  }
0x35: {  	s10 =	sld [smem:$0x3FB1];
	_ =	sdelay $0x3  }
0x36: {  	p1 =	seq.s32 s10, $0x1;
	s10 =	sld [smem:$0x3FB2];
	_ =	sdelay $0x3  }
0x37: {  	[smem:$0x3FB2] =	sst s10  }
0x38: {  	s10 =	sld [smem:$0x3FB3]  }
0x39: {  	_ = 	snop;
	(pc) =	sbr.ind lr, $3  }
0x3a: {  	_ = 	snop  }
0x3b: {  	_ = 	snop  }
0x3c: {  	p2 =	seq.s32 s10, $0x1;
	s10 =	sld [smem:$0x3FB2]  }
0x3d: {  	_ =	shalt  }
0x3e: {  	_ =	shalt  }
0x3f: {  	_ =	shalt  }
0x40: {  	_ =	shalt  }
0x41: {  	_ =	shalt  }
0x42: {  	_ =	shalt  }
0x43: {  	_ =	shalt  }
0x44: {  	_ =	shalt  }
0x45: {  	_ =	shalt  }
0x46: {  	_ =	shalt  }
0x47: {  	_ =	shalt  }
0x48: {  	_ =	shalt  }
0x49: {  	_ =	shalt  }
0x4a: {  	_ =	shalt  }
0x4b: {  	_ =	shalt  }
0x4c: {  	_ =	shalt  }
0x4d: {  	_ =	shalt  }
0x4e: {  	_ =	shalt  }
0x4f: {  	_ =	shalt  }
0x50: {  	_ =	shalt  }
0x51: {  	_ =	shalt  }
0x52: {  	_ =	shalt  }
0x53: {  	_ =	shalt  }
0x54: {  	_ =	shalt  }
0x55: {  	_ =	shalt  }
0x56: {  	_ =	shalt  }
0x57: {  	_ =	shalt  }
0x58: {  	_ =	shalt  }
0x59: {  	_ =	shalt  }
0x5a: {  	_ =	shalt  }
0x5b: {  	_ =	shalt  }
0x5c: {  	_ =	shalt  }
0x5d: {  	_ =	shalt  }
0x5e: {  	_ =	shalt  }
0x5f: {  	_ =	shalt  }
0x60: {  	_ =	shalt  }
0x61: {  	_ =	shalt  }
0x62: {  	_ =	shalt  }
0x63: {  	_ =	shalt  }
0x64: {  	_ =	shalt  }
0x65: {  	_ =	shalt  }
0x66: {  	_ =	shalt  }
0x67: {  	_ =	shalt  }
0x68: {  	_ =	shalt  }
0x69: {  	_ =	shalt  }
0x6a: {  	_ =	shalt  }
0x6b: {  	_ =	shalt  }
0x6c: {  	_ =	shalt  }
0x6d: {  	_ =	shalt  }
0x6e: {  	_ =	shalt  }
0x6f: {  	_ =	shalt  }
0x70: {  	_ =	shalt  }
0x71: {  	_ =	shalt  }
0x72: {  	_ =	shalt  }
0x73: {  	_ =	shalt  }
0x74: {  	_ =	shalt  }
0x75: {  	_ =	shalt  }
0x76: {  	_ =	shalt  }
0x77: {  	_ =	shalt  }
0x78: {  	_ =	shalt  }
0x79: {  	_ =	shalt  }
0x7a: {  	_ =	shalt  }
0x7b: {  	_ =	shalt  }
0x7c: {  	_ =	shalt  }
0x7d: {  	_ =	shalt  }
0x7e: {  	_ =	shalt  }
0x7f: {  	_ =	shalt  }
0x80: {  	_ =	shalt  }
0x81: {  	_ =	shalt  }
0x82: {  	_ =	shalt  }
0x83: {  	_ =	shalt  }
0x84: {  	_ =	shalt  }
0x85: {  	_ =	shalt  }
0x86: {  	_ =	shalt  }
0x87: {  	_ =	shalt  }
.Lfunc_end0:
.L_simem_size_0:
called_computation.2_lowered:
.L_overlay_start_0:
0x88: {  	s2 =	sld [smem:$0x3FD9]  }
0x89: {  	s3 =	sld [smem:$0x3FFE];
	_ =	sdelay $0x1  }
0x8a: {  	s1 =	srdreg.scid  }
0x8b: {  	s0 =	sand.u32 $0x1, s1  }
0x8c: {  	s16 =	sshll.u32 s0, $0xA;
	s2 =	sadd.s32 s3, s2  }
0x8d: {  	s2 =	sadd.s32 s2, s16  }
0x8e: {  	[smem:$0x3FBE] =	sst s2  }
0x8f: {  	_ = 	snop  }
0x90: {  	(tm) =	ssettm $0x1  }
0x91: {  	s17 =	sld [smem:$0x3FFB];
	_ =	sdelay $0x3  }
0x92: {  	_ =	strace s17  }
0x93: {  	s2 =	sld [smem:$0x3FFC];
	_ =	sdelay $0x3  }
0x94: {  	_ =	strace s2  }
0x95: {  	s2 =	sld [smem:$0x3FFD];
	_ =	sdelay $0x3  }
0x96: {  	_ =	strace s2  }
0x97: {  	_ =	strace $0x8FFFFFFF  }
0x98: {  	s18 =	sld [smem:$0x3FDB];
	_ =	sdelay $0x1  }
0x99: {  	s19 =	simm.s32 $_scs_section_size  }
0x9a: {  	s4 =	simm.s32 $_size__tile_overlayer_lowered;
	s5 =	simm.s32 $_tile_overlayer_lowered  }
0x9b: {  	s22 =	simm.s32 $0x1BFF;
	s21 =	sshll.u32 s5, $0x1;
	s2 =	sadd.s32 s19, s18  }
0x9c: {  	s6 =	simm.s32 $0x0;
	s20 =	sshll.u32 s4, $0x1;
	s4 =	sadd.s32 s21, s2  }
0x9d: {  	[timem:s6], [sflag:s22] =	dma.local [hbm:s4], s20  }
0x9e: {  	_ =	swait.ge [sflag:s22], s20  }
0x9f: {  	s3 =	ssub.s32 $0x0, s20;
	[sflag:s22] =	ssyncset.done $0x0  }
0xa0: {  	[sflag:s22] =	ssyncadd.s32 s3;
	_ =	sdelay $0x1  }
0xa1: {  	s23 =	simm.s32 $0x1B8B  }
0xa2: {  	_ =	swait.ge [sflag:s23], $0x1  }
0xa3: {  	[sflag:s23] =	ssyncset.done $0x0  }
0xa4: {  	s25 =	simm.s32 $0x1B8E;
	s24 =	sld [smem:$0x3FFE];
	[sflag:s23] =	ssyncadd.s32 $0xFFFFFFFF  }
0xa5: {  	s26 =	simm.s32 $execute0_lowered;
	[smem:$0x3FD2] =	sst s25  }
0xa6: {  	s4 =	sshll.u32 s26, $0x1;
	_ =	strace $0x8000004C;
	[dreg:$0x1] =	wrdreg $0xFFFFFFFF  }
0xa7: {  	s28 =	simm.s32 $_size_execute0_lowered;
	s2 =	sadd.s32 s2, s4;
	[dreg:$0x0] =	wrdreg $0x0  }
0xa8: {  	s4 =	sshll.u32 s28, $0x1;
	[dreg:$0x2] =	wrdreg s2  }
0xa9: {  	[dreg:$0x3] =	wrdreg s4  }
0xaa: {  	[dreg:$0x4] =	wrdreg $0xC0  }
0xab: {  	_ =	task [dreg:s6], $0x5FFFF  }
0xac: {  	[dreg:$0x1] =	wrdreg $0xFFFFFFFF  }
0xad: {  	[dreg:$0x0] =	wrdreg $0x60  }
0xae: {  	[dreg:$0x2] =	wrdreg s24  }
0xaf: {  	[dreg:$0x3] =	wrdreg $0xA8000  }
0xb0: {  	[dreg:$0x4] =	wrdreg $0x9  }
0xb1: {  	_ =	task.clear_ibuf [dreg:s6], $0x5FFFF;
	_ =	strace $0x9000004C  }
0xb2: {  	s29 =	simm.s32 $0x9;
	_ =	strace $0x8000004E  }
0xb3: {  	_ =	swait.ge [sflag:s29], $0x1  }
0xb4: {  	[sflag:s29] =	ssyncadd.s32 $0xFFFFFFFF  }
0xb5: {  	_ =	strace $0x9000004E  }
0xb6: {  	_ =	sfence  }
0xb7: {  	s30 =	sld [smem:$0x0];
	_ =	sdelay $0x2  }
0xb8: {  	s31 =	sshll.u32 s1, $0xD;
	s1 =	sshrl.u32 s1, $0x2  }
0xb9: {  	s3 =	sand.u32 $0x4000, s31;
	s1 =	sadd.s32 s1, s30  }
0xba: {  	s0 =	sor.u32 s3, s0;
	s1 =	sshll.u32 s1, $0x11  }
0xbb: {  	s0 =	sor.u32 s1, s0  }
0xbc: {  	s0 =	sadd.s32 $0x8F2B, s0  }
0xbd: {  	[sflag:s0] =	ssyncadd.remote.s32 $0x1  }
0xbe: {  	_ =	sfence.sel $0xFFFF  }
0xbf: {  	[dreg:$0x0] =	wrdreg $0xFFFFFFFF;
	(pc) =	sbr.abs _section_cstart, $3  }
0xc0: {  	[dreg:$0x1] =	wrdreg $0xFFFFFFFF  }
0xc1: {  	_ =	task.clear_ibuf [dreg:s6], $0x2FFFF;
	_ =	strace $0x9FFFFFFF  }
0xc2: {  	(tm) =	ssettm $0x7FFFFFFF  }
0xc3: {  	_ =	shalt  }
tec
execute0_lowered:
.L_overlay_start_1:
0x0: {  	(tag) =	ssettag $0x1  }
0x1: {  	s6 =	rddreg [dreg:$0x0]  }
0x2: {  	s1 =	rddreg [dreg:$0x1]  }
0x3: {  	s0 =	rddreg [dreg:$0x2]  }
0x4: {  	s2 =	simm.s32 $0x0;
	s5 =	srdreg.scid;
	s3 =	stileid.u32  }
0x5: {  	s18 =	simm.s32 $0x80;
	s19 =	simm.s32 $0x6800;
	s20 =	simm.s32 $0x1  }
0x6: {  	s21 =	simm.s32 $0x2;
	s22 =	simm.s32 $0x1380;
	s23 =	simm.s32 $0x2700  }
0x7: {  	[smem:$0x7FF] =	sst s2;
	s4 =	sadd.s32 $0x16600, s6;
	s7 =	smul.u32 $0x4F000, s3  }
0x8: {  	s12 =	sadd.s32 $0x2600, s6;
	s5 =	sand.u32 $0x1, s5;
	s25 =	smul.u32 $0x2780, s3  }
0x9: {  	s13 =	sadd.s32 $0xC600, s6;
	_ =	strace $0x8000004D;
	s8 =	smul.u32 $0x27800, s5  }
0xa: {  	s9 =	sshll.u32 s5, $0x4;
	s10 =	ssub.s32 $0x2, s5;
	s29 =	sshrl.u32 s7, $0x2  }
0xb: {  	s9 =	sor.u32 s3, s9;
	s30 =	sshrl.u32 s10, $0x1;
	s5 =	sadd.s32 s29, s1  }
0xc: {  	s11 =	smul.u32 $0x2800, s9;
	s14 =	sadd.s32 s8, s6;
	s15 =	ssub.s32 s10, s30  }
0xd: {  	s16 =	smul.u32 $0x500, s9;
	s6 =	sadd.s32 $0x4000, s5;
	s7 =	sadd.s32 $0x8000, s5  }
0xe: {  	s8 =	sadd.s32 $0xC000, s5;
	s9 =	sadd.s32 $0x10000, s5;
	s24 =	sadd.s32 $0xB4600, s14  }
0xf: {  	s14 =	smax.u32 s15, $0x1;
	s15 =	simm.s32 $0x2800;
	s31 =	sshrl.u32 s11, $0x3  }
0x10: {  	s10 =	sadd.s32 s12, s16;
	s11 =	sadd.s32 s13, s16;
	s16 =	simm.s32 $0x3  }
0x11: {  	s24 =	sadd.s32 s25, s24;
	s25 =	simm.s32 $0x2780;
	s17 =	sadd.s32 $0x280, s31  }
0x12: {  	v0 =	vimm.f32 $0.0e+00;
	s12 =	sadd.s32 s12, s17;
	s13 =	sadd.s32 s13, s17;
	s17 =	simm.s32 $0x1400  }
.LBB2_1:
0x13: {  	s26 =	simm.s32 $0x0;
	s28 =	simm.s32 $0x200  }
.LBB2_2:
0x14: {  	p0 =	sne.s32 s28, $0xFE00;
	[tilespmem:s26+$0x2870] =	vst v0  }
0x15: {  	[tilespmem:s26+$0x2800] =	vst v0  }
0x16: {  	[tilespmem:s26+$0x2810] =	vst v0  }
.Ltmp0:
0x17: {  	[tilespmem:s26+$0x2820] =	vst v0;
	(pc) =	sbr.rel @p0 .LBB2_2-.Ltmp0, $4  }
0x18: {  	[tilespmem:s26+$0x2830] =	vst v0  }
0x19: {  	[tilespmem:s26+$0x2840] =	vst v0  }
0x1a: {  	[tilespmem:s26+$0x2850] =	vst v0  }
0x1b: {  	[tilespmem:s26+$0x2860] =	vst v0;
	s26 =	sshra.s32 s28, $0x2;
	s28 =	sadd.s32 $0x200, s28  }
0x1c: {  	[tilespmem:s26+$0x2870] =	vst v0  }
0x1d: {  	[tilespmem:s26+$0x2800] =	vst v0  }
0x1e: {  	[tilespmem:s26+$0x2810] =	vst v0  }
0x1f: {  	[tilespmem:s26+$0x2820] =	vst v0  }
0x20: {  	[tilespmem:s26+$0x2830] =	vst v0  }
0x21: {  	[tilespmem:s26+$0x2840] =	vst v0  }
0x22: {  	[tilespmem:s26+$0x2850] =	vst v0  }
0x23: {  	[tilespmem:s26+$0x2860] =	vst v0  }
0x24: {  	[spmem:s5] =	stream.linear.scatter [tilespmem:s15], [sflag:$0x3], $0x4000, $0x38;
	[tilespmem:$0x1E400] =	vst v63  }
0x25: {  	_ =	swait.ge [sflag:s16], $0x4000  }
0x26: {  	[sflag:s16] =	ssyncset.done $0x0  }
0x27: {  	[sflag:s16] =	ssyncadd.s32 $0xFFFFC000  }
0x28: {  	[spmem:s6] =	stream.linear.scatter [tilespmem:s15], [sflag:$0x3], $0x4000, $0x38;
	[tilespmem:$0x1E400] =	vst v63  }
0x29: {  	_ =	swait.ge [sflag:s16], $0x4000  }
0x2a: {  	[sflag:s16] =	ssyncset.done $0x0  }
0x2b: {  	[sflag:s16] =	ssyncadd.s32 $0xFFFFC000  }
0x2c: {  	[spmem:s7] =	stream.linear.scatter [tilespmem:s15], [sflag:$0x3], $0x4000, $0x38;
	[tilespmem:$0x1E400] =	vst v63  }
0x2d: {  	_ =	swait.ge [sflag:s16], $0x4000  }
0x2e: {  	[sflag:s16] =	ssyncset.done $0x0  }
0x2f: {  	[sflag:s16] =	ssyncadd.s32 $0xFFFFC000  }
0x30: {  	[spmem:s8] =	stream.linear.scatter [tilespmem:s15], [sflag:$0x3], $0x4000, $0x38;
	[tilespmem:$0x1E400] =	vst v63  }
0x31: {  	_ =	swait.ge [sflag:s16], $0x4000  }
0x32: {  	[sflag:s16] =	ssyncset.done $0x0  }
0x33: {  	[sflag:s16] =	ssyncadd.s32 $0xFFFFC000  }
0x34: {  	[spmem:s9] =	stream.linear.scatter [tilespmem:s15], [sflag:$0x3], $0x3C00, $0x38;
	[tilespmem:$0x1E400] =	vst v63  }
0x35: {  	_ =	swait.ge [sflag:s16], $0x3C00  }
0x36: {  	[sflag:s16] =	ssyncset.done $0x0  }
0x37: {  	[sflag:s16] =	ssyncadd.s32 $0xFFFFC400  }
0x38: {  	s30 =	simm.s32 $0x0;
	[bflag:$0x0] =	sbarrier.arrive $0xFFFF  }
0x39: {  	[tilespmem:s30], [sflag:$0x3] =	stream.linear.gather [hbm4b:s10+s30], $0x1400, $0x38;
	[tilespmem:$0x1E400] =	vst v63  }
0x3a: {  	_ =	swait.ge [sflag:s16], $0x1400  }
0x3b: {  	[sflag:s16] =	ssyncset.done $0x0  }
0x3c: {  	[sflag:s16] =	ssyncadd.s32 $0xFFFFEC00  }
0x3d: {  	[tilespmem:s17], [sflag:$0x3] =	stream.linear.gather [hbm4b:s11+s30], $0x1400, $0x38;
	[tilespmem:$0x1E400] =	vst v63  }
0x3e: {  	_ =	swait.ge [sflag:s16], $0x1400  }
0x3f: {  	[sflag:s16] =	ssyncset.done $0x0  }
0x40: {  	[sflag:s16] =	ssyncadd.s32 $0xFFFFEC00  }
0x41: {  	[tilespmem:s15], [sflag:$0x1] =	stream.indirect.gather [hbm4b:s4+s18], $0x80, s30, s18, $0xb8;
	[tilespmem:$0x1E400] =	vst v63  }
0x42: {  	s31 =	simm.s32 $0x80  }
0x43: {  	[tilespmem:s19], [sflag:$0x2] =	stream.indirect.gather [hbm4b:s4+s18], $0x80, s31, s18, $0xb8;
	[tilespmem:$0x1E400] =	vst v63  }
0x44: {  	_ =	swait.ge [sflag:s20], $0x4000  }
0x45: {  	[sflag:s20] =	ssyncset.done $0x0  }
0x46: {  	s29 =	simm.s32 $0x1400;
	[sflag:s20] =	ssyncadd.s32 $0xFFFFC000  }
0x47: {  	[spmem:s1] =	stream.indirect.scatter.add.f32 [tilespmem:s15], [sflag:$0x1], $0x80, s29, s18, $0xb8;
	[tilespmem:$0x1E400] =	vst v63  }
0x48: {  	_ =	swait.ge [sflag:s20], $0x4000  }
0x49: {  	[sflag:s20] =	ssyncset.done $0x0  }
0x4a: {  	s30 =	simm.s32 $0x100;
	[sflag:s20] =	ssyncadd.s32 $0xFFFFC000  }
0x4b: {  	[tilespmem:s15], [sflag:$0x1] =	stream.indirect.gather [hbm4b:s4+s18], $0x80, s30, s18, $0xb8;
	[tilespmem:$0x1E400] =	vst v63  }
0x4c: {  	_ =	swait.ge [sflag:s21], $0x4000  }
0x4d: {  	[sflag:s21] =	ssyncset.done $0x0  }
0x4e: {  	s31 =	simm.s32 $0x1480;
	[sflag:s21] =	ssyncadd.s32 $0xFFFFC000  }
0x4f: {  	[spmem:s1] =	stream.indirect.scatter.add.f32 [tilespmem:s19], [sflag:$0x2], $0x80, s31, s18, $0xb8;
	[tilespmem:$0x1E400] =	vst v63  }
0x50: {  	_ =	swait.ge [sflag:s21], $0x4000  }
0x51: {  	s28 =	simm.s32 $0x800;
	s26 =	simm.s32 $0x100;
	[sflag:s21] =	ssyncset.done $0x0  }
.LBB2_4:
0x52: {  	s29 =	sadd.s32 $0x80, s26  }
0x53: {  	[sflag:s21] =	ssyncadd.s32 $0xFFFFC000;
	s30 =	smov.u32 s28;
	s31 =	sadd.s32 $0x400, s28  }
0x54: {  	[tilespmem:s19], [sflag:$0x2] =	stream.indirect.gather [hbm4b:s4+s18], $0x80, s29, s18, $0xb8;
	[tilespmem:$0x1E400] =	vst v63  }
0x55: {  	p0 =	sne.s32 s28, $0x4800;
	_ =	swait.ge [sflag:s20], $0x4000  }
0x56: {  	[sflag:s20] =	ssyncset.done $0x0  }
0x57: {  	s28 =	sadd.s32 $0x1400, s26;
	[sflag:s20] =	ssyncadd.s32 $0xFFFFC000  }
0x58: {  	[spmem:s1] =	stream.indirect.scatter.add.f32 [tilespmem:s15], [sflag:$0x1], $0x80, s28, s18, $0xb8;
	[tilespmem:$0x1E400] =	vst v63  }
0x59: {  	_ =	swait.ge [sflag:s20], $0x4000  }
0x5a: {  	[sflag:s20] =	ssyncset.done $0x0  }
0x5b: {  	s28 =	sadd.s32 $0x100, s26;
	[sflag:s20] =	ssyncadd.s32 $0xFFFFC000  }
0x5c: {  	[tilespmem:s15], [sflag:$0x1] =	stream.indirect.gather [hbm4b:s4+s18], $0x80, s28, s18, $0xb8;
	[tilespmem:$0x1E400] =	vst v63  }
0x5d: {  	_ =	swait.ge [sflag:s21], $0x4000  }
.Ltmp1:
0x5e: {  	[sflag:s21] =	ssyncset.done $0x0;
	(pc) =	sbr.rel @p0 .LBB2_4-.Ltmp1, $4  }
0x5f: {  	s26 =	sadd.s32 $0x1480, s26;
	[sflag:s21] =	ssyncadd.s32 $0xFFFFC000  }
0x60: {  	[spmem:s1] =	stream.indirect.scatter.add.f32 [tilespmem:s19], [sflag:$0x2], $0x80, s26, s18, $0xb8;
	[tilespmem:$0x1E400] =	vst v63  }
0x61: {  	_ =	swait.ge [sflag:s21], $0x4000  }
0x62: {  	s28 =	smov.u32 s31;
	s26 =	sshra.s32 s30, $0x2;
	[sflag:s21] =	ssyncset.done $0x0  }
0x63: {  	s28 =	sadd.s32 $0x80, s26;
	[sflag:s21] =	ssyncadd.s32 $0xFFFFC000  }
0x64: {  	[tilespmem:s19], [sflag:$0x2] =	stream.indirect.gather [hbm4b:s4+s18], $0x80, s28, s18, $0xb8;
	[tilespmem:$0x1E400] =	vst v63  }
0x65: {  	_ =	swait.ge [sflag:s20], $0x4000  }
0x66: {  	[sflag:s20] =	ssyncset.done $0x0  }
0x67: {  	s28 =	sadd.s32 $0x1400, s26;
	[sflag:s20] =	ssyncadd.s32 $0xFFFFC000  }
0x68: {  	[spmem:s1] =	stream.indirect.scatter.add.f32 [tilespmem:s15], [sflag:$0x1], $0x80, s28, s18, $0xb8;
	[tilespmem:$0x1E400] =	vst v63  }
0x69: {  	_ =	swait.ge [sflag:s20], $0x4000  }
0x6a: {  	[sflag:s20] =	ssyncset.done $0x0  }
0x6b: {  	s28 =	sadd.s32 $0x100, s26;
	[sflag:s20] =	ssyncadd.s32 $0xFFFFC000  }
0x6c: {  	[tilespmem:s15], [sflag:$0x1] =	stream.indirect.gather [hbm4b:s4+s18], $0x80, s28, s18, $0xb8;
	[tilespmem:$0x1E400] =	vst v63  }
0x6d: {  	_ =	swait.ge [sflag:s21], $0x4000  }
0x6e: {  	[sflag:s21] =	ssyncset.done $0x0  }
0x6f: {  	s29 =	sadd.s32 $0x1480, s26;
	[sflag:s21] =	ssyncadd.s32 $0xFFFFC000  }
0x70: {  	[spmem:s1] =	stream.indirect.scatter.add.f32 [tilespmem:s19], [sflag:$0x2], $0x80, s29, s18, $0xb8;
	[tilespmem:$0x1E400] =	vst v63  }
0x71: {  	_ =	swait.ge [sflag:s21], $0x4000  }
0x72: {  	[sflag:s21] =	ssyncset.done $0x0  }
0x73: {  	[sflag:s21] =	ssyncadd.s32 $0xFFFFC000  }
0x74: {  	[tilespmem:s19], [sflag:$0x2] =	stream.indirect.gather [hbm4b:s4+s18], $0x80, s22, s18, $0xb8;
	[tilespmem:$0x1E400] =	vst v63  }
0x75: {  	_ =	swait.ge [sflag:s20], $0x4000  }
0x76: {  	[sflag:s20] =	ssyncset.done $0x0  }
0x77: {  	[sflag:s20] =	ssyncadd.s32 $0xFFFFC000  }
0x78: {  	[spmem:s1] =	stream.indirect.scatter.add.f32 [tilespmem:s15], [sflag:$0x1], $0x80, s23, s18, $0xb8;
	[tilespmem:$0x1E400] =	vst v63  }
0x79: {  	_ =	swait.ge [sflag:s20], $0x4000  }
0x7a: {  	[sflag:s20] =	ssyncset.done $0x0  }
0x7b: {  	[sflag:s20] =	ssyncadd.s32 $0xFFFFC000  }
0x7c: {  	_ =	swait.ge [sflag:s21], $0x4000  }
0x7d: {  	[sflag:s21] =	ssyncset.done $0x0  }
0x7e: {  	[sflag:s21] =	ssyncadd.s32 $0xFFFFC000  }
0x7f: {  	[spmem:s1] =	stream.indirect.scatter.add.f32 [tilespmem:s19], [sflag:$0x2], $0x80, s25, s18, $0xb8;
	[tilespmem:$0x1E400] =	vst v63  }
0x80: {  	_ =	swait.ge [sflag:s21], $0x4000  }
0x81: {  	[sflag:s21] =	ssyncset.done $0x0  }
0x82: {  	s30 =	simm.s32 $0x0;
	[sflag:s21] =	ssyncadd.s32 $0xFFFFC000  }
0x83: {  	[tilespmem:s30], [sflag:$0x3] =	stream.linear.gather [hbm4b:s12+s30], $0x1400, $0x38;
	[tilespmem:$0x1E400] =	vst v63  }
0x84: {  	_ =	swait.ge [sflag:s16], $0x1400  }
0x85: {  	[sflag:s16] =	ssyncset.done $0x0  }
0x86: {  	[sflag:s16] =	ssyncadd.s32 $0xFFFFEC00  }
0x87: {  	[tilespmem:s17], [sflag:$0x3] =	stream.linear.gather [hbm4b:s13+s30], $0x1400, $0x38;
	[tilespmem:$0x1E400] =	vst v63  }
0x88: {  	_ =	swait.ge [sflag:s16], $0x1400  }
0x89: {  	[sflag:s16] =	ssyncset.done $0x0  }
0x8a: {  	[sflag:s16] =	ssyncadd.s32 $0xFFFFEC00  }
0x8b: {  	[tilespmem:s15], [sflag:$0x1] =	stream.indirect.gather [hbm4b:s4+s18], $0x80, s30, s18, $0xb8;
	[tilespmem:$0x1E400] =	vst v63  }
0x8c: {  	s31 =	simm.s32 $0x80  }
0x8d: {  	[tilespmem:s19], [sflag:$0x2] =	stream.indirect.gather [hbm4b:s4+s18], $0x80, s31, s18, $0xb8;
	[tilespmem:$0x1E400] =	vst v63  }
0x8e: {  	_ =	swait.ge [sflag:s20], $0x4000  }
0x8f: {  	[sflag:s20] =	ssyncset.done $0x0  }
0x90: {  	s29 =	simm.s32 $0x1400;
	[sflag:s20] =	ssyncadd.s32 $0xFFFFC000  }
0x91: {  	[spmem:s1] =	stream.indirect.scatter.add.f32 [tilespmem:s15], [sflag:$0x1], $0x80, s29, s18, $0xb8;
	[tilespmem:$0x1E400] =	vst v63  }
0x92: {  	_ =	swait.ge [sflag:s20], $0x4000  }
0x93: {  	[sflag:s20] =	ssyncset.done $0x0  }
0x94: {  	s30 =	simm.s32 $0x100;
	[sflag:s20] =	ssyncadd.s32 $0xFFFFC000  }
0x95: {  	[tilespmem:s15], [sflag:$0x1] =	stream.indirect.gather [hbm4b:s4+s18], $0x80, s30, s18, $0xb8;
	[tilespmem:$0x1E400] =	vst v63  }
0x96: {  	_ =	swait.ge [sflag:s21], $0x4000  }
0x97: {  	[sflag:s21] =	ssyncset.done $0x0  }
0x98: {  	s31 =	simm.s32 $0x1480;
	[sflag:s21] =	ssyncadd.s32 $0xFFFFC000  }
0x99: {  	[spmem:s1] =	stream.indirect.scatter.add.f32 [tilespmem:s19], [sflag:$0x2], $0x80, s31, s18, $0xb8;
	[tilespmem:$0x1E400] =	vst v63  }
0x9a: {  	_ =	swait.ge [sflag:s21], $0x4000  }
0x9b: {  	s26 =	simm.s32 $0x100;
	s28 =	simm.s32 $0x800;
	[sflag:s21] =	ssyncset.done $0x0  }
.LBB2_6:
0x9c: {  	s29 =	sadd.s32 $0x80, s26  }
0x9d: {  	[sflag:s21] =	ssyncadd.s32 $0xFFFFC000;
	s30 =	smov.u32 s28;
	s31 =	sadd.s32 $0x400, s28  }
0x9e: {  	[tilespmem:s19], [sflag:$0x2] =	stream.indirect.gather [hbm4b:s4+s18], $0x80, s29, s18, $0xb8;
	[tilespmem:$0x1E400] =	vst v63  }
0x9f: {  	p0 =	sne.s32 s28, $0x4800;
	_ =	swait.ge [sflag:s20], $0x4000  }
0xa0: {  	[sflag:s20] =	ssyncset.done $0x0  }
0xa1: {  	s28 =	sadd.s32 $0x1400, s26;
	[sflag:s20] =	ssyncadd.s32 $0xFFFFC000  }
0xa2: {  	[spmem:s1] =	stream.indirect.scatter.add.f32 [tilespmem:s15], [sflag:$0x1], $0x80, s28, s18, $0xb8;
	[tilespmem:$0x1E400] =	vst v63  }
0xa3: {  	_ =	swait.ge [sflag:s20], $0x4000  }
0xa4: {  	[sflag:s20] =	ssyncset.done $0x0  }
0xa5: {  	s28 =	sadd.s32 $0x100, s26;
	[sflag:s20] =	ssyncadd.s32 $0xFFFFC000  }
0xa6: {  	[tilespmem:s15], [sflag:$0x1] =	stream.indirect.gather [hbm4b:s4+s18], $0x80, s28, s18, $0xb8;
	[tilespmem:$0x1E400] =	vst v63  }
0xa7: {  	_ =	swait.ge [sflag:s21], $0x4000  }
.Ltmp2:
0xa8: {  	[sflag:s21] =	ssyncset.done $0x0;
	(pc) =	sbr.rel @p0 .LBB2_6-.Ltmp2, $4  }
0xa9: {  	s26 =	sadd.s32 $0x1480, s26;
	[sflag:s21] =	ssyncadd.s32 $0xFFFFC000  }
0xaa: {  	[spmem:s1] =	stream.indirect.scatter.add.f32 [tilespmem:s19], [sflag:$0x2], $0x80, s26, s18, $0xb8;
	[tilespmem:$0x1E400] =	vst v63  }
0xab: {  	_ =	swait.ge [sflag:s21], $0x4000  }
0xac: {  	s28 =	smov.u32 s31;
	s26 =	sshra.s32 s30, $0x2;
	[sflag:s21] =	ssyncset.done $0x0  }
0xad: {  	s28 =	sadd.s32 $0x80, s26;
	[sflag:s21] =	ssyncadd.s32 $0xFFFFC000  }
0xae: {  	[tilespmem:s19], [sflag:$0x2] =	stream.indirect.gather [hbm4b:s4+s18], $0x80, s28, s18, $0xb8;
	[tilespmem:$0x1E400] =	vst v63  }
0xaf: {  	_ =	swait.ge [sflag:s20], $0x4000  }
0xb0: {  	[sflag:s20] =	ssyncset.done $0x0  }
0xb1: {  	s30 =	sadd.s32 $0x1400, s26;
	[sflag:s20] =	ssyncadd.s32 $0xFFFFC000  }
0xb2: {  	[spmem:s1] =	stream.indirect.scatter.add.f32 [tilespmem:s15], [sflag:$0x1], $0x80, s30, s18, $0xb8;
	[tilespmem:$0x1E400] =	vst v63  }
0xb3: {  	_ =	swait.ge [sflag:s20], $0x4000  }
0xb4: {  	[sflag:s20] =	ssyncset.done $0x0  }
0xb5: {  	s31 =	sadd.s32 $0x100, s26;
	[sflag:s20] =	ssyncadd.s32 $0xFFFFC000  }
0xb6: {  	[tilespmem:s15], [sflag:$0x1] =	stream.indirect.gather [hbm4b:s4+s18], $0x80, s31, s18, $0xb8;
	[tilespmem:$0x1E400] =	vst v63  }
0xb7: {  	_ =	swait.ge [sflag:s21], $0x4000  }
0xb8: {  	[sflag:s21] =	ssyncset.done $0x0  }
0xb9: {  	s29 =	sadd.s32 $0x1480, s26;
	[sflag:s21] =	ssyncadd.s32 $0xFFFFC000  }
0xba: {  	[spmem:s1] =	stream.indirect.scatter.add.f32 [tilespmem:s19], [sflag:$0x2], $0x80, s29, s18, $0xb8;
	[tilespmem:$0x1E400] =	vst v63  }
0xbb: {  	_ =	swait.ge [sflag:s21], $0x4000  }
0xbc: {  	[sflag:s21] =	ssyncset.done $0x0  }
0xbd: {  	[sflag:s21] =	ssyncadd.s32 $0xFFFFC000  }
0xbe: {  	[tilespmem:s19], [sflag:$0x2] =	stream.indirect.gather [hbm4b:s4+s18], $0x80, s22, s18, $0xb8;
	[tilespmem:$0x1E400] =	vst v63  }
0xbf: {  	_ =	swait.ge [sflag:s20], $0x4000  }
0xc0: {  	[sflag:s20] =	ssyncset.done $0x0  }
0xc1: {  	[sflag:s20] =	ssyncadd.s32 $0xFFFFC000  }
0xc2: {  	[spmem:s1] =	stream.indirect.scatter.add.f32 [tilespmem:s15], [sflag:$0x1], $0x80, s23, s18, $0xb8;
	[tilespmem:$0x1E400] =	vst v63  }
0xc3: {  	_ =	swait.ge [sflag:s20], $0x4000  }
0xc4: {  	[sflag:s20] =	ssyncset.done $0x0  }
0xc5: {  	[sflag:s20] =	ssyncadd.s32 $0xFFFFC000  }
0xc6: {  	_ =	swait.ge [sflag:s21], $0x4000  }
0xc7: {  	[sflag:s21] =	ssyncset.done $0x0  }
0xc8: {  	[sflag:s21] =	ssyncadd.s32 $0xFFFFC000  }
0xc9: {  	[spmem:s1] =	stream.indirect.scatter.add.f32 [tilespmem:s19], [sflag:$0x2], $0x80, s25, s18, $0xb8;
	[tilespmem:$0x1E400] =	vst v63  }
0xca: {  	_ =	swait.ge [sflag:s21], $0x4000  }
0xcb: {  	s2 =	sadd.s32 $0x1, s2;
	s30 =	sshll.u32 s3, $0x6;
	[sflag:s21] =	ssyncset.done $0x0  }
0xcc: {  	p0 =	sne.s32 s2, s14;
	s26 =	sor.u32 $0x1C03, s30;
	[sflag:s21] =	ssyncadd.s32 $0xFFFFC000  }
.Ltmp3:
0xcd: {  	s31 =	sshrl.u32 s5, $0x3;
	[bflag:$0x0] =	sbarrier.arrive $0xFFFF;
	(pc) =	sbr.rel @p0 .LBB2_1-.Ltmp3, $4  }
0xce: {  	[hbm:s24], [sflag:s26] =	dma.local [spmem:s31], $0x2780  }
0xcf: {  	_ =	swait.ge [sflag:s16], $0x2780  }
0xd0: {  	[sflag:s16] =	ssyncset.done $0x0  }
0xd1: {  	[sflag:s16] =	ssyncadd.s32 $0xFFFFD880  }
0xd2: {  	_ =	sfence.sel $0x180000  }
0xd3: {  	[bflag:$0x0] =	sbarrier.arrive $0xFFFF  }
0xd4: {  	p0 =	sne.s32 s3, $0x0;
	_ =	strace $0x9000004D  }
0xd5: {  	s0 =	sadd.s32 @!p0 $0x100000, s0;
	[bflag:$0x2] =	sbarrier.arrive $0xFFFF  }
0xd6: {  	[sflag:s0] =	ssyncadd.tile.s32 @!p0 $0x1;
	_ =	shalt  }
.Lfunc_end2:
_tile_overlayer_lowered:
.L_overlay_start_2:
0xd7: {  	(tag) =	ssettag $0x2  }
0xd8: {  	s0 =	rddreg [dreg:$0x0];
	s2 =	stileid.u32  }
0xd9: {  	s1 =	rddreg [dreg:$0x1];
	p0 =	sne.s32 s2, $0x0  }
0xda: {  	s3 =	rddreg [dreg:$0x2];
	[bflag:$0x3] =	sbarrier.arrive $0xFFFF;
	s2 =	simm.s32 @!p0 $0x1C03  }
0xdb: {  	[timem:s3], [sflag:s2] =	dma.local @!p0 [hbm:s0], s1  }
0xdc: {  	s0 =	simm.s32 @!p0 $0x3  }
0xdd: {  	_ =	swait.ge @!p0 [sflag:s0], s1  }
0xde: {  	s1 =	ssub.s32 @!p0 $0x0, s1;
	[sflag:s0] =	ssyncset.done @!p0 $0x0  }
0xdf: {  	[sflag:s0] =	ssyncadd.s32 @!p0 s1  }
0xe0: {  	[bflag:$0x3] =	sbarrier.arrive $0xFFFF  }
0xe1: {  	_ =	shalt  }

// kernel: kernel.7.cloned.1.call-start
scs
__scs_entry_jumppad:
0x0: {  	(pc) =	sbr.rel $0x88, $3  }
0x1: {  	(tag) =	ssettag $0x0;
	lr =	simm.s32 $0x1  }
0x2: {  	[smem:$0x3F97] =	sst lr;
	_ =	strace $0xD0000000  }
0x3: {  	_ = 	snop  }
0x4: {  	_ = 	snop  }
0x5: {  	_ = 	snop  }
0x6: {  	_ = 	snop  }
0x7: {  	_ = 	snop  }
__scs_overlays_trampoline_lowered:
0x8: {  	[smem:$0x3FA6] =	sst s0  }
0x9: {  	[smem:$0x3FA7] =	sst s1  }
0xa: {  	[smem:$0x3FA8] =	sst s2  }
0xb: {  	[smem:$0x3FA9] =	sst s3  }
0xc: {  	[smem:$0x3FAA] =	sst s4  }
0xd: {  	[smem:$0x3FAB] =	sst s5  }
0xe: {  	[smem:$0x3FAC] =	sst s6  }
0xf: {  	[smem:$0x3FAD] =	sst s7  }
0x10: {  	[smem:$0x3FAE] =	sst s8  }
0x11: {  	[smem:$0x3FAF] =	sst s9;
	s0 =	simm.s32 @!p0 $0x0  }
0x12: {  	s1 =	sld [smem:$0x3F95];
	s0 =	simm.s32 @p0 $0x1  }
0x13: {  	[smem:$0x3FB0] =	sst s0;
	s0 =	simm.s32 @!p1 $0x0  }
0x14: {  	s2 =	sld [smem:$0x3F94];
	s0 =	simm.s32 @p1 $0x1  }
0x15: {  	[smem:$0x3FB1] =	sst s0;
	s0 =	simm.s32 @!p2 $0x0  }
0x16: {  	s3 =	sld [smem:$0x3FDB];
	s0 =	simm.s32 @p2 $0x1  }
0x17: {  	s4 =	simm.s32 $0x1BF5;
	[smem:$0x3FB3] =	sst s0  }
0x18: {  	s0 =	sld [smem:$0x3F96];
	_ =	swait.ge [sflag:s4], $0x0  }
0x19: {  	s7 =	sld [smem:$0x3F97]  }
0x1a: {  	s8 =	sadd.s32 $0xFFFFE003, lr  }
0x1b: {  	s9 =	sadd.s32 $0xFFFFFEF7, lr;
	s5 =	simm.s32 $0xFFFFFFFF;
	p2 =	slt.u32 s8, $0xFFFFF086  }
0x1c: {  	p1 =	slt.u32 s9, $0xF7A;
	s5 =	simm.s32 @!p2 $0x0  }
0x1d: {  	s5 =	simm.s32 @p1 $0x1;
	p0 =	seq.s32 s7, s2  }
0x1e: {  	s7 =	smul.u32 @!p0 $0xF7A, s2;
	p2 =	seq.s32 @!p0 s5, $0x0  }
0x1f: {  	s9 =	smul.u32 $0xF7A, s1;
	s8 =	simm.s32 @!p0 $0x1BF5;
	p2 =	por !p2, p0  }
0x20: {  	[sflag:s8] =	ssyncset.s32 @!p0 $0xFFFFF086;
	s6 =	sadd.s32 @!p0 s3, s7;
	s7 =	simm.s32 @!p0 $0x108  }
0x21: {  	s3 =	sadd.s32 s3, s9;
	s6 =	sadd.s32 @!p0 $0x88, s6;
	s7 =	simm.s32 @p2 $0x1082  }
0x22: {  	[simem:s7], [sflag:s8] =	dma.local @!p0 [hbm:s6], $0xF7A  }
0x23: {  	s9 =	sor.u32 $0xD0000000, s2;
	s6 =	simm.s32 $0x108;
	_ =	swait.ge @!p0 [sflag:s8], $0x0  }
0x24: {  	s3 =	sadd.s32 $0x88, s3;
	s6 =	simm.s32 @!p1 $0x1082;
	[sflag:s4] =	ssyncset.s32 $0xFFFFF086  }
0x25: {  	[simem:s6], [sflag:s4] =	dma.local [hbm:s3], $0xF7A  }
0x26: {  	[smem:$0x3F97] =	sst s1;
	(tag) =	ssettag s2;
	_ =	strace s9  }
0x27: {  	s1 =	sld [smem:$0x3FA7]  }
0x28: {  	s2 =	sld [smem:$0x3FA8]  }
0x29: {  	s4 =	sld [smem:$0x3FAA]  }
0x2a: {  	p0 =	seq.s32 s5, $0x0;
	s5 =	sld [smem:$0x3FAB]  }
0x2b: {  	s6 =	sld [smem:$0x3FAC]  }
0x2c: {  	s7 =	sld [smem:$0x3FAD]  }
0x2d: {  	s3 =	simm.s32 $0x108;
	s8 =	sld [smem:$0x3FAE]  }
0x2e: {  	s3 =	simm.s32 @!p0 $0x1082;
	s9 =	sld [smem:$0x3FAF]  }
0x2f: {  	lr =	sadd.s32 s0, s3;
	s0 =	sld [smem:$0x3FA6]  }
0x30: {  	s3 =	sld [smem:$0x3FA9]  }
0x31: {  	[smem:$0x3FB2] =	sst s10  }
0x32: {  	s10 =	sld [smem:$0x3FB0];
	_ =	sdelay $0x3  }
0x33: {  	p0 =	seq.s32 s10, $0x1;
	s10 =	sld [smem:$0x3FB2];
	_ =	sdelay $0x3  }
0x34: {  	[smem:$0x3FB2] =	sst s10  }
0x35: {  	s10 =	sld [smem:$0x3FB1];
	_ =	sdelay $0x3  }
0x36: {  	p1 =	seq.s32 s10, $0x1;
	s10 =	sld [smem:$0x3FB2];
	_ =	sdelay $0x3  }
0x37: {  	[smem:$0x3FB2] =	sst s10  }
0x38: {  	s10 =	sld [smem:$0x3FB3]  }
0x39: {  	_ = 	snop;
	(pc) =	sbr.ind lr, $3  }
0x3a: {  	_ = 	snop  }
0x3b: {  	_ = 	snop  }
0x3c: {  	p2 =	seq.s32 s10, $0x1;
	s10 =	sld [smem:$0x3FB2]  }
0x3d: {  	_ =	shalt  }
0x3e: {  	_ =	shalt  }
0x3f: {  	_ =	shalt  }
0x40: {  	_ =	shalt  }
0x41: {  	_ =	shalt  }
0x42: {  	_ =	shalt  }
0x43: {  	_ =	shalt  }
0x44: {  	_ =	shalt  }
0x45: {  	_ =	shalt  }
0x46: {  	_ =	shalt  }
0x47: {  	_ =	shalt  }
0x48: {  	_ =	shalt  }
0x49: {  	_ =	shalt  }
0x4a: {  	_ =	shalt  }
0x4b: {  	_ =	shalt  }
0x4c: {  	_ =	shalt  }
0x4d: {  	_ =	shalt  }
0x4e: {  	_ =	shalt  }
0x4f: {  	_ =	shalt  }
0x50: {  	_ =	shalt  }
0x51: {  	_ =	shalt  }
0x52: {  	_ =	shalt  }
0x53: {  	_ =	shalt  }
0x54: {  	_ =	shalt  }
0x55: {  	_ =	shalt  }
0x56: {  	_ =	shalt  }
0x57: {  	_ =	shalt  }
0x58: {  	_ =	shalt  }
0x59: {  	_ =	shalt  }
0x5a: {  	_ =	shalt  }
0x5b: {  	_ =	shalt  }
0x5c: {  	_ =	shalt  }
0x5d: {  	_ =	shalt  }
0x5e: {  	_ =	shalt  }
0x5f: {  	_ =	shalt  }
0x60: {  	_ =	shalt  }
0x61: {  	_ =	shalt  }
0x62: {  	_ =	shalt  }
0x63: {  	_ =	shalt  }
0x64: {  	_ =	shalt  }
0x65: {  	_ =	shalt  }
0x66: {  	_ =	shalt  }
0x67: {  	_ =	shalt  }
0x68: {  	_ =	shalt  }
0x69: {  	_ =	shalt  }
0x6a: {  	_ =	shalt  }
0x6b: {  	_ =	shalt  }
0x6c: {  	_ =	shalt  }
0x6d: {  	_ =	shalt  }
0x6e: {  	_ =	shalt  }
0x6f: {  	_ =	shalt  }
0x70: {  	_ =	shalt  }
0x71: {  	_ =	shalt  }
0x72: {  	_ =	shalt  }
0x73: {  	_ =	shalt  }
0x74: {  	_ =	shalt  }
0x75: {  	_ =	shalt  }
0x76: {  	_ =	shalt  }
0x77: {  	_ =	shalt  }
0x78: {  	_ =	shalt  }
0x79: {  	_ =	shalt  }
0x7a: {  	_ =	shalt  }
0x7b: {  	_ =	shalt  }
0x7c: {  	_ =	shalt  }
0x7d: {  	_ =	shalt  }
0x7e: {  	_ =	shalt  }
0x7f: {  	_ =	shalt  }
0x80: {  	_ =	shalt  }
0x81: {  	_ =	shalt  }
0x82: {  	_ =	shalt  }
0x83: {  	_ =	shalt  }
0x84: {  	_ =	shalt  }
0x85: {  	_ =	shalt  }
0x86: {  	_ =	shalt  }
0x87: {  	_ =	shalt  }
.Lfunc_end0:
.L_simem_size_0:
called_computation_lowered:
.L_overlay_start_0:
0x88: {  	s2 =	sld [smem:$0x3FD9]  }
0x89: {  	s3 =	sld [smem:$0x3FFE];
	_ =	sdelay $0x1  }
0x8a: {  	s1 =	srdreg.scid  }
0x8b: {  	s0 =	sand.u32 $0x1, s1  }
0x8c: {  	s17 =	sshll.u32 s0, $0xA;
	s2 =	sadd.s32 s3, s2  }
0x8d: {  	s2 =	sadd.s32 s2, s17  }
0x8e: {  	[smem:$0x3FBE] =	sst s2  }
0x8f: {  	_ = 	snop  }
0x90: {  	(tm) =	ssettm $0x1  }
0x91: {  	s18 =	sld [smem:$0x3FFB];
	_ =	sdelay $0x3  }
0x92: {  	_ =	strace s18  }
0x93: {  	s2 =	sld [smem:$0x3FFC];
	_ =	sdelay $0x3  }
0x94: {  	_ =	strace s2  }
0x95: {  	s2 =	sld [smem:$0x3FFD];
	_ =	sdelay $0x3  }
0x96: {  	_ =	strace s2  }
0x97: {  	_ =	strace $0x8FFFFFFF  }
0x98: {  	s19 =	sld [smem:$0x3FDB];
	_ =	sdelay $0x1  }
0x99: {  	s20 =	simm.s32 $_scs_section_size  }
0x9a: {  	s4 =	simm.s32 $_size__tile_overlayer_lowered;
	s5 =	simm.s32 $_tile_overlayer_lowered  }
0x9b: {  	s6 =	simm.s32 $0x1BFF;
	s21 =	sshll.u32 s5, $0x1;
	s3 =	sadd.s32 s20, s19  }
0x9c: {  	s22 =	simm.s32 $0x0;
	s4 =	sshll.u32 s4, $0x1;
	s5 =	sadd.s32 s21, s3  }
0x9d: {  	[timem:s22], [sflag:s6] =	dma.local [hbm:s5], s4  }
0x9e: {  	_ =	swait.ge [sflag:s6], s4  }
0x9f: {  	s4 =	ssub.s32 $0x0, s4;
	[sflag:s6] =	ssyncset.done $0x0  }
0xa0: {  	[sflag:s6] =	ssyncadd.s32 s4;
	_ =	sdelay $0x1  }
0xa1: {  	s23 =	simm.s32 $0x1B8B  }
0xa2: {  	_ =	swait.ge [sflag:s23], $0x1  }
0xa3: {  	[sflag:s23] =	ssyncset.done $0x0  }
0xa4: {  	[sflag:s23] =	ssyncadd.s32 $0xFFFFFFFF  }
0xa5: {  	s4 =	sld [smem:$0x0]  }
0xa6: {  	s5 =	sand.u32 $0xFFFFFFFE, s1  }
0xa7: {  	p0 =	sne.s32 s1, s5  }
0xa8: {  	s5 =	sshll.u32 @p0 s5, $0xE  }
0xa9: {  	s5 =	sadd.s32 @p0 $0x11B8D, s5;
	s6 =	sshll.u32 @p0 s4, $0x11  }
0xaa: {  	s5 =	sor.u32 @p0 s6, s5  }
0xab: {  	[sflag:s5] =	ssyncadd.remote.s32 @p0 $0x1;
	_ =	sdelay $0x1  }
0xac: {  	s5 =	simm.s32 @p0 $0x1B8D  }
0xad: {  	_ =	swait.eq @p0 [sflag:s5], $0x1  }
0xae: {  	[sflag:s5] =	ssyncadd.s32 @p0 $0xFFFFFFFF  }
0xaf: {  	s6 =	sshll.u32 @!p0 s1, $0xE  }
0xb0: {  	s6 =	sor.u32 @!p0 $0x4000, s6;
	s5 =	simm.s32 @!p0 $0x1B8D  }
0xb1: {  	s4 =	sshll.u32 @!p0 s4, $0x11;
	s6 =	sadd.s32 @!p0 $0x11B8D, s6;
	_ =	swait.eq @!p0 [sflag:s5], $0x1  }
0xb2: {  	s4 =	sor.u32 @!p0 s4, s6;
	[sflag:s5] =	ssyncadd.s32 @!p0 $0xFFFFFFFF  }
0xb3: {  	s25 =	simm.s32 $0x1B8E;
	s24 =	sld [smem:$0x3FFE];
	[sflag:s4] =	ssyncadd.remote.s32 @!p0 $0x1  }
0xb4: {  	s26 =	simm.s32 $execute0_lowered;
	[smem:$0x3FD2] =	sst s25  }
0xb5: {  	s5 =	sshll.u32 s26, $0x1;
	_ =	strace $0x80000049;
	[dreg:$0x1] =	wrdreg $0xFFFFFFFF  }
0xb6: {  	s28 =	simm.s32 $_size_execute0_lowered;
	s3 =	sadd.s32 s3, s5;
	[dreg:$0x0] =	wrdreg $0x0  }
0xb7: {  	s5 =	sshll.u32 s28, $0x1;
	[dreg:$0x2] =	wrdreg s3  }
0xb8: {  	[dreg:$0x3] =	wrdreg s5  }
0xb9: {  	[dreg:$0x4] =	wrdreg $0xC0  }
0xba: {  	_ =	task [dreg:s22], $0x5FFFF  }
0xbb: {  	[dreg:$0x1] =	wrdreg $0xFFFFFFFF  }
0xbc: {  	[dreg:$0x0] =	wrdreg $0x60  }
0xbd: {  	[dreg:$0x2] =	wrdreg s24  }
0xbe: {  	[dreg:$0x3] =	wrdreg $0x94000  }
0xbf: {  	[dreg:$0x4] =	wrdreg $0x9  }
0xc0: {  	_ =	task.clear_ibuf [dreg:s22], $0x5FFFF;
	_ =	strace $0x90000049  }
0xc1: {  	s29 =	simm.s32 $0x9;
	_ =	strace $0x8000004B  }
0xc2: {  	_ =	swait.ge [sflag:s29], $0x1  }
0xc3: {  	[sflag:s29] =	ssyncadd.s32 $0xFFFFFFFF  }
0xc4: {  	_ =	strace $0x9000004B  }
0xc5: {  	_ =	sfence  }
0xc6: {  	s30 =	sld [smem:$0x0];
	_ =	sdelay $0x2  }
0xc7: {  	s31 =	sshll.u32 s1, $0xD;
	s1 =	sshrl.u32 s1, $0x2  }
0xc8: {  	s4 =	sand.u32 $0x4000, s31;
	s1 =	sadd.s32 s1, s30  }
0xc9: {  	s0 =	sor.u32 s4, s0;
	s1 =	sshll.u32 s1, $0x11  }
0xca: {  	s0 =	sor.u32 s1, s0  }
0xcb: {  	s0 =	sadd.s32 $0x8F2B, s0  }
0xcc: {  	[sflag:s0] =	ssyncadd.remote.s32 $0x1  }
0xcd: {  	_ =	sfence.sel $0xFFFF  }
0xce: {  	[dreg:$0x0] =	wrdreg $0xFFFFFFFF;
	(pc) =	sbr.abs _section_cstart, $3  }
0xcf: {  	[dreg:$0x1] =	wrdreg $0xFFFFFFFF  }
0xd0: {  	_ =	task.clear_ibuf [dreg:s22], $0x2FFFF;
	_ =	strace $0x9FFFFFFF  }
0xd1: {  	(tm) =	ssettm $0x7FFFFFFF  }
tec
execute0_lowered:
.L_overlay_start_1:
0x0: {  	(tag) =	ssettag $0x1  }
0x1: {  	s5 =	rddreg [dreg:$0x0]  }
0x2: {  	s1 =	rddreg [dreg:$0x1]  }
0x3: {  	s0 =	rddreg [dreg:$0x2];
	s3 =	simm.s32 $0x0  }
0x4: {  	s4 =	srdreg.scid;
	s2 =	stileid.u32;
	s14 =	simm.s32 $0x80  }
0x5: {  	s15 =	simm.s32 $0x5400;
	s16 =	simm.s32 $0x1;
	s17 =	simm.s32 $0x2  }
0x6: {  	[smem:$0x7FF] =	sst s3;
	s4 =	sand.u32 $0x1, s4;
	s6 =	smul.u32 $0x4F000, s2  }
0x7: {  	s9 =	sadd.s32 $0xC600, s5;
	s19 =	smul.u32 $0x2780, s2;
	_ =	strace $0x8000004A  }
0x8: {  	s7 =	smul.u32 $0x27800, s4;
	s8 =	sshll.u32 s4, $0x4;
	s10 =	ssub.s32 $0x2, s4  }
0x9: {  	s8 =	sor.u32 s2, s8;
	s29 =	sshrl.u32 s6, $0x2;
	s30 =	sshrl.u32 s10, $0x1  }
0xa: {  	s4 =	sadd.s32 s29, s1;
	s11 =	smul.u32 $0x2800, s8;
	s12 =	sadd.s32 s7, s5  }
0xb: {  	s13 =	ssub.s32 s10, s30;
	s31 =	smul.u32 $0x500, s8;
	s5 =	sadd.s32 $0x4000, s4  }
0xc: {  	s6 =	sadd.s32 $0x8000, s4;
	s7 =	sadd.s32 $0xC000, s4;
	s8 =	sadd.s32 $0x10000, s4  }
0xd: {  	s18 =	sadd.s32 $0x65600, s12;
	s12 =	simm.s32 $0x1400;
	s11 =	sshrl.u32 s11, $0x3  }
0xe: {  	s18 =	sadd.s32 s19, s18;
	s11 =	sadd.s32 s9, s11;
	s9 =	sadd.s32 s9, s31  }
0xf: {  	v0 =	vimm.f32 $0.0e+00;
	v1 =	vimm.f32 $1.000000000e+00;
	s10 =	sadd.s32 $0x280, s11;
	s11 =	smax.u32 s13, $0x1;
	s13 =	simm.s32 $0x3  }
.LBB2_1:
0x10: {  	s19 =	simm.s32 $0x0;
	s20 =	simm.s32 $0x200  }
.LBB2_2:
0x11: {  	p0 =	sne.s32 s20, $0xFE00;
	[tilespmem:s19+$0x5470] =	vst v1  }
0x12: {  	[tilespmem:s19+$0x1400] =	vst v0  }
0x13: {  	[tilespmem:s19+$0x5400] =	vst v1  }
0x14: {  	[tilespmem:s19+$0x1410] =	vst v0  }
0x15: {  	[tilespmem:s19+$0x5410] =	vst v1  }
0x16: {  	[tilespmem:s19+$0x1420] =	vst v0  }
0x17: {  	[tilespmem:s19+$0x5420] =	vst v1  }
0x18: {  	[tilespmem:s19+$0x1430] =	vst v0  }
0x19: {  	[tilespmem:s19+$0x5430] =	vst v1  }
0x1a: {  	[tilespmem:s19+$0x1440] =	vst v0  }
0x1b: {  	[tilespmem:s19+$0x5440] =	vst v1  }
.Ltmp0:
0x1c: {  	[tilespmem:s19+$0x1450] =	vst v0;
	(pc) =	sbr.rel @p0 .LBB2_2-.Ltmp0, $4  }
0x1d: {  	[tilespmem:s19+$0x5450] =	vst v1  }
0x1e: {  	[tilespmem:s19+$0x1460] =	vst v0  }
0x1f: {  	[tilespmem:s19+$0x5460] =	vst v1  }
0x20: {  	[tilespmem:s19+$0x1470] =	vst v0;
	s19 =	sshra.s32 s20, $0x2;
	s20 =	sadd.s32 $0x200, s20  }
0x21: {  	[tilespmem:s19+$0x5470] =	vst v1  }
0x22: {  	[tilespmem:s19+$0x1400] =	vst v0  }
0x23: {  	[tilespmem:s19+$0x5400] =	vst v1  }
0x24: {  	[tilespmem:s19+$0x1410] =	vst v0  }
0x25: {  	[tilespmem:s19+$0x5410] =	vst v1  }
0x26: {  	[tilespmem:s19+$0x1420] =	vst v0  }
0x27: {  	[tilespmem:s19+$0x5420] =	vst v1  }
0x28: {  	[tilespmem:s19+$0x1430] =	vst v0  }
0x29: {  	[tilespmem:s19+$0x5430] =	vst v1  }
0x2a: {  	[tilespmem:s19+$0x1440] =	vst v0  }
0x2b: {  	[tilespmem:s19+$0x5440] =	vst v1  }
0x2c: {  	[tilespmem:s19+$0x1450] =	vst v0  }
0x2d: {  	[tilespmem:s19+$0x5450] =	vst v1  }
0x2e: {  	[tilespmem:s19+$0x1460] =	vst v0  }
0x2f: {  	[tilespmem:s19+$0x5460] =	vst v1  }
0x30: {  	[tilespmem:s19+$0x1470] =	vst v0  }
0x31: {  	[spmem:s4] =	stream.linear.scatter [tilespmem:s12], [sflag:$0x3], $0x4000, $0x38;
	[tilespmem:$0x1D000] =	vst v63  }
0x32: {  	_ =	swait.ge [sflag:s13], $0x4000  }
0x33: {  	[sflag:s13] =	ssyncset.done $0x0  }
0x34: {  	[sflag:s13] =	ssyncadd.s32 $0xFFFFC000  }
0x35: {  	[spmem:s5] =	stream.linear.scatter [tilespmem:s12], [sflag:$0x3], $0x4000, $0x38;
	[tilespmem:$0x1D000] =	vst v63  }
0x36: {  	_ =	swait.ge [sflag:s13], $0x4000  }
0x37: {  	[sflag:s13] =	ssyncset.done $0x0  }
0x38: {  	[sflag:s13] =	ssyncadd.s32 $0xFFFFC000  }
0x39: {  	[spmem:s6] =	stream.linear.scatter [tilespmem:s12], [sflag:$0x3], $0x4000, $0x38;
	[tilespmem:$0x1D000] =	vst v63  }
0x3a: {  	_ =	swait.ge [sflag:s13], $0x4000  }
0x3b: {  	[sflag:s13] =	ssyncset.done $0x0  }
0x3c: {  	[sflag:s13] =	ssyncadd.s32 $0xFFFFC000  }
0x3d: {  	[spmem:s7] =	stream.linear.scatter [tilespmem:s12], [sflag:$0x3], $0x4000, $0x38;
	[tilespmem:$0x1D000] =	vst v63  }
0x3e: {  	_ =	swait.ge [sflag:s13], $0x4000  }
0x3f: {  	[sflag:s13] =	ssyncset.done $0x0  }
0x40: {  	[sflag:s13] =	ssyncadd.s32 $0xFFFFC000  }
0x41: {  	[spmem:s8] =	stream.linear.scatter [tilespmem:s12], [sflag:$0x3], $0x3C00, $0x38;
	[tilespmem:$0x1D000] =	vst v63  }
0x42: {  	_ =	swait.ge [sflag:s13], $0x3C00  }
0x43: {  	[sflag:s13] =	ssyncset.done $0x0  }
0x44: {  	[sflag:s13] =	ssyncadd.s32 $0xFFFFC400  }
0x45: {  	s29 =	simm.s32 $0x0;
	[bflag:$0x0] =	sbarrier.arrive $0xFFFF  }
0x46: {  	[tilespmem:s29], [sflag:$0x3] =	stream.linear.gather [hbm4b:s9+s29], $0x1400, $0x38;
	[tilespmem:$0x1D000] =	vst v63  }
0x47: {  	_ =	swait.ge [sflag:s13], $0x1400  }
0x48: {  	[sflag:s13] =	ssyncset.done $0x0  }
0x49: {  	s30 =	simm.s32 $0x0;
	[sflag:s13] =	ssyncadd.s32 $0xFFFFEC00  }
0x4a: {  	[spmem:s1] =	stream.indirect.scatter.add.f32 [tilespmem:s15], [sflag:$0x1], $0x80, s30, s14, $0xb8;
	[tilespmem:$0x1D000] =	vst v63  }
0x4b: {  	s31 =	simm.s32 $0x80  }
0x4c: {  	[spmem:s1] =	stream.indirect.scatter.add.f32 [tilespmem:s15], [sflag:$0x2], $0x80, s31, s14, $0xb8;
	[tilespmem:$0x1D000] =	vst v63  }
0x4d: {  	_ =	swait.ge [sflag:s16], $0x4000  }
0x4e: {  	[sflag:s16] =	ssyncset.done $0x0  }
0x4f: {  	[sflag:s16] =	ssyncadd.s32 $0xFFFFC000  }
0x50: {  	_ =	swait.ge [sflag:s17], $0x4000  }
0x51: {  	s19 =	simm.s32 $0x400;
	s20 =	simm.s32 $0x800;
	[sflag:s17] =	ssyncset.done $0x0  }
.LBB2_4:
0x52: {  	s21 =	sshra.s32 s19, $0x2  }
0x53: {  	[sflag:s17] =	ssyncadd.s32 $0xFFFFC000;
	s19 =	smov.u32 s20;
	s22 =	sadd.s32 $0x400, s20  }
0x54: {  	[spmem:s1] =	stream.indirect.scatter.add.f32 [tilespmem:s15], [sflag:$0x1], $0x80, s21, s14, $0xb8;
	[tilespmem:$0x1D000] =	vst v63  }
0x55: {  	p0 =	sne.s32 s20, $0x4C00;
	s20 =	sadd.s32 $0x80, s21  }
0x56: {  	[spmem:s1] =	stream.indirect.scatter.add.f32 [tilespmem:s15], [sflag:$0x2], $0x80, s20, s14, $0xb8;
	[tilespmem:$0x1D000] =	vst v63  }
.Ltmp1:
0x57: {  	_ =	swait.ge [sflag:s16], $0x4000;
	(pc) =	sbr.rel @p0 .LBB2_4-.Ltmp1, $4  }
0x58: {  	[sflag:s16] =	ssyncset.done $0x0  }
0x59: {  	[sflag:s16] =	ssyncadd.s32 $0xFFFFC000  }
0x5a: {  	_ =	swait.ge [sflag:s17], $0x4000  }
0x5b: {  	s20 =	smov.u32 s22;
	[sflag:s17] =	ssyncset.done $0x0  }
0x5c: {  	s19 =	sshra.s32 s19, $0x2;
	[sflag:s17] =	ssyncadd.s32 $0xFFFFC000  }
0x5d: {  	[spmem:s1] =	stream.indirect.scatter.add.f32 [tilespmem:s15], [sflag:$0x1], $0x80, s19, s14, $0xb8;
	[tilespmem:$0x1D000] =	vst v63  }
0x5e: {  	s19 =	sadd.s32 $0x80, s19  }
0x5f: {  	[spmem:s1] =	stream.indirect.scatter.add.f32 [tilespmem:s15], [sflag:$0x2], $0x80, s19, s14, $0xb8;
	[tilespmem:$0x1D000] =	vst v63  }
0x60: {  	_ =	swait.ge [sflag:s16], $0x4000  }
0x61: {  	[sflag:s16] =	ssyncset.done $0x0  }
0x62: {  	[sflag:s16] =	ssyncadd.s32 $0xFFFFC000  }
0x63: {  	_ =	swait.ge [sflag:s17], $0x4000  }
0x64: {  	[sflag:s17] =	ssyncset.done $0x0  }
0x65: {  	s29 =	simm.s32 $0x0;
	[sflag:s17] =	ssyncadd.s32 $0xFFFFC000  }
0x66: {  	[tilespmem:s29], [sflag:$0x3] =	stream.linear.gather [hbm4b:s10+s29], $0x1400, $0x38;
	[tilespmem:$0x1D000] =	vst v63  }
0x67: {  	_ =	swait.ge [sflag:s13], $0x1400  }
0x68: {  	[sflag:s13] =	ssyncset.done $0x0  }
0x69: {  	s30 =	simm.s32 $0x0;
	[sflag:s13] =	ssyncadd.s32 $0xFFFFEC00  }
0x6a: {  	[spmem:s1] =	stream.indirect.scatter.add.f32 [tilespmem:s15], [sflag:$0x1], $0x80, s30, s14, $0xb8;
	[tilespmem:$0x1D000] =	vst v63  }
0x6b: {  	s31 =	simm.s32 $0x80  }
0x6c: {  	[spmem:s1] =	stream.indirect.scatter.add.f32 [tilespmem:s15], [sflag:$0x2], $0x80, s31, s14, $0xb8;
	[tilespmem:$0x1D000] =	vst v63  }
0x6d: {  	_ =	swait.ge [sflag:s16], $0x4000  }
0x6e: {  	[sflag:s16] =	ssyncset.done $0x0  }
0x6f: {  	[sflag:s16] =	ssyncadd.s32 $0xFFFFC000  }
0x70: {  	_ =	swait.ge [sflag:s17], $0x4000  }
0x71: {  	s20 =	simm.s32 $0x800;
	s19 =	simm.s32 $0x400;
	[sflag:s17] =	ssyncset.done $0x0  }
.LBB2_6:
0x72: {  	s21 =	sshra.s32 s19, $0x2  }
0x73: {  	[sflag:s17] =	ssyncadd.s32 $0xFFFFC000;
	s19 =	smov.u32 s20;
	s22 =	sadd.s32 $0x400, s20  }
0x74: {  	[spmem:s1] =	stream.indirect.scatter.add.f32 [tilespmem:s15], [sflag:$0x1], $0x80, s21, s14, $0xb8;
	[tilespmem:$0x1D000] =	vst v63  }
0x75: {  	p0 =	sne.s32 s20, $0x4C00;
	s20 =	sadd.s32 $0x80, s21  }
0x76: {  	[spmem:s1] =	stream.indirect.scatter.add.f32 [tilespmem:s15], [sflag:$0x2], $0x80, s20, s14, $0xb8;
	[tilespmem:$0x1D000] =	vst v63  }
.Ltmp2:
0x77: {  	_ =	swait.ge [sflag:s16], $0x4000;
	(pc) =	sbr.rel @p0 .LBB2_6-.Ltmp2, $4  }
0x78: {  	[sflag:s16] =	ssyncset.done $0x0  }
0x79: {  	[sflag:s16] =	ssyncadd.s32 $0xFFFFC000  }
0x7a: {  	_ =	swait.ge [sflag:s17], $0x4000  }
0x7b: {  	s20 =	smov.u32 s22;
	[sflag:s17] =	ssyncset.done $0x0  }
0x7c: {  	s19 =	sshra.s32 s19, $0x2;
	[sflag:s17] =	ssyncadd.s32 $0xFFFFC000  }
0x7d: {  	[spmem:s1] =	stream.indirect.scatter.add.f32 [tilespmem:s15], [sflag:$0x1], $0x80, s19, s14, $0xb8;
	[tilespmem:$0x1D000] =	vst v63  }
0x7e: {  	s19 =	sadd.s32 $0x80, s19  }
0x7f: {  	[spmem:s1] =	stream.indirect.scatter.add.f32 [tilespmem:s15], [sflag:$0x2], $0x80, s19, s14, $0xb8;
	[tilespmem:$0x1D000] =	vst v63  }
0x80: {  	_ =	swait.ge [sflag:s16], $0x4000  }
0x81: {  	[sflag:s16] =	ssyncset.done $0x0  }
0x82: {  	[sflag:s16] =	ssyncadd.s32 $0xFFFFC000  }
0x83: {  	_ =	swait.ge [sflag:s17], $0x4000  }
0x84: {  	s31 =	sshll.u32 s2, $0x6;
	s3 =	sadd.s32 $0x1, s3;
	[sflag:s17] =	ssyncset.done $0x0  }
0x85: {  	s20 =	sshrl.u32 s4, $0x3;
	p0 =	sne.s32 s3, s11;
	[sflag:s17] =	ssyncadd.s32 $0xFFFFC000  }
.Ltmp3:
0x86: {  	s19 =	sor.u32 $0x1C03, s31;
	[bflag:$0x0] =	sbarrier.arrive $0xFFFF;
	(pc) =	sbr.rel @p0 .LBB2_1-.Ltmp3, $4  }
0x87: {  	[hbm:s18], [sflag:s19] =	dma.local [spmem:s20], $0x2780  }
0x88: {  	_ =	swait.ge [sflag:s13], $0x2780  }
0x89: {  	[sflag:s13] =	ssyncset.done $0x0  }
0x8a: {  	[sflag:s13] =	ssyncadd.s32 $0xFFFFD880  }
0x8b: {  	_ =	sfence.sel $0x180000  }
0x8c: {  	[bflag:$0x0] =	sbarrier.arrive $0xFFFF  }
0x8d: {  	p0 =	sne.s32 s2, $0x0;
	_ =	strace $0x9000004A  }
0x8e: {  	s0 =	sadd.s32 @!p0 $0x100000, s0;
	[bflag:$0x2] =	sbarrier.arrive $0xFFFF  }
0x8f: {  	[sflag:s0] =	ssyncadd.tile.s32 @!p0 $0x1;
	_ =	shalt  }
.Lfunc_end2:
_tile_overlayer_lowered:
.L_overlay_start_2:
0x90: {  	(tag) =	ssettag $0x2  }
0x91: {  	s0 =	rddreg [dreg:$0x0];
	s2 =	stileid.u32  }
0x92: {  	s1 =	rddreg [dreg:$0x1];
	p0 =	sne.s32 s2, $0x0  }
0x93: {  	s3 =	rddreg [dreg:$0x2];
	[bflag:$0x3] =	sbarrier.arrive $0xFFFF;
	s2 =	simm.s32 @!p0 $0x1C03  }
0x94: {  	[timem:s3], [sflag:s2] =	dma.local @!p0 [hbm:s0], s1  }
0x95: {  	s0 =	simm.s32 @!p0 $0x3  }
0x96: {  	_ =	swait.ge @!p0 [sflag:s0], s1  }
0x97: {  	s1 =	ssub.s32 @!p0 $0x0, s1;
	[sflag:s0] =	ssyncset.done @!p0 $0x0  }
0x98: {  	[sflag:s0] =	ssyncadd.s32 @!p0 s1  }
0x99: {  	[bflag:$0x3] =	sbarrier.arrive $0xFFFF  }
0x9a: {  	_ =	shalt  }

</sc_bundles>
